<compile_context>
chip_gen: v7x
topology: tpu7x:2x2x1
jax: 0.10.2.dev20260603
libtpu: 0.0.44.dev20260713+nightly
codegen_flags: <defaults>
</compile_context>

<pallas_src>
import functools

import jax
import jax.numpy as jnp
from jax import lax
from jax.experimental import pallas as pl
from jax.experimental.pallas import tpu as pltpu
from jax.experimental.pallas import tpu_sc as plsc

DEPTH = 3

NC = 2
NS = 16
NW = NC * NS

CHUNK = 80
ROWCHUNK = 400



def _init_body(ex_ref, t_ref, wi_ref, out_ref):
    binput = lax.dot_general(ex_ref[...], wi_ref[...],
                             (((1,), (1,)), ((), ())),
                             preferred_element_type=jnp.float32)
    out_ref[...] = jnp.maximum(binput, 0.0) + t_ref[...]


def _update_body(m_ref, c_ref, t_ref, ex_ref, wi_ref, wh_ref, out_ref):
    be = c_ref.shape[0]
    cm = c_ref[...]
    rows = lax.broadcasted_iota(jnp.int32, (be, cm.shape[1]), 0)
    even = (rows % 2) == 0
    rev = jnp.where(even, pltpu.roll(cm, be - 1, 0), pltpu.roll(cm, 1, 0))
    nei = m_ref[...] - rev
    binput = lax.dot_general(ex_ref[...], wi_ref[...],
                             (((1,), (1,)), ((), ())),
                             preferred_element_type=jnp.float32)
    upd = lax.dot_general(nei, wh_ref[...], (((1,), (1,)), ((), ())),
                          preferred_element_type=jnp.float32)
    out_ref[...] = jnp.maximum(binput + upd, 0.0) + t_ref[...]


def _add_body(a_ref, b_ref, out_ref):
    out_ref[...] = a_ref[...] + b_ref[...]


def _readout_body(nx_ref, s_ref, ids_ref, w1_ref, w2_ref, b_ref, out_ref,
                  sums_acc, cnt_acc, *, nblk, g):
    i = pl.program_id(0)

    @pl.when(i == 0)
    def _():
        sums_acc[...] = jnp.zeros_like(sums_acc)
        cnt_acc[...] = jnp.zeros_like(cnt_acc)

    bn = nx_ref.shape[0]
    ah = lax.dot_general(nx_ref[...], w1_ref[...], (((1,), (1,)), ((), ())),
                         preferred_element_type=jnp.float32)
    ah = ah + lax.dot_general(s_ref[...], w2_ref[...], (((1,), (1,)), ((), ())),
                              preferred_element_type=jnp.float32)
    ah = jnp.maximum(ah + b_ref[...], 0.0)

    ids = ids_ref[0]
    onehot = (lax.broadcasted_iota(jnp.int32, (g, bn), 0) == ids)
    onehot = onehot.astype(jnp.float32)
    sums_acc[...] += lax.dot_general(onehot, ah, (((1,), (0,)), ((), ())),
                                     preferred_element_type=jnp.float32)
    cnt_acc[...] += jnp.sum(onehot, axis=1, keepdims=True)

    @pl.when(i == nblk - 1)
    def _():
        out_ref[...] = sums_acc[...] / jnp.maximum(cnt_acc[...], 1.0)



def _sc_scatter_body(c_hbm, dst3_hbm, zeros_hbm, out_hbm,
                     table, idx_all, rows_a, rows_b, sem_a, sem_b,
                     *, n, h, chunks_per_sub):
    cid = lax.axis_index("c")
    sid = lax.axis_index("s")
    wid = cid * NS + sid
    nrow_chunks = n // ROWCHUNK

    for k in range((nrow_chunks + NS - 1) // NS):
        j = sid + NS * k

        @pl.when(j < nrow_chunks)
        def _():
            pltpu.sync_copy(zeros_hbm, table.at[pl.ds(j * ROWCHUNK, ROWCHUNK)])

    idx_dma = pltpu.async_copy(dst3_hbm.at[wid], idx_all, sem_a)
    base0 = wid * chunks_per_sub
    bufs = ((rows_a, sem_a), (rows_b, sem_b))

    def load(ci, rows_v, sem):
        pltpu.async_copy(c_hbm.at[pl.ds((base0 + ci) * CHUNK, CHUNK)],
                         rows_v, sem)

    def wait_load(ci, rows_v, sem):
        pltpu.make_async_copy(c_hbm.at[pl.ds((base0 + ci) * CHUNK, CHUNK)],
                              rows_v, sem).wait()

    idx_dma.wait()
    plsc.subcore_barrier()

    load(0, rows_a, sem_a)
    load(1, rows_b, sem_b)

    npairs = chunks_per_sub // 2
    rem = chunks_per_sub - 2 * npairs

    @pl.loop(0, npairs)
    def _(g):
        for k in range(2):
            rows_v, sem = bufs[k]
            ci = 2 * g + k
            wait_load(ci, rows_v, sem)
            pltpu.sync_copy(rows_v, table.at[idx_all.at[ci]], add=True)

            @pl.when(ci + 2 < chunks_per_sub)
            def _():
                load(ci + 2, rows_v, sem)

    if rem:
        ci = chunks_per_sub - 1
        rows_v, sem = bufs[ci % 2]
        wait_load(ci, rows_v, sem)
        pltpu.sync_copy(rows_v, table.at[idx_all.at[ci]], add=True)

    plsc.subcore_barrier()
    for k in range((nrow_chunks + NS - 1) // NS):
        j = sid + NS * k

        @pl.when(j < nrow_chunks)
        def _():
            pltpu.sync_copy(table.at[pl.ds(j * ROWCHUNK, ROWCHUNK)],
                            out_hbm.at[cid, pl.ds(j * ROWCHUNK, ROWCHUNK)])


def _sc_gather_body(s_hbm, src3_hbm, out_hbm,
                    idx_all, rows_a, rows_b, rows_c,
                    sem_i, sem_ga, sem_gb, sem_gc, sem_sa, sem_sb, sem_sc,
                    *, chunks_per_sub):
    cid = lax.axis_index("c")
    sid = lax.axis_index("s")
    wid = cid * NS + sid
    base0 = wid * chunks_per_sub

    gbufs = ((rows_a, sem_ga, sem_sa), (rows_b, sem_gb, sem_sb),
             (rows_c, sem_gc, sem_sc))

    pltpu.async_copy(src3_hbm.at[wid], idx_all, sem_i).wait()

    def issue_gather(ci, rows_v, sem_g):
        pltpu.async_copy(s_hbm.at[idx_all.at[ci]], rows_v, sem_g)

    def wait_gather(ci, rows_v, sem_g):
        pltpu.make_async_copy(s_hbm.at[idx_all.at[ci]], rows_v, sem_g).wait()

    def issue_store(ci, rows_v, sem_s):
        pltpu.async_copy(rows_v,
                         out_hbm.at[pl.ds((base0 + ci) * CHUNK, CHUNK)], sem_s)

    def wait_store(ci, rows_v, sem_s):
        pltpu.make_async_copy(
            rows_v, out_hbm.at[pl.ds((base0 + ci) * CHUNK, CHUNK)],
            sem_s).wait()

    issue_gather(0, rows_a, sem_ga)
    issue_gather(1, rows_b, sem_gb)

    ntrip = chunks_per_sub // 3
    nch = chunks_per_sub

    @pl.loop(0, ntrip)
    def _(g):
        for k in range(3):
            ci = 3 * g + k
            rows_v, sem_g, sem_s = gbufs[k]
            wait_gather(ci, rows_v, sem_g)
            issue_store(ci, rows_v, sem_s)
            k2 = (k + 2) % 3
            rows2, sem_g2, sem_s2 = gbufs[k2]

            @pl.when(ci + 2 < nch)
            def _():
                @pl.when(ci - 1 >= 0)
                def _():
                    wait_store(ci - 1, rows2, sem_s2)
                issue_gather(ci + 2, rows2, sem_g2)

    for ci in range(3 * ntrip, nch):
        rows_v, sem_g, sem_s = gbufs[ci % 3]
        wait_gather(ci, rows_v, sem_g)
        issue_store(ci, rows_v, sem_s)

    for ci in range(nch - 3, nch):
        rows_v, sem_g, sem_s = gbufs[ci % 3]
        wait_store(ci, rows_v, sem_s)



@jax.jit
def _run(node_x, edge_x, t_m, edge_index, graph_ids, W_i, W_h, W_o_w, W_o_b):
    n, nf = node_x.shape
    e, ef = edge_x.shape
    h = t_m.shape[1]
    g = 256

    src = edge_index[0].astype(jnp.int32)
    dst = edge_index[1].astype(jnp.int32)
    ids = graph_ids.astype(jnp.int32)

    be = 2000
    nblk_e = e // be
    bn = 2000
    nblk_n = n // bn

    chunks_per_sub = e // (CHUNK * NW)
    src3 = src.reshape(NW, chunks_per_sub, CHUNK)
    dst3 = dst.reshape(NW, chunks_per_sub, CHUNK)
    zeros_stripe = jnp.zeros((ROWCHUNK, h), jnp.float32)

    init = pl.pallas_call(
        _init_body,
        grid=(nblk_e,),
        in_specs=[pl.BlockSpec((be, ef), lambda i: (i, 0)),
                  pl.BlockSpec((be, h), lambda i: (i, 0)),
                  pl.BlockSpec((h, ef), lambda i: (0, 0))],
        out_specs=pl.BlockSpec((be, h), lambda i: (i, 0)),
        out_shape=jax.ShapeDtypeStruct((e, h), jnp.float32),
    )

    update = pl.pallas_call(
        _update_body,
        grid=(nblk_e,),
        in_specs=[pl.BlockSpec((be, h), lambda i: (i, 0)),
                  pl.BlockSpec((be, h), lambda i: (i, 0)),
                  pl.BlockSpec((be, h), lambda i: (i, 0)),
                  pl.BlockSpec((be, ef), lambda i: (i, 0)),
                  pl.BlockSpec((h, ef), lambda i: (0, 0)),
                  pl.BlockSpec((h, h), lambda i: (0, 0))],
        out_specs=pl.BlockSpec((be, h), lambda i: (i, 0)),
        out_shape=jax.ShapeDtypeStruct((e, h), jnp.float32),
    )

    add2 = pl.pallas_call(
        _add_body,
        grid=(nblk_n,),
        in_specs=[pl.BlockSpec((bn, h), lambda i: (i, 0)),
                  pl.BlockSpec((bn, h), lambda i: (i, 0))],
        out_specs=pl.BlockSpec((bn, h), lambda i: (i, 0)),
        out_shape=jax.ShapeDtypeStruct((n, h), jnp.float32),
    )

    mesh = plsc.VectorSubcoreMesh(core_axis_name="c", subcore_axis_name="s",
                                  num_cores=NC, num_subcores=NS)

    scatter = pl.kernel(
        functools.partial(_sc_scatter_body, n=n, h=h,
                          chunks_per_sub=chunks_per_sub),
        out_type=jax.ShapeDtypeStruct((NC, n, h), jnp.float32),
        mesh=mesh,
        scratch_types=[pltpu.VMEM_SHARED((n, h), jnp.float32),
                       pltpu.VMEM((chunks_per_sub, CHUNK), jnp.int32),
                       pltpu.VMEM((CHUNK, h), jnp.float32),
                       pltpu.VMEM((CHUNK, h), jnp.float32),
                       pltpu.SemaphoreType.DMA,
                       pltpu.SemaphoreType.DMA],
    )

    gather = pl.kernel(
        functools.partial(_sc_gather_body, chunks_per_sub=chunks_per_sub),
        out_type=jax.ShapeDtypeStruct((e, h), jnp.float32),
        mesh=mesh,
        scratch_types=[pltpu.VMEM((chunks_per_sub, CHUNK), jnp.int32),
                       pltpu.VMEM((CHUNK, h), jnp.float32),
                       pltpu.VMEM((CHUNK, h), jnp.float32),
                       pltpu.VMEM((CHUNK, h), jnp.float32),
                       pltpu.SemaphoreType.DMA,
                       pltpu.SemaphoreType.DMA,
                       pltpu.SemaphoreType.DMA,
                       pltpu.SemaphoreType.DMA,
                       pltpu.SemaphoreType.DMA,
                       pltpu.SemaphoreType.DMA,
                       pltpu.SemaphoreType.DMA],
    )

    readout = pl.pallas_call(
        functools.partial(_readout_body, nblk=nblk_n, g=g),
        grid=(nblk_n,),
        in_specs=[pl.BlockSpec((bn, nf), lambda i: (i, 0)),
                  pl.BlockSpec((bn, h), lambda i: (i, 0)),
                  pl.BlockSpec((1, 1, bn), lambda i: (i, 0, 0)),
                  pl.BlockSpec((h, nf), lambda i: (0, 0)),
                  pl.BlockSpec((h, h), lambda i: (0, 0)),
                  pl.BlockSpec((1, h), lambda i: (0, 0))],
        out_specs=pl.BlockSpec((g, h), lambda i: (0, 0)),
        out_shape=jax.ShapeDtypeStruct((g, h), jnp.float32),
        scratch_shapes=[pltpu.VMEM((g, h), jnp.float32),
                        pltpu.VMEM((g, 1), jnp.float32)],
    )

    c = init(edge_x, t_m, W_i)
    for _ in range(DEPTH - 1):
        parts = scatter(c, dst3, zeros_stripe)
        s = add2(parts[0], parts[1])
        m = gather(s, src3)
        c = update(m, c, t_m, edge_x, W_i, W_h)
    parts = scatter(c, dst3, zeros_stripe)
    s = add2(parts[0], parts[1])

    w1 = W_o_w[:, :nf]
    w2 = W_o_w[:, nf:]
    ids3 = ids.reshape(nblk_n, 1, bn)
    return readout(node_x, s, ids3, w1, w2, W_o_b.reshape(1, h))


def kernel(node_x, edge_x, t_m, edge_index, graph_ids, W_i, W_h, W_o_w, W_o_b):
    return _run(node_x, edge_x, t_m, edge_index, graph_ids,
                W_i, W_h, W_o_w, W_o_b)

# --- scband reference (transcript-rebuilt; emitter-appended) ---
"""Pipeline reference for scband-jtnnvae-27934467293758 (READ-ONLY COPY).

The authoritative reference and input builder live on the scoring server;
editing this copy changes nothing except your own understanding.
"""

import jax, jax.numpy as jnp
import numpy as np

N = 10000
E = 320000
H = 128
NF = 35
EF = 40
G = 256
DEPTH = 3


def setup_inputs(seed: int = 0) -> dict:
    key = jax.random.key(seed)
    ks = jax.random.split(key, 10)
    node_x = jax.random.normal(ks[0], (N, NF), dtype=jnp.float32)
    edge_x = jax.random.normal(ks[1], (E, EF), dtype=jnp.float32)
    t_m = jax.random.normal(ks[2], (E, H), dtype=jnp.float32) * 0.1
    # edges come in reverse pairs (2i, 2i+1), matching DGL's e ^ 1 convention
    u = jax.random.randint(ks[3], (E // 2,), 0, N)
    v = jax.random.randint(ks[4], (E // 2,), 0, N)
    src = jnp.stack([u, v], axis=1).reshape(-1)
    dst = jnp.stack([v, u], axis=1).reshape(-1)
    edge_index = jnp.stack([src, dst], axis=0)
    graph_ids = jnp.sort(jax.random.randint(ks[5], (N,), 0, G))
    W_i = jax.random.normal(ks[6], (H, EF), dtype=jnp.float32) / np.sqrt(EF)
    W_h = jax.random.normal(ks[7], (H, H), dtype=jnp.float32) / np.sqrt(H)
    W_o_w = jax.random.normal(ks[8], (H, NF + H), dtype=jnp.float32) / np.sqrt(NF + H)
    W_o_b = jnp.zeros((H,), dtype=jnp.float32)
    return {"node_x": node_x, "edge_x": edge_x, "t_m": t_m,
            "edge_index": edge_index, "graph_ids": graph_ids,
            "W_i": W_i, "W_h": W_h, "W_o_w": W_o_w, "W_o_b": W_o_b}


def _rev(x):
    # reverse-edge permutation: edge e <-> e ^ 1
    return x.reshape(-1, 2, x.shape[-1])[:, ::-1, :].reshape(x.shape)


def reference(node_x, edge_x, t_m, edge_index, graph_ids, W_i, W_h, W_o_w, W_o_b):
    src = edge_index[0]
    dst = edge_index[1]
    # binput = W_i(cand_graphs.edata['x']); g_m = relu(binput)
    binput = edge_x @ W_i.T
    g_m = jax.nn.relu(binput)
    t_rev = _rev(t_m)
    sum_t_node = jax.ops.segment_sum(t_m, dst, num_segments=N)
    # non-backtracking line-graph message passing:
    # in-neighbors of edge (u,v) are edges (w,u) with w != v,
    # i.e. sum of messages arriving at u minus the reverse edge's message.
    for _ in range(DEPTH - 1):
        sum_g_node = jax.ops.segment_sum(g_m, dst, num_segments=N)
        nei_message = (sum_g_node[src] - _rev(g_m)) + (sum_t_node[src] - t_rev)
        g_m = jax.nn.relu(binput + nei_message @ W_h.T)
    # aggregate edge messages onto destination nodes
    nei1 = jax.ops.segment_sum(g_m, dst, num_segments=N)
    nei2 = sum_t_node
    ainput = jnp.concatenate([node_x, nei1 + nei2], axis=1)
    atom_hiddens = jax.nn.relu(ainput @ W_o_w.T + W_o_b)
    # dgl.mean_nodes over each candidate graph
    sums = jax.ops.segment_sum(atom_hiddens, graph_ids, num_segments=G)
    counts = jnp.maximum(jax.ops.segment_sum(jnp.ones((N,), jnp.float32), graph_ids, num_segments=G), 1.0)
    return sums / counts[:, None]

if __name__ == "__main__":
    import jax
    _d = setup_inputs()
    print(jax.jit(kernel)(*tuple(_d.values())))

</pallas_src>

<mosaic_0001>
#map = affine_map<(d0, d1) -> (0, 0)>
#map1 = affine_map<(d0, d1) -> (0, 0, 0)>
module attributes {stable_mosaic.version = 14 : i64} {
  func.func @_sc_scatter_body(%arg0: i32, %arg1: i32, %arg2: memref<320000x128xf32, #tpu.memory_space<hbm>>, %arg3: memref<32x125x80xi32, #tpu.memory_space<hbm>>, %arg4: memref<400x128xf32, #tpu.memory_space<hbm>>, %arg5: memref<2x10000x128xf32, #tpu.memory_space<hbm>>, %arg6: memref<10000x128xf32, #tpu.memory_space<vmem_shared>>, %arg7: memref<125x80xi32, #tpu.memory_space<vmem>>, %arg8: memref<80x128xf32, #tpu.memory_space<vmem>>, %arg9: memref<80x128xf32, #tpu.memory_space<vmem>>, %arg10: memref<!tpu.dma_semaphore, #tpu.memory_space<semaphore_mem>>, %arg11: memref<!tpu.dma_semaphore, #tpu.memory_space<semaphore_mem>>) attributes {dimension_semantics = [#tpu.dimension_semantics<core_parallel>, #tpu.dimension_semantics<subcore_parallel>], iteration_bounds = array<i64: 2, 16>, scalar_prefetch = 0 : i64, scratch_operands = 6 : i64, tpu.core_type = #tpu.core_type<sc_vector_subcore>, window_params = [{transform_indices = #map}, {transform_indices = #map1}, {transform_indices = #map}, {transform_indices = #map1}]} {
    %mul3A = arith.constant 16 : i32
    %mul3A_0 = arith.muli %arg0, %mul3A : i32
    %add3A = arith.addi %mul3A_0, %arg1 : i32
    %add3A_1 = arith.constant 0 : i32
    %add3A_2 = arith.addi %arg1, %add3A_1 : i32
    %lt3A = arith.constant 25 : i32
    %lt3A_3 = arith.cmpi slt, %add3A_2, %lt3A : i32
    %convert_element_type3A = arith.extui %lt3A_3 : i1 to i32
    %cond3A = arith.constant 0 : i32
    %cond3A_4 = arith.cmpi ne, %convert_element_type3A, %cond3A : i32
    scf.if %cond3A_4 {
      %mul3A_71 = arith.constant 400 : i32
      %mul3A_72 = arith.muli %add3A_2, %mul3A_71 : i32
      "tpu.region"() ({
        %run_scoped3A_73 = tpu.sem_alloc : memref<!tpu.dma_semaphore, #tpu.memory_space<semaphore_mem>>
        %dma_start3A_74 = arith.constant 0 : i32
        %dma_start3A_75 = tpu.memref_slice %arg6[%mul3A_72, %dma_start3A_74] : memref<10000x128xf32, #tpu.memory_space<vmem_shared>> -> memref<400x128xf32, #tpu.memory_space<vmem_shared>>
        tpu.enqueue_dma source(%arg4 : memref<400x128xf32, #tpu.memory_space<hbm>>) target(%dma_start3A_75 : memref<400x128xf32, #tpu.memory_space<vmem_shared>>) target_semaphore(%run_scoped3A_73 : memref<!tpu.dma_semaphore, #tpu.memory_space<semaphore_mem>>)
        %dma_wait3A_76 = arith.constant 0 : i32
        %dma_wait3A_77 = tpu.memref_slice %arg6[%mul3A_72, %dma_wait3A_76] : memref<10000x128xf32, #tpu.memory_space<vmem_shared>> -> memref<400x128xf32, #tpu.memory_space<vmem_shared>>
        tpu.wait_dma2 semaphore(%run_scoped3A_73 : memref<!tpu.dma_semaphore, #tpu.memory_space<semaphore_mem>>) src(%arg4 : memref<400x128xf32, #tpu.memory_space<hbm>>) dst(%dma_wait3A_77 : memref<400x128xf32, #tpu.memory_space<vmem_shared>>)
        tpu.yield
      }) : () -> ()
    } else {
    }
    %add3A_5 = arith.constant 16 : i32
    %add3A_6 = arith.addi %arg1, %add3A_5 : i32
    %lt3A_7 = arith.constant 25 : i32
    %lt3A_8 = arith.cmpi slt, %add3A_6, %lt3A_7 : i32
    %convert_element_type3A_9 = arith.extui %lt3A_8 : i1 to i32
    %cond3A_10 = arith.constant 0 : i32
    %cond3A_11 = arith.cmpi ne, %convert_element_type3A_9, %cond3A_10 : i32
    scf.if %cond3A_11 {
      %mul3A_71 = arith.constant 400 : i32
      %mul3A_72 = arith.muli %add3A_6, %mul3A_71 : i32
      "tpu.region"() ({
        %run_scoped3A_73 = tpu.sem_alloc : memref<!tpu.dma_semaphore, #tpu.memory_space<semaphore_mem>>
        %dma_start3A_74 = arith.constant 0 : i32
        %dma_start3A_75 = tpu.memref_slice %arg6[%mul3A_72, %dma_start3A_74] : memref<10000x128xf32, #tpu.memory_space<vmem_shared>> -> memref<400x128xf32, #tpu.memory_space<vmem_shared>>
        tpu.enqueue_dma source(%arg4 : memref<400x128xf32, #tpu.memory_space<hbm>>) target(%dma_start3A_75 : memref<400x128xf32, #tpu.memory_space<vmem_shared>>) target_semaphore(%run_scoped3A_73 : memref<!tpu.dma_semaphore, #tpu.memory_space<semaphore_mem>>)
        %dma_wait3A_76 = arith.constant 0 : i32
        %dma_wait3A_77 = tpu.memref_slice %arg6[%mul3A_72, %dma_wait3A_76] : memref<10000x128xf32, #tpu.memory_space<vmem_shared>> -> memref<400x128xf32, #tpu.memory_space<vmem_shared>>
        tpu.wait_dma2 semaphore(%run_scoped3A_73 : memref<!tpu.dma_semaphore, #tpu.memory_space<semaphore_mem>>) src(%arg4 : memref<400x128xf32, #tpu.memory_space<hbm>>) dst(%dma_wait3A_77 : memref<400x128xf32, #tpu.memory_space<vmem_shared>>)
        tpu.yield
      }) : () -> ()
    } else {
    }
    %dma_start3A = arith.constant 0 : i32
    %dma_start3A_12 = arith.constant 0 : i32
    %dma_start3A_13 = tpu.memref_slice %arg3[%add3A, %dma_start3A, %dma_start3A_12] : memref<32x125x80xi32, #tpu.memory_space<hbm>> -> memref<1x125x80xi32, #tpu.memory_space<hbm>>
    %dma_start3A_14 = tpu.memref_squeeze %dma_start3A_13 : memref<1x125x80xi32, #tpu.memory_space<hbm>> -> memref<125x80xi32, #tpu.memory_space<hbm>>
    %dma_start3A_15 = arith.constant 0 : i32
    %dma_start3A_16 = arith.constant 0 : i32
    %dma_start3A_17 = tpu.memref_slice %arg3[%add3A, %dma_start3A_15, %dma_start3A_16] : memref<32x125x80xi32, #tpu.memory_space<hbm>> -> memref<1x125x80xi32, #tpu.memory_space<hbm>>
    %dma_start3A_18 = tpu.memref_squeeze %dma_start3A_17 : memref<1x125x80xi32, #tpu.memory_space<hbm>> -> memref<125x80xi32, #tpu.memory_space<hbm>>
    tpu.enqueue_dma source(%dma_start3A_18 : memref<125x80xi32, #tpu.memory_space<hbm>>) target(%arg7 : memref<125x80xi32, #tpu.memory_space<vmem>>) target_semaphore(%arg10 : memref<!tpu.dma_semaphore, #tpu.memory_space<semaphore_mem>>)
    %mul3A_19 = arith.constant 125 : i32
    %mul3A_20 = arith.muli %add3A, %mul3A_19 : i32
    %dma_wait3A = arith.constant 0 : i32
    %dma_wait3A_21 = arith.constant 0 : i32
    %dma_wait3A_22 = tpu.memref_slice %arg3[%add3A, %dma_wait3A, %dma_wait3A_21] : memref<32x125x80xi32, #tpu.memory_space<hbm>> -> memref<1x125x80xi32, #tpu.memory_space<hbm>>
    %dma_wait3A_23 = tpu.memref_squeeze %dma_wait3A_22 : memref<1x125x80xi32, #tpu.memory_space<hbm>> -> memref<125x80xi32, #tpu.memory_space<hbm>>
    %dma_wait3A_24 = arith.constant 0 : i32
    %dma_wait3A_25 = arith.constant 0 : i32
    %dma_wait3A_26 = tpu.memref_slice %arg3[%add3A, %dma_wait3A_24, %dma_wait3A_25] : memref<32x125x80xi32, #tpu.memory_space<hbm>> -> memref<1x125x80xi32, #tpu.memory_space<hbm>>
    %dma_wait3A_27 = tpu.memref_squeeze %dma_wait3A_26 : memref<1x125x80xi32, #tpu.memory_space<hbm>> -> memref<125x80xi32, #tpu.memory_space<hbm>>
    tpu.wait_dma2 semaphore(%arg10 : memref<!tpu.dma_semaphore, #tpu.memory_space<semaphore_mem>>) src(%dma_wait3A_27 : memref<125x80xi32, #tpu.memory_space<hbm>>) dst(%arg7 : memref<125x80xi32, #tpu.memory_space<vmem>>)
    %barrier3A = arith.constant 0 : index
    tpu.barrier barrier_id(%barrier3A)
    %add3A_28 = arith.constant 0 : i32
    %add3A_29 = arith.addi %mul3A_20, %add3A_28 : i32
    %mul3A_30 = arith.constant 80 : i32
    %mul3A_31 = arith.muli %add3A_29, %mul3A_30 : i32
    %dma_start3A_32 = arith.constant 0 : i32
    %dma_start3A_33 = tpu.memref_slice %arg2[%mul3A_31, %dma_start3A_32] : memref<320000x128xf32, #tpu.memory_space<hbm>> -> memref<80x128xf32, #tpu.memory_space<hbm>>
    %dma_start3A_34 = arith.constant 0 : i32
    %dma_start3A_35 = tpu.memref_slice %arg2[%mul3A_31, %dma_start3A_34] : memref<320000x128xf32, #tpu.memory_space<hbm>> -> memref<80x128xf32, #tpu.memory_space<hbm>>
    tpu.enqueue_dma source(%dma_start3A_35 : memref<80x128xf32, #tpu.memory_space<hbm>>) target(%arg8 : memref<80x128xf32, #tpu.memory_space<vmem>>) target_semaphore(%arg10 : memref<!tpu.dma_semaphore, #tpu.memory_space<semaphore_mem>>)
    %add3A_36 = arith.constant 1 : i32
    %add3A_37 = arith.addi %mul3A_20, %add3A_36 : i32
    %mul3A_38 = arith.constant 80 : i32
    %mul3A_39 = arith.muli %add3A_37, %mul3A_38 : i32
    %dma_start3A_40 = arith.constant 0 : i32
    %dma_start3A_41 = tpu.memref_slice %arg2[%mul3A_39, %dma_start3A_40] : memref<320000x128xf32, #tpu.memory_space<hbm>> -> memref<80x128xf32, #tpu.memory_space<hbm>>
    %dma_start3A_42 = arith.constant 0 : i32
    %dma_start3A_43 = tpu.memref_slice %arg2[%mul3A_39, %dma_start3A_42] : memref<320000x128xf32, #tpu.memory_space<hbm>> -> memref<80x128xf32, #tpu.memory_space<hbm>>
    tpu.enqueue_dma source(%dma_start3A_43 : memref<80x128xf32, #tpu.memory_space<hbm>>) target(%arg9 : memref<80x128xf32, #tpu.memory_space<vmem>>) target_semaphore(%arg11 : memref<!tpu.dma_semaphore, #tpu.memory_space<semaphore_mem>>)
    %scan3A = arith.constant 0 : i32
    %scan3A_44 = arith.constant 62 : i32
    %scan3A_45 = arith.addi %scan3A, %scan3A_44 : i32
    %scan3A_46 = arith.constant 1 : i32
    scf.for %scan3A_71 = %scan3A to %scan3A_45 step %scan3A_46  : i32 {
      %mul3A_72 = arith.constant 1 : i32
      %mul3A_73 = arith.muli %scan3A_71, %mul3A_72 : i32
      %add3A_74 = arith.constant 0 : i32
      %add3A_75 = arith.addi %add3A_74, %mul3A_73 : i32
      %mul3A_76 = arith.constant 2 : i32
      %mul3A_77 = arith.muli %mul3A_76, %add3A_75 : i32
      %add3A_78 = arith.constant 0 : i32
      %add3A_79 = arith.addi %mul3A_77, %add3A_78 : i32
      %add3A_80 = arith.addi %mul3A_20, %add3A_79 : i32
      %mul3A_81 = arith.constant 80 : i32
      %mul3A_82 = arith.muli %add3A_80, %mul3A_81 : i32
      %dma_wait3A_83 = arith.constant 0 : i32
      %dma_wait3A_84 = tpu.memref_slice %arg2[%mul3A_82, %dma_wait3A_83] : memref<320000x128xf32, #tpu.memory_space<hbm>> -> memref<80x128xf32, #tpu.memory_space<hbm>>
      %dma_wait3A_85 = arith.constant 0 : i32
      %dma_wait3A_86 = tpu.memref_slice %arg2[%mul3A_82, %dma_wait3A_85] : memref<320000x128xf32, #tpu.memory_space<hbm>> -> memref<80x128xf32, #tpu.memory_space<hbm>>
      tpu.wait_dma2 semaphore(%arg10 : memref<!tpu.dma_semaphore, #tpu.memory_space<semaphore_mem>>) src(%dma_wait3A_86 : memref<80x128xf32, #tpu.memory_space<hbm>>) dst(%arg8 : memref<80x128xf32, #tpu.memory_space<vmem>>)
      "tpu.region"() ({
        %run_scoped3A_112 = tpu.sem_alloc : memref<!tpu.dma_semaphore, #tpu.memory_space<semaphore_mem>>
        %dma_start3A_113 = arith.constant 0 : i32
        %dma_start3A_114 = tpu.memref_slice %arg7[%add3A_79, %dma_start3A_113] : memref<125x80xi32, #tpu.memory_space<vmem>> -> memref<1x80xi32, #tpu.memory_space<vmem>>
        %dma_start3A_115 = tpu.memref_squeeze %dma_start3A_114 : memref<1x80xi32, #tpu.memory_space<vmem>> -> memref<80xi32, #tpu.memory_space<vmem>>
        %dma_start3A_116 = arith.constant 0 : i32
        %dma_start3A_117 = arith.constant 0 : i32
        %dma_start3A_118 = tpu.memref_slice %arg6[%dma_start3A_116, %dma_start3A_117] : memref<10000x128xf32, #tpu.memory_space<vmem_shared>> -> memref<10000x128xf32, #tpu.memory_space<vmem_shared>>
        tpu.enqueue_indirect_dma source(%arg8 : memref<80x128xf32, #tpu.memory_space<vmem>>) target(%dma_start3A_118 : memref<10000x128xf32, #tpu.memory_space<vmem_shared>>) offsets(%dma_start3A_115 : memref<80xi32, #tpu.memory_space<vmem>>) semaphore(%run_scoped3A_112 : memref<!tpu.dma_semaphore, #tpu.memory_space<semaphore_mem>>) {add = true}
        %dma_wait3A_119 = arith.constant 0 : i32
        %dma_wait3A_120 = tpu.memref_slice %arg7[%add3A_79, %dma_wait3A_119] : memref<125x80xi32, #tpu.memory_space<vmem>> -> memref<1x80xi32, #tpu.memory_space<vmem>>
        %dma_wait3A_121 = tpu.memref_squeeze %dma_wait3A_120 : memref<1x80xi32, #tpu.memory_space<vmem>> -> memref<80xi32, #tpu.memory_space<vmem>>
        %dma_wait3A_122 = arith.constant 0 : i32
        %dma_wait3A_123 = arith.constant 0 : i32
        %dma_wait3A_124 = tpu.memref_slice %arg6[%dma_wait3A_122, %dma_wait3A_123] : memref<10000x128xf32, #tpu.memory_space<vmem_shared>> -> memref<10000x128xf32, #tpu.memory_space<vmem_shared>>
        tpu.wait_indirect_dma semaphore(%run_scoped3A_112 : memref<!tpu.dma_semaphore, #tpu.memory_space<semaphore_mem>>) src(%arg8 : memref<80x128xf32, #tpu.memory_space<vmem>>) dst(%dma_wait3A_124 : memref<10000x128xf32, #tpu.memory_space<vmem_shared>>)
        tpu.yield
      }) : () -> ()
      %add3A_87 = arith.constant 2 : i32
      %add3A_88 = arith.addi %add3A_79, %add3A_87 : i32
      %lt3A_89 = arith.constant 125 : i32
      %lt3A_90 = arith.cmpi slt, %add3A_88, %lt3A_89 : i32
      %convert_element_type3A_91 = arith.extui %lt3A_90 : i1 to i32
      %cond3A_92 = arith.constant 0 : i32
      %cond3A_93 = arith.cmpi ne, %convert_element_type3A_91, %cond3A_92 : i32
      scf.if %cond3A_93 {
        %add3A_112 = arith.constant 2 : i32
        %add3A_113 = arith.addi %add3A_79, %add3A_112 : i32
        %add3A_114 = arith.addi %mul3A_20, %add3A_113 : i32
        %mul3A_115 = arith.constant 80 : i32
        %mul3A_116 = arith.muli %add3A_114, %mul3A_115 : i32
        %dma_start3A_117 = arith.constant 0 : i32
        %dma_start3A_118 = tpu.memref_slice %arg2[%mul3A_116, %dma_start3A_117] : memref<320000x128xf32, #tpu.memory_space<hbm>> -> memref<80x128xf32, #tpu.memory_space<hbm>>
        %dma_start3A_119 = arith.constant 0 : i32
        %dma_start3A_120 = tpu.memref_slice %arg2[%mul3A_116, %dma_start3A_119] : memref<320000x128xf32, #tpu.memory_space<hbm>> -> memref<80x128xf32, #tpu.memory_space<hbm>>
        tpu.enqueue_dma source(%dma_start3A_120 : memref<80x128xf32, #tpu.memory_space<hbm>>) target(%arg8 : memref<80x128xf32, #tpu.memory_space<vmem>>) target_semaphore(%arg10 : memref<!tpu.dma_semaphore, #tpu.memory_space<semaphore_mem>>)
      } else {
      }
      %mul3A_94 = arith.constant 2 : i32
      %mul3A_95 = arith.muli %mul3A_94, %add3A_75 : i32
      %add3A_96 = arith.constant 1 : i32
      %add3A_97 = arith.addi %mul3A_95, %add3A_96 : i32
      %add3A_98 = arith.addi %mul3A_20, %add3A_97 : i32
      %mul3A_99 = arith.constant 80 : i32
      %mul3A_100 = arith.muli %add3A_98, %mul3A_99 : i32
      %dma_wait3A_101 = arith.constant 0 : i32
      %dma_wait3A_102 = tpu.memref_slice %arg2[%mul3A_100, %dma_wait3A_101] : memref<320000x128xf32, #tpu.memory_space<hbm>> -> memref<80x128xf32, #tpu.memory_space<hbm>>
      %dma_wait3A_103 = arith.constant 0 : i32
      %dma_wait3A_104 = tpu.memref_slice %arg2[%mul3A_100, %dma_wait3A_103] : memref<320000x128xf32, #tpu.memory_space<hbm>> -> memref<80x128xf32, #tpu.memory_space<hbm>>
      tpu.wait_dma2 semaphore(%arg11 : memref<!tpu.dma_semaphore, #tpu.memory_space<semaphore_mem>>) src(%dma_wait3A_104 : memref<80x128xf32, #tpu.memory_space<hbm>>) dst(%arg9 : memref<80x128xf32, #tpu.memory_space<vmem>>)
      "tpu.region"() ({
        %run_scoped3A_112 = tpu.sem_alloc : memref<!tpu.dma_semaphore, #tpu.memory_space<semaphore_mem>>
        %dma_start3A_113 = arith.constant 0 : i32
        %dma_start3A_114 = tpu.memref_slice %arg7[%add3A_97, %dma_start3A_113] : memref<125x80xi32, #tpu.memory_space<vmem>> -> memref<1x80xi32, #tpu.memory_space<vmem>>
        %dma_start3A_115 = tpu.memref_squeeze %dma_start3A_114 : memref<1x80xi32, #tpu.memory_space<vmem>> -> memref<80xi32, #tpu.memory_space<vmem>>
        %dma_start3A_116 = arith.constant 0 : i32
        %dma_start3A_117 = arith.constant 0 : i32
        %dma_start3A_118 = tpu.memref_slice %arg6[%dma_start3A_116, %dma_start3A_117] : memref<10000x128xf32, #tpu.memory_space<vmem_shared>> -> memref<10000x128xf32, #tpu.memory_space<vmem_shared>>
        tpu.enqueue_indirect_dma source(%arg9 : memref<80x128xf32, #tpu.memory_space<vmem>>) target(%dma_start3A_118 : memref<10000x128xf32, #tpu.memory_space<vmem_shared>>) offsets(%dma_start3A_115 : memref<80xi32, #tpu.memory_space<vmem>>) semaphore(%run_scoped3A_112 : memref<!tpu.dma_semaphore, #tpu.memory_space<semaphore_mem>>) {add = true}
        %dma_wait3A_119 = arith.constant 0 : i32
        %dma_wait3A_120 = tpu.memref_slice %arg7[%add3A_97, %dma_wait3A_119] : memref<125x80xi32, #tpu.memory_space<vmem>> -> memref<1x80xi32, #tpu.memory_space<vmem>>
        %dma_wait3A_121 = tpu.memref_squeeze %dma_wait3A_120 : memref<1x80xi32, #tpu.memory_space<vmem>> -> memref<80xi32, #tpu.memory_space<vmem>>
        %dma_wait3A_122 = arith.constant 0 : i32
        %dma_wait3A_123 = arith.constant 0 : i32
        %dma_wait3A_124 = tpu.memref_slice %arg6[%dma_wait3A_122, %dma_wait3A_123] : memref<10000x128xf32, #tpu.memory_space<vmem_shared>> -> memref<10000x128xf32, #tpu.memory_space<vmem_shared>>
        tpu.wait_indirect_dma semaphore(%run_scoped3A_112 : memref<!tpu.dma_semaphore, #tpu.memory_space<semaphore_mem>>) src(%arg9 : memref<80x128xf32, #tpu.memory_space<vmem>>) dst(%dma_wait3A_124 : memref<10000x128xf32, #tpu.memory_space<vmem_shared>>)
        tpu.yield
      }) : () -> ()
      %add3A_105 = arith.constant 2 : i32
      %add3A_106 = arith.addi %add3A_97, %add3A_105 : i32
      %lt3A_107 = arith.constant 125 : i32
      %lt3A_108 = arith.cmpi slt, %add3A_106, %lt3A_107 : i32
      %convert_element_type3A_109 = arith.extui %lt3A_108 : i1 to i32
      %cond3A_110 = arith.constant 0 : i32
      %cond3A_111 = arith.cmpi ne, %convert_element_type3A_109, %cond3A_110 : i32
      scf.if %cond3A_111 {
        %add3A_112 = arith.constant 2 : i32
        %add3A_113 = arith.addi %add3A_97, %add3A_112 : i32
        %add3A_114 = arith.addi %mul3A_20, %add3A_113 : i32
        %mul3A_115 = arith.constant 80 : i32
        %mul3A_116 = arith.muli %add3A_114, %mul3A_115 : i32
        %dma_start3A_117 = arith.constant 0 : i32
        %dma_start3A_118 = tpu.memref_slice %arg2[%mul3A_116, %dma_start3A_117] : memref<320000x128xf32, #tpu.memory_space<hbm>> -> memref<80x128xf32, #tpu.memory_space<hbm>>
        %dma_start3A_119 = arith.constant 0 : i32
        %dma_start3A_120 = tpu.memref_slice %arg2[%mul3A_116, %dma_start3A_119] : memref<320000x128xf32, #tpu.memory_space<hbm>> -> memref<80x128xf32, #tpu.memory_space<hbm>>
        tpu.enqueue_dma source(%dma_start3A_120 : memref<80x128xf32, #tpu.memory_space<hbm>>) target(%arg9 : memref<80x128xf32, #tpu.memory_space<vmem>>) target_semaphore(%arg11 : memref<!tpu.dma_semaphore, #tpu.memory_space<semaphore_mem>>)
      } else {
      }
    }
    %scan3A_47 = arith.constant 62 : i32
    %add3A_48 = arith.constant 124 : i32
    %add3A_49 = arith.addi %mul3A_20, %add3A_48 : i32
    %mul3A_50 = arith.constant 80 : i32
    %mul3A_51 = arith.muli %add3A_49, %mul3A_50 : i32
    %dma_wait3A_52 = arith.constant 0 : i32
    %dma_wait3A_53 = tpu.memref_slice %arg2[%mul3A_51, %dma_wait3A_52] : memref<320000x128xf32, #tpu.memory_space<hbm>> -> memref<80x128xf32, #tpu.memory_space<hbm>>
    %dma_wait3A_54 = arith.constant 0 : i32
    %dma_wait3A_55 = tpu.memref_slice %arg2[%mul3A_51, %dma_wait3A_54] : memref<320000x128xf32, #tpu.memory_space<hbm>> -> memref<80x128xf32, #tpu.memory_space<hbm>>
    tpu.wait_dma2 semaphore(%arg10 : memref<!tpu.dma_semaphore, #tpu.memory_space<semaphore_mem>>) src(%dma_wait3A_55 : memref<80x128xf32, #tpu.memory_space<hbm>>) dst(%arg8 : memref<80x128xf32, #tpu.memory_space<vmem>>)
    %run_scoped3A = arith.constant 124 : i32
    "tpu.region"() ({
      %run_scoped3A_71 = tpu.sem_alloc : memref<!tpu.dma_semaphore, #tpu.memory_space<semaphore_mem>>
      %dma_start3A_72 = arith.constant 0 : i32
      %dma_start3A_73 = tpu.memref_slice %arg7[%run_scoped3A, %dma_start3A_72] : memref<125x80xi32, #tpu.memory_space<vmem>> -> memref<1x80xi32, #tpu.memory_space<vmem>>
      %dma_start3A_74 = tpu.memref_squeeze %dma_start3A_73 : memref<1x80xi32, #tpu.memory_space<vmem>> -> memref<80xi32, #tpu.memory_space<vmem>>
      %dma_start3A_75 = arith.constant 0 : i32
      %dma_start3A_76 = arith.constant 0 : i32
      %dma_start3A_77 = tpu.memref_slice %arg6[%dma_start3A_75, %dma_start3A_76] : memref<10000x128xf32, #tpu.memory_space<vmem_shared>> -> memref<10000x128xf32, #tpu.memory_space<vmem_shared>>
      tpu.enqueue_indirect_dma source(%arg8 : memref<80x128xf32, #tpu.memory_space<vmem>>) target(%dma_start3A_77 : memref<10000x128xf32, #tpu.memory_space<vmem_shared>>) offsets(%dma_start3A_74 : memref<80xi32, #tpu.memory_space<vmem>>) semaphore(%run_scoped3A_71 : memref<!tpu.dma_semaphore, #tpu.memory_space<semaphore_mem>>) {add = true}
      %dma_wait3A_78 = arith.constant 0 : i32
      %dma_wait3A_79 = tpu.memref_slice %arg7[%run_scoped3A, %dma_wait3A_78] : memref<125x80xi32, #tpu.memory_space<vmem>> -> memref<1x80xi32, #tpu.memory_space<vmem>>
      %dma_wait3A_80 = tpu.memref_squeeze %dma_wait3A_79 : memref<1x80xi32, #tpu.memory_space<vmem>> -> memref<80xi32, #tpu.memory_space<vmem>>
      %dma_wait3A_81 = arith.constant 0 : i32
      %dma_wait3A_82 = arith.constant 0 : i32
      %dma_wait3A_83 = tpu.memref_slice %arg6[%dma_wait3A_81, %dma_wait3A_82] : memref<10000x128xf32, #tpu.memory_space<vmem_shared>> -> memref<10000x128xf32, #tpu.memory_space<vmem_shared>>
      tpu.wait_indirect_dma semaphore(%run_scoped3A_71 : memref<!tpu.dma_semaphore, #tpu.memory_space<semaphore_mem>>) src(%arg8 : memref<80x128xf32, #tpu.memory_space<vmem>>) dst(%dma_wait3A_83 : memref<10000x128xf32, #tpu.memory_space<vmem_shared>>)
      tpu.yield
    }) : () -> ()
    %barrier3A_56 = arith.constant 0 : index
    tpu.barrier barrier_id(%barrier3A_56)
    %add3A_57 = arith.constant 0 : i32
    %add3A_58 = arith.addi %arg1, %add3A_57 : i32
    %lt3A_59 = arith.constant 25 : i32
    %lt3A_60 = arith.cmpi slt, %add3A_58, %lt3A_59 : i32
    %convert_element_type3A_61 = arith.extui %lt3A_60 : i1 to i32
    %cond3A_62 = arith.constant 0 : i32
    %cond3A_63 = arith.cmpi ne, %convert_element_type3A_61, %cond3A_62 : i32
    scf.if %cond3A_63 {
      %mul3A_71 = arith.constant 400 : i32
      %mul3A_72 = arith.muli %add3A_58, %mul3A_71 : i32
      %mul3A_73 = arith.constant 400 : i32
      %mul3A_74 = arith.muli %add3A_58, %mul3A_73 : i32
      "tpu.region"() ({
        %run_scoped3A_75 = tpu.sem_alloc : memref<!tpu.dma_semaphore, #tpu.memory_space<semaphore_mem>>
        %dma_start3A_76 = arith.constant 0 : i32
        %dma_start3A_77 = tpu.memref_slice %arg5[%arg0, %mul3A_74, %dma_start3A_76] : memref<2x10000x128xf32, #tpu.memory_space<hbm>> -> memref<1x400x128xf32, #tpu.memory_space<hbm>>
        %dma_start3A_78 = tpu.memref_squeeze %dma_start3A_77 : memref<1x400x128xf32, #tpu.memory_space<hbm>> -> memref<400x128xf32, #tpu.memory_space<hbm>>
        %dma_start3A_79 = arith.constant 0 : i32
        %dma_start3A_80 = tpu.memref_slice %arg6[%mul3A_72, %dma_start3A_79] : memref<10000x128xf32, #tpu.memory_space<vmem_shared>> -> memref<400x128xf32, #tpu.memory_space<vmem_shared>>
        tpu.enqueue_dma source(%dma_start3A_80 : memref<400x128xf32, #tpu.memory_space<vmem_shared>>) target(%dma_start3A_78 : memref<400x128xf32, #tpu.memory_space<hbm>>) target_semaphore(%run_scoped3A_75 : memref<!tpu.dma_semaphore, #tpu.memory_space<semaphore_mem>>)
        %dma_wait3A_81 = arith.constant 0 : i32
        %dma_wait3A_82 = tpu.memref_slice %arg5[%arg0, %mul3A_74, %dma_wait3A_81] : memref<2x10000x128xf32, #tpu.memory_space<hbm>> -> memref<1x400x128xf32, #tpu.memory_space<hbm>>
        %dma_wait3A_83 = tpu.memref_squeeze %dma_wait3A_82 : memref<1x400x128xf32, #tpu.memory_space<hbm>> -> memref<400x128xf32, #tpu.memory_space<hbm>>
        %dma_wait3A_84 = arith.constant 0 : i32
        %dma_wait3A_85 = tpu.memref_slice %arg6[%mul3A_72, %dma_wait3A_84] : memref<10000x128xf32, #tpu.memory_space<vmem_shared>> -> memref<400x128xf32, #tpu.memory_space<vmem_shared>>
        tpu.wait_dma2 semaphore(%run_scoped3A_75 : memref<!tpu.dma_semaphore, #tpu.memory_space<semaphore_mem>>) src(%dma_wait3A_85 : memref<400x128xf32, #tpu.memory_space<vmem_shared>>) dst(%dma_wait3A_83 : memref<400x128xf32, #tpu.memory_space<hbm>>)
        tpu.yield
      }) : () -> ()
    } else {
    }
    %add3A_64 = arith.constant 16 : i32
    %add3A_65 = arith.addi %arg1, %add3A_64 : i32
    %lt3A_66 = arith.constant 25 : i32
    %lt3A_67 = arith.cmpi slt, %add3A_65, %lt3A_66 : i32
    %convert_element_type3A_68 = arith.extui %lt3A_67 : i1 to i32
    %cond3A_69 = arith.constant 0 : i32
    %cond3A_70 = arith.cmpi ne, %convert_element_type3A_68, %cond3A_69 : i32
    scf.if %cond3A_70 {
      %mul3A_71 = arith.constant 400 : i32
      %mul3A_72 = arith.muli %add3A_65, %mul3A_71 : i32
      %mul3A_73 = arith.constant 400 : i32
      %mul3A_74 = arith.muli %add3A_65, %mul3A_73 : i32
      "tpu.region"() ({
        %run_scoped3A_75 = tpu.sem_alloc : memref<!tpu.dma_semaphore, #tpu.memory_space<semaphore_mem>>
        %dma_start3A_76 = arith.constant 0 : i32
        %dma_start3A_77 = tpu.memref_slice %arg5[%arg0, %mul3A_74, %dma_start3A_76] : memref<2x10000x128xf32, #tpu.memory_space<hbm>> -> memref<1x400x128xf32, #tpu.memory_space<hbm>>
        %dma_start3A_78 = tpu.memref_squeeze %dma_start3A_77 : memref<1x400x128xf32, #tpu.memory_space<hbm>> -> memref<400x128xf32, #tpu.memory_space<hbm>>
        %dma_start3A_79 = arith.constant 0 : i32
        %dma_start3A_80 = tpu.memref_slice %arg6[%mul3A_72, %dma_start3A_79] : memref<10000x128xf32, #tpu.memory_space<vmem_shared>> -> memref<400x128xf32, #tpu.memory_space<vmem_shared>>
        tpu.enqueue_dma source(%dma_start3A_80 : memref<400x128xf32, #tpu.memory_space<vmem_shared>>) target(%dma_start3A_78 : memref<400x128xf32, #tpu.memory_space<hbm>>) target_semaphore(%run_scoped3A_75 : memref<!tpu.dma_semaphore, #tpu.memory_space<semaphore_mem>>)
        %dma_wait3A_81 = arith.constant 0 : i32
        %dma_wait3A_82 = tpu.memref_slice %arg5[%arg0, %mul3A_74, %dma_wait3A_81] : memref<2x10000x128xf32, #tpu.memory_space<hbm>> -> memref<1x400x128xf32, #tpu.memory_space<hbm>>
        %dma_wait3A_83 = tpu.memref_squeeze %dma_wait3A_82 : memref<1x400x128xf32, #tpu.memory_space<hbm>> -> memref<400x128xf32, #tpu.memory_space<hbm>>
        %dma_wait3A_84 = arith.constant 0 : i32
        %dma_wait3A_85 = tpu.memref_slice %arg6[%mul3A_72, %dma_wait3A_84] : memref<10000x128xf32, #tpu.memory_space<vmem_shared>> -> memref<400x128xf32, #tpu.memory_space<vmem_shared>>
        tpu.wait_dma2 semaphore(%run_scoped3A_75 : memref<!tpu.dma_semaphore, #tpu.memory_space<semaphore_mem>>) src(%dma_wait3A_85 : memref<400x128xf32, #tpu.memory_space<vmem_shared>>) dst(%dma_wait3A_83 : memref<400x128xf32, #tpu.memory_space<hbm>>)
        tpu.yield
      }) : () -> ()
    } else {
    }
    return
  }
}

#map = affine_map<(d0, d1) -> (0, 0)>
#map1 = affine_map<(d0, d1) -> (0, 0, 0)>
module attributes {stable_mosaic.version = 14 : i64} {
  func.func @_sc_gather_body(%arg0: i32, %arg1: i32, %arg2: memref<10000x128xf32, #tpu.memory_space<hbm>>, %arg3: memref<32x125x80xi32, #tpu.memory_space<hbm>>, %arg4: memref<320000x128xf32, #tpu.memory_space<hbm>>, %arg5: memref<125x80xi32, #tpu.memory_space<vmem>>, %arg6: memref<80x128xf32, #tpu.memory_space<vmem>>, %arg7: memref<80x128xf32, #tpu.memory_space<vmem>>, %arg8: memref<80x128xf32, #tpu.memory_space<vmem>>, %arg9: memref<!tpu.dma_semaphore, #tpu.memory_space<semaphore_mem>>, %arg10: memref<!tpu.dma_semaphore, #tpu.memory_space<semaphore_mem>>, %arg11: memref<!tpu.dma_semaphore, #tpu.memory_space<semaphore_mem>>, %arg12: memref<!tpu.dma_semaphore, #tpu.memory_space<semaphore_mem>>, %arg13: memref<!tpu.dma_semaphore, #tpu.memory_space<semaphore_mem>>, %arg14: memref<!tpu.dma_semaphore, #tpu.memory_space<semaphore_mem>>, %arg15: memref<!tpu.dma_semaphore, #tpu.memory_space<semaphore_mem>>) attributes {dimension_semantics = [#tpu.dimension_semantics<core_parallel>, #tpu.dimension_semantics<subcore_parallel>], iteration_bounds = array<i64: 2, 16>, scalar_prefetch = 0 : i64, scratch_operands = 11 : i64, tpu.core_type = #tpu.core_type<sc_vector_subcore>, window_params = [{transform_indices = #map}, {transform_indices = #map1}, {transform_indices = #map}]} {
    %mul3A = arith.constant 16 : i32
    %mul3A_0 = arith.muli %arg0, %mul3A : i32
    %add3A = arith.addi %mul3A_0, %arg1 : i32
    %mul3A_1 = arith.constant 125 : i32
    %mul3A_2 = arith.muli %add3A, %mul3A_1 : i32
    %dma_start3A = arith.constant 0 : i32
    %dma_start3A_3 = arith.constant 0 : i32
    %dma_start3A_4 = tpu.memref_slice %arg3[%add3A, %dma_start3A, %dma_start3A_3] : memref<32x125x80xi32, #tpu.memory_space<hbm>> -> memref<1x125x80xi32, #tpu.memory_space<hbm>>
    %dma_start3A_5 = tpu.memref_squeeze %dma_start3A_4 : memref<1x125x80xi32, #tpu.memory_space<hbm>> -> memref<125x80xi32, #tpu.memory_space<hbm>>
    %dma_start3A_6 = arith.constant 0 : i32
    %dma_start3A_7 = arith.constant 0 : i32
    %dma_start3A_8 = tpu.memref_slice %arg3[%add3A, %dma_start3A_6, %dma_start3A_7] : memref<32x125x80xi32, #tpu.memory_space<hbm>> -> memref<1x125x80xi32, #tpu.memory_space<hbm>>
    %dma_start3A_9 = tpu.memref_squeeze %dma_start3A_8 : memref<1x125x80xi32, #tpu.memory_space<hbm>> -> memref<125x80xi32, #tpu.memory_space<hbm>>
    tpu.enqueue_dma source(%dma_start3A_9 : memref<125x80xi32, #tpu.memory_space<hbm>>) target(%arg5 : memref<125x80xi32, #tpu.memory_space<vmem>>) target_semaphore(%arg9 : memref<!tpu.dma_semaphore, #tpu.memory_space<semaphore_mem>>)
    %dma_wait3A = arith.constant 0 : i32
    %dma_wait3A_10 = arith.constant 0 : i32
    %dma_wait3A_11 = tpu.memref_slice %arg3[%add3A, %dma_wait3A, %dma_wait3A_10] : memref<32x125x80xi32, #tpu.memory_space<hbm>> -> memref<1x125x80xi32, #tpu.memory_space<hbm>>
    %dma_wait3A_12 = tpu.memref_squeeze %dma_wait3A_11 : memref<1x125x80xi32, #tpu.memory_space<hbm>> -> memref<125x80xi32, #tpu.memory_space<hbm>>
    %dma_wait3A_13 = arith.constant 0 : i32
    %dma_wait3A_14 = arith.constant 0 : i32
    %dma_wait3A_15 = tpu.memref_slice %arg3[%add3A, %dma_wait3A_13, %dma_wait3A_14] : memref<32x125x80xi32, #tpu.memory_space<hbm>> -> memref<1x125x80xi32, #tpu.memory_space<hbm>>
    %dma_wait3A_16 = tpu.memref_squeeze %dma_wait3A_15 : memref<1x125x80xi32, #tpu.memory_space<hbm>> -> memref<125x80xi32, #tpu.memory_space<hbm>>
    tpu.wait_dma2 semaphore(%arg9 : memref<!tpu.dma_semaphore, #tpu.memory_space<semaphore_mem>>) src(%dma_wait3A_16 : memref<125x80xi32, #tpu.memory_space<hbm>>) dst(%arg5 : memref<125x80xi32, #tpu.memory_space<vmem>>)
    %dma_start3A_17 = arith.constant 0 : i32
    %dma_start3A_18 = arith.constant 0 : i32
    %dma_start3A_19 = tpu.memref_slice %arg5[%dma_start3A_17, %dma_start3A_18] : memref<125x80xi32, #tpu.memory_space<vmem>> -> memref<1x80xi32, #tpu.memory_space<vmem>>
    %dma_start3A_20 = tpu.memref_squeeze %dma_start3A_19 : memref<1x80xi32, #tpu.memory_space<vmem>> -> memref<80xi32, #tpu.memory_space<vmem>>
    %dma_start3A_21 = arith.constant 0 : i32
    %dma_start3A_22 = arith.constant 0 : i32
    %dma_start3A_23 = tpu.memref_slice %arg2[%dma_start3A_21, %dma_start3A_22] : memref<10000x128xf32, #tpu.memory_space<hbm>> -> memref<10000x128xf32, #tpu.memory_space<hbm>>
    tpu.enqueue_indirect_dma source(%dma_start3A_23 : memref<10000x128xf32, #tpu.memory_space<hbm>>) target(%arg6 : memref<80x128xf32, #tpu.memory_space<vmem>>) offsets(%dma_start3A_20 : memref<80xi32, #tpu.memory_space<vmem>>) semaphore(%arg10 : memref<!tpu.dma_semaphore, #tpu.memory_space<semaphore_mem>>)
    %dma_start3A_24 = arith.constant 1 : i32
    %dma_start3A_25 = arith.constant 0 : i32
    %dma_start3A_26 = tpu.memref_slice %arg5[%dma_start3A_24, %dma_start3A_25] : memref<125x80xi32, #tpu.memory_space<vmem>> -> memref<1x80xi32, #tpu.memory_space<vmem>>
    %dma_start3A_27 = tpu.memref_squeeze %dma_start3A_26 : memref<1x80xi32, #tpu.memory_space<vmem>> -> memref<80xi32, #tpu.memory_space<vmem>>
    %dma_start3A_28 = arith.constant 0 : i32
    %dma_start3A_29 = arith.constant 0 : i32
    %dma_start3A_30 = tpu.memref_slice %arg2[%dma_start3A_28, %dma_start3A_29] : memref<10000x128xf32, #tpu.memory_space<hbm>> -> memref<10000x128xf32, #tpu.memory_space<hbm>>
    tpu.enqueue_indirect_dma source(%dma_start3A_30 : memref<10000x128xf32, #tpu.memory_space<hbm>>) target(%arg7 : memref<80x128xf32, #tpu.memory_space<vmem>>) offsets(%dma_start3A_27 : memref<80xi32, #tpu.memory_space<vmem>>) semaphore(%arg11 : memref<!tpu.dma_semaphore, #tpu.memory_space<semaphore_mem>>)
    %scan3A = arith.constant 0 : i32
    %scan3A_31 = arith.constant 41 : i32
    %scan3A_32 = arith.addi %scan3A, %scan3A_31 : i32
    %scan3A_33 = arith.constant 1 : i32
    scf.for %scan3A_89 = %scan3A to %scan3A_32 step %scan3A_33  : i32 {
      %mul3A_90 = arith.constant 1 : i32
      %mul3A_91 = arith.muli %scan3A_89, %mul3A_90 : i32
      %add3A_92 = arith.constant 0 : i32
      %add3A_93 = arith.addi %add3A_92, %mul3A_91 : i32
      %mul3A_94 = arith.constant 3 : i32
      %mul3A_95 = arith.muli %mul3A_94, %add3A_93 : i32
      %add3A_96 = arith.constant 0 : i32
      %add3A_97 = arith.addi %mul3A_95, %add3A_96 : i32
      %dma_wait3A_98 = arith.constant 0 : i32
      %dma_wait3A_99 = tpu.memref_slice %arg5[%add3A_97, %dma_wait3A_98] : memref<125x80xi32, #tpu.memory_space<vmem>> -> memref<1x80xi32, #tpu.memory_space<vmem>>
      %dma_wait3A_100 = tpu.memref_squeeze %dma_wait3A_99 : memref<1x80xi32, #tpu.memory_space<vmem>> -> memref<80xi32, #tpu.memory_space<vmem>>
      %dma_wait3A_101 = arith.constant 0 : i32
      %dma_wait3A_102 = arith.constant 0 : i32
      %dma_wait3A_103 = tpu.memref_slice %arg2[%dma_wait3A_101, %dma_wait3A_102] : memref<10000x128xf32, #tpu.memory_space<hbm>> -> memref<10000x128xf32, #tpu.memory_space<hbm>>
      tpu.wait_indirect_dma semaphore(%arg10 : memref<!tpu.dma_semaphore, #tpu.memory_space<semaphore_mem>>) src(%dma_wait3A_103 : memref<10000x128xf32, #tpu.memory_space<hbm>>) dst(%arg6 : memref<80x128xf32, #tpu.memory_space<vmem>>)
      %add3A_104 = arith.addi %mul3A_2, %add3A_97 : i32
      %mul3A_105 = arith.constant 80 : i32
      %mul3A_106 = arith.muli %add3A_104, %mul3A_105 : i32
      %dma_start3A_107 = arith.constant 0 : i32
      %dma_start3A_108 = tpu.memref_slice %arg4[%mul3A_106, %dma_start3A_107] : memref<320000x128xf32, #tpu.memory_space<hbm>> -> memref<80x128xf32, #tpu.memory_space<hbm>>
      %dma_start3A_109 = arith.constant 0 : i32
      %dma_start3A_110 = tpu.memref_slice %arg4[%mul3A_106, %dma_start3A_109] : memref<320000x128xf32, #tpu.memory_space<hbm>> -> memref<80x128xf32, #tpu.memory_space<hbm>>
      tpu.enqueue_dma source(%arg6 : memref<80x128xf32, #tpu.memory_space<vmem>>) target(%dma_start3A_110 : memref<80x128xf32, #tpu.memory_space<hbm>>) target_semaphore(%arg13 : memref<!tpu.dma_semaphore, #tpu.memory_space<semaphore_mem>>)
      %add3A_111 = arith.constant 2 : i32
      %add3A_112 = arith.addi %add3A_97, %add3A_111 : i32
      %lt3A = arith.constant 125 : i32
      %lt3A_113 = arith.cmpi slt, %add3A_112, %lt3A : i32
      %convert_element_type3A = arith.extui %lt3A_113 : i1 to i32
      %cond3A = arith.constant 0 : i32
      %cond3A_114 = arith.cmpi ne, %convert_element_type3A, %cond3A : i32
      scf.if %cond3A_114 {
        %sub3A = arith.constant 1 : i32
        %sub3A_163 = arith.subi %add3A_97, %sub3A : i32
        %ge3A = arith.constant 0 : i32
        %ge3A_164 = arith.cmpi sge, %sub3A_163, %ge3A : i32
        %convert_element_type3A_165 = arith.extui %ge3A_164 : i1 to i32
        %cond3A_166 = arith.constant 0 : i32
        %cond3A_167 = arith.cmpi ne, %convert_element_type3A_165, %cond3A_166 : i32
        scf.if %cond3A_167 {
          %sub3A_176 = arith.constant 1 : i32
          %sub3A_177 = arith.subi %add3A_97, %sub3A_176 : i32
          %add3A_178 = arith.addi %mul3A_2, %sub3A_177 : i32
          %mul3A_179 = arith.constant 80 : i32
          %mul3A_180 = arith.muli %add3A_178, %mul3A_179 : i32
          %dma_wait3A_181 = arith.constant 0 : i32
          %dma_wait3A_182 = tpu.memref_slice %arg4[%mul3A_180, %dma_wait3A_181] : memref<320000x128xf32, #tpu.memory_space<hbm>> -> memref<80x128xf32, #tpu.memory_space<hbm>>
          %dma_wait3A_183 = arith.constant 0 : i32
          %dma_wait3A_184 = tpu.memref_slice %arg4[%mul3A_180, %dma_wait3A_183] : memref<320000x128xf32, #tpu.memory_space<hbm>> -> memref<80x128xf32, #tpu.memory_space<hbm>>
          tpu.wait_dma2 semaphore(%arg15 : memref<!tpu.dma_semaphore, #tpu.memory_space<semaphore_mem>>) src(%arg8 : memref<80x128xf32, #tpu.memory_space<vmem>>) dst(%dma_wait3A_184 : memref<80x128xf32, #tpu.memory_space<hbm>>)
        } else {
        }
        %add3A_168 = arith.constant 2 : i32
        %add3A_169 = arith.addi %add3A_97, %add3A_168 : i32
        %dma_start3A_170 = arith.constant 0 : i32
        %dma_start3A_171 = tpu.memref_slice %arg5[%add3A_169, %dma_start3A_170] : memref<125x80xi32, #tpu.memory_space<vmem>> -> memref<1x80xi32, #tpu.memory_space<vmem>>
        %dma_start3A_172 = tpu.memref_squeeze %dma_start3A_171 : memref<1x80xi32, #tpu.memory_space<vmem>> -> memref<80xi32, #tpu.memory_space<vmem>>
        %dma_start3A_173 = arith.constant 0 : i32
        %dma_start3A_174 = arith.constant 0 : i32
        %dma_start3A_175 = tpu.memref_slice %arg2[%dma_start3A_173, %dma_start3A_174] : memref<10000x128xf32, #tpu.memory_space<hbm>> -> memref<10000x128xf32, #tpu.memory_space<hbm>>
        tpu.enqueue_indirect_dma source(%dma_start3A_175 : memref<10000x128xf32, #tpu.memory_space<hbm>>) target(%arg8 : memref<80x128xf32, #tpu.memory_space<vmem>>) offsets(%dma_start3A_172 : memref<80xi32, #tpu.memory_space<vmem>>) semaphore(%arg12 : memref<!tpu.dma_semaphore, #tpu.memory_space<semaphore_mem>>)
      } else {
      }
      %mul3A_115 = arith.constant 3 : i32
      %mul3A_116 = arith.muli %mul3A_115, %add3A_93 : i32
      %add3A_117 = arith.constant 1 : i32
      %add3A_118 = arith.addi %mul3A_116, %add3A_117 : i32
      %dma_wait3A_119 = arith.constant 0 : i32
      %dma_wait3A_120 = tpu.memref_slice %arg5[%add3A_118, %dma_wait3A_119] : memref<125x80xi32, #tpu.memory_space<vmem>> -> memref<1x80xi32, #tpu.memory_space<vmem>>
      %dma_wait3A_121 = tpu.memref_squeeze %dma_wait3A_120 : memref<1x80xi32, #tpu.memory_space<vmem>> -> memref<80xi32, #tpu.memory_space<vmem>>
      %dma_wait3A_122 = arith.constant 0 : i32
      %dma_wait3A_123 = arith.constant 0 : i32
      %dma_wait3A_124 = tpu.memref_slice %arg2[%dma_wait3A_122, %dma_wait3A_123] : memref<10000x128xf32, #tpu.memory_space<hbm>> -> memref<10000x128xf32, #tpu.memory_space<hbm>>
      tpu.wait_indirect_dma semaphore(%arg11 : memref<!tpu.dma_semaphore, #tpu.memory_space<semaphore_mem>>) src(%dma_wait3A_124 : memref<10000x128xf32, #tpu.memory_space<hbm>>) dst(%arg7 : memref<80x128xf32, #tpu.memory_space<vmem>>)
      %add3A_125 = arith.addi %mul3A_2, %add3A_118 : i32
      %mul3A_126 = arith.constant 80 : i32
      %mul3A_127 = arith.muli %add3A_125, %mul3A_126 : i32
      %dma_start3A_128 = arith.constant 0 : i32
      %dma_start3A_129 = tpu.memref_slice %arg4[%mul3A_127, %dma_start3A_128] : memref<320000x128xf32, #tpu.memory_space<hbm>> -> memref<80x128xf32, #tpu.memory_space<hbm>>
      %dma_start3A_130 = arith.constant 0 : i32
      %dma_start3A_131 = tpu.memref_slice %arg4[%mul3A_127, %dma_start3A_130] : memref<320000x128xf32, #tpu.memory_space<hbm>> -> memref<80x128xf32, #tpu.memory_space<hbm>>
      tpu.enqueue_dma source(%arg7 : memref<80x128xf32, #tpu.memory_space<vmem>>) target(%dma_start3A_131 : memref<80x128xf32, #tpu.memory_space<hbm>>) target_semaphore(%arg14 : memref<!tpu.dma_semaphore, #tpu.memory_space<semaphore_mem>>)
      %add3A_132 = arith.constant 2 : i32
      %add3A_133 = arith.addi %add3A_118, %add3A_132 : i32
      %lt3A_134 = arith.constant 125 : i32
      %lt3A_135 = arith.cmpi slt, %add3A_133, %lt3A_134 : i32
      %convert_element_type3A_136 = arith.extui %lt3A_135 : i1 to i32
      %cond3A_137 = arith.constant 0 : i32
      %cond3A_138 = arith.cmpi ne, %convert_element_type3A_136, %cond3A_137 : i32
      scf.if %cond3A_138 {
        %sub3A = arith.constant 1 : i32
        %sub3A_163 = arith.subi %add3A_118, %sub3A : i32
        %ge3A = arith.constant 0 : i32
        %ge3A_164 = arith.cmpi sge, %sub3A_163, %ge3A : i32
        %convert_element_type3A_165 = arith.extui %ge3A_164 : i1 to i32
        %cond3A_166 = arith.constant 0 : i32
        %cond3A_167 = arith.cmpi ne, %convert_element_type3A_165, %cond3A_166 : i32
        scf.if %cond3A_167 {
          %sub3A_176 = arith.constant 1 : i32
          %sub3A_177 = arith.subi %add3A_118, %sub3A_176 : i32
          %add3A_178 = arith.addi %mul3A_2, %sub3A_177 : i32
          %mul3A_179 = arith.constant 80 : i32
          %mul3A_180 = arith.muli %add3A_178, %mul3A_179 : i32
          %dma_wait3A_181 = arith.constant 0 : i32
          %dma_wait3A_182 = tpu.memref_slice %arg4[%mul3A_180, %dma_wait3A_181] : memref<320000x128xf32, #tpu.memory_space<hbm>> -> memref<80x128xf32, #tpu.memory_space<hbm>>
          %dma_wait3A_183 = arith.constant 0 : i32
          %dma_wait3A_184 = tpu.memref_slice %arg4[%mul3A_180, %dma_wait3A_183] : memref<320000x128xf32, #tpu.memory_space<hbm>> -> memref<80x128xf32, #tpu.memory_space<hbm>>
          tpu.wait_dma2 semaphore(%arg13 : memref<!tpu.dma_semaphore, #tpu.memory_space<semaphore_mem>>) src(%arg6 : memref<80x128xf32, #tpu.memory_space<vmem>>) dst(%dma_wait3A_184 : memref<80x128xf32, #tpu.memory_space<hbm>>)
        } else {
        }
        %add3A_168 = arith.constant 2 : i32
        %add3A_169 = arith.addi %add3A_118, %add3A_168 : i32
        %dma_start3A_170 = arith.constant 0 : i32
        %dma_start3A_171 = tpu.memref_slice %arg5[%add3A_169, %dma_start3A_170] : memref<125x80xi32, #tpu.memory_space<vmem>> -> memref<1x80xi32, #tpu.memory_space<vmem>>
        %dma_start3A_172 = tpu.memref_squeeze %dma_start3A_171 : memref<1x80xi32, #tpu.memory_space<vmem>> -> memref<80xi32, #tpu.memory_space<vmem>>
        %dma_start3A_173 = arith.constant 0 : i32
        %dma_start3A_174 = arith.constant 0 : i32
        %dma_start3A_175 = tpu.memref_slice %arg2[%dma_start3A_173, %dma_start3A_174] : memref<10000x128xf32, #tpu.memory_space<hbm>> -> memref<10000x128xf32, #tpu.memory_space<hbm>>
        tpu.enqueue_indirect_dma source(%dma_start3A_175 : memref<10000x128xf32, #tpu.memory_space<hbm>>) target(%arg6 : memref<80x128xf32, #tpu.memory_space<vmem>>) offsets(%dma_start3A_172 : memref<80xi32, #tpu.memory_space<vmem>>) semaphore(%arg10 : memref<!tpu.dma_semaphore, #tpu.memory_space<semaphore_mem>>)
      } else {
      }
      %mul3A_139 = arith.constant 3 : i32
      %mul3A_140 = arith.muli %mul3A_139, %add3A_93 : i32
      %add3A_141 = arith.constant 2 : i32
      %add3A_142 = arith.addi %mul3A_140, %add3A_141 : i32
      %dma_wait3A_143 = arith.constant 0 : i32
      %dma_wait3A_144 = tpu.memref_slice %arg5[%add3A_142, %dma_wait3A_143] : memref<125x80xi32, #tpu.memory_space<vmem>> -> memref<1x80xi32, #tpu.memory_space<vmem>>
      %dma_wait3A_145 = tpu.memref_squeeze %dma_wait3A_144 : memref<1x80xi32, #tpu.memory_space<vmem>> -> memref<80xi32, #tpu.memory_space<vmem>>
      %dma_wait3A_146 = arith.constant 0 : i32
      %dma_wait3A_147 = arith.constant 0 : i32
      %dma_wait3A_148 = tpu.memref_slice %arg2[%dma_wait3A_146, %dma_wait3A_147] : memref<10000x128xf32, #tpu.memory_space<hbm>> -> memref<10000x128xf32, #tpu.memory_space<hbm>>
      tpu.wait_indirect_dma semaphore(%arg12 : memref<!tpu.dma_semaphore, #tpu.memory_space<semaphore_mem>>) src(%dma_wait3A_148 : memref<10000x128xf32, #tpu.memory_space<hbm>>) dst(%arg8 : memref<80x128xf32, #tpu.memory_space<vmem>>)
      %add3A_149 = arith.addi %mul3A_2, %add3A_142 : i32
      %mul3A_150 = arith.constant 80 : i32
      %mul3A_151 = arith.muli %add3A_149, %mul3A_150 : i32
      %dma_start3A_152 = arith.constant 0 : i32
      %dma_start3A_153 = tpu.memref_slice %arg4[%mul3A_151, %dma_start3A_152] : memref<320000x128xf32, #tpu.memory_space<hbm>> -> memref<80x128xf32, #tpu.memory_space<hbm>>
      %dma_start3A_154 = arith.constant 0 : i32
      %dma_start3A_155 = tpu.memref_slice %arg4[%mul3A_151, %dma_start3A_154] : memref<320000x128xf32, #tpu.memory_space<hbm>> -> memref<80x128xf32, #tpu.memory_space<hbm>>
      tpu.enqueue_dma source(%arg8 : memref<80x128xf32, #tpu.memory_space<vmem>>) target(%dma_start3A_155 : memref<80x128xf32, #tpu.memory_space<hbm>>) target_semaphore(%arg15 : memref<!tpu.dma_semaphore, #tpu.memory_space<semaphore_mem>>)
      %add3A_156 = arith.constant 2 : i32
      %add3A_157 = arith.addi %add3A_142, %add3A_156 : i32
      %lt3A_158 = arith.constant 125 : i32
      %lt3A_159 = arith.cmpi slt, %add3A_157, %lt3A_158 : i32
      %convert_element_type3A_160 = arith.extui %lt3A_159 : i1 to i32
      %cond3A_161 = arith.constant 0 : i32
      %cond3A_162 = arith.cmpi ne, %convert_element_type3A_160, %cond3A_161 : i32
      scf.if %cond3A_162 {
        %sub3A = arith.constant 1 : i32
        %sub3A_163 = arith.subi %add3A_142, %sub3A : i32
        %ge3A = arith.constant 0 : i32
        %ge3A_164 = arith.cmpi sge, %sub3A_163, %ge3A : i32
        %convert_element_type3A_165 = arith.extui %ge3A_164 : i1 to i32
        %cond3A_166 = arith.constant 0 : i32
        %cond3A_167 = arith.cmpi ne, %convert_element_type3A_165, %cond3A_166 : i32
        scf.if %cond3A_167 {
          %sub3A_176 = arith.constant 1 : i32
          %sub3A_177 = arith.subi %add3A_142, %sub3A_176 : i32
          %add3A_178 = arith.addi %mul3A_2, %sub3A_177 : i32
          %mul3A_179 = arith.constant 80 : i32
          %mul3A_180 = arith.muli %add3A_178, %mul3A_179 : i32
          %dma_wait3A_181 = arith.constant 0 : i32
          %dma_wait3A_182 = tpu.memref_slice %arg4[%mul3A_180, %dma_wait3A_181] : memref<320000x128xf32, #tpu.memory_space<hbm>> -> memref<80x128xf32, #tpu.memory_space<hbm>>
          %dma_wait3A_183 = arith.constant 0 : i32
          %dma_wait3A_184 = tpu.memref_slice %arg4[%mul3A_180, %dma_wait3A_183] : memref<320000x128xf32, #tpu.memory_space<hbm>> -> memref<80x128xf32, #tpu.memory_space<hbm>>
          tpu.wait_dma2 semaphore(%arg14 : memref<!tpu.dma_semaphore, #tpu.memory_space<semaphore_mem>>) src(%arg7 : memref<80x128xf32, #tpu.memory_space<vmem>>) dst(%dma_wait3A_184 : memref<80x128xf32, #tpu.memory_space<hbm>>)
        } else {
        }
        %add3A_168 = arith.constant 2 : i32
        %add3A_169 = arith.addi %add3A_142, %add3A_168 : i32
        %dma_start3A_170 = arith.constant 0 : i32
        %dma_start3A_171 = tpu.memref_slice %arg5[%add3A_169, %dma_start3A_170] : memref<125x80xi32, #tpu.memory_space<vmem>> -> memref<1x80xi32, #tpu.memory_space<vmem>>
        %dma_start3A_172 = tpu.memref_squeeze %dma_start3A_171 : memref<1x80xi32, #tpu.memory_space<vmem>> -> memref<80xi32, #tpu.memory_space<vmem>>
        %dma_start3A_173 = arith.constant 0 : i32
        %dma_start3A_174 = arith.constant 0 : i32
        %dma_start3A_175 = tpu.memref_slice %arg2[%dma_start3A_173, %dma_start3A_174] : memref<10000x128xf32, #tpu.memory_space<hbm>> -> memref<10000x128xf32, #tpu.memory_space<hbm>>
        tpu.enqueue_indirect_dma source(%dma_start3A_175 : memref<10000x128xf32, #tpu.memory_space<hbm>>) target(%arg7 : memref<80x128xf32, #tpu.memory_space<vmem>>) offsets(%dma_start3A_172 : memref<80xi32, #tpu.memory_space<vmem>>) semaphore(%arg11 : memref<!tpu.dma_semaphore, #tpu.memory_space<semaphore_mem>>)
      } else {
      }
    }
    %scan3A_34 = arith.constant 41 : i32
    %dma_wait3A_35 = arith.constant 123 : i32
    %dma_wait3A_36 = arith.constant 0 : i32
    %dma_wait3A_37 = tpu.memref_slice %arg5[%dma_wait3A_35, %dma_wait3A_36] : memref<125x80xi32, #tpu.memory_space<vmem>> -> memref<1x80xi32, #tpu.memory_space<vmem>>
    %dma_wait3A_38 = tpu.memref_squeeze %dma_wait3A_37 : memref<1x80xi32, #tpu.memory_space<vmem>> -> memref<80xi32, #tpu.memory_space<vmem>>
    %dma_wait3A_39 = arith.constant 0 : i32
    %dma_wait3A_40 = arith.constant 0 : i32
    %dma_wait3A_41 = tpu.memref_slice %arg2[%dma_wait3A_39, %dma_wait3A_40] : memref<10000x128xf32, #tpu.memory_space<hbm>> -> memref<10000x128xf32, #tpu.memory_space<hbm>>
    tpu.wait_indirect_dma semaphore(%arg10 : memref<!tpu.dma_semaphore, #tpu.memory_space<semaphore_mem>>) src(%dma_wait3A_41 : memref<10000x128xf32, #tpu.memory_space<hbm>>) dst(%arg6 : memref<80x128xf32, #tpu.memory_space<vmem>>)
    %add3A_42 = arith.constant 123 : i32
    %add3A_43 = arith.addi %mul3A_2, %add3A_42 : i32
    %mul3A_44 = arith.constant 80 : i32
    %mul3A_45 = arith.muli %add3A_43, %mul3A_44 : i32
    %dma_start3A_46 = arith.constant 0 : i32
    %dma_start3A_47 = tpu.memref_slice %arg4[%mul3A_45, %dma_start3A_46] : memref<320000x128xf32, #tpu.memory_space<hbm>> -> memref<80x128xf32, #tpu.memory_space<hbm>>
    %dma_start3A_48 = arith.constant 0 : i32
    %dma_start3A_49 = tpu.memref_slice %arg4[%mul3A_45, %dma_start3A_48] : memref<320000x128xf32, #tpu.memory_space<hbm>> -> memref<80x128xf32, #tpu.memory_space<hbm>>
    tpu.enqueue_dma source(%arg6 : memref<80x128xf32, #tpu.memory_space<vmem>>) target(%dma_start3A_49 : memref<80x128xf32, #tpu.memory_space<hbm>>) target_semaphore(%arg13 : memref<!tpu.dma_semaphore, #tpu.memory_space<semaphore_mem>>)
    %dma_wait3A_50 = arith.constant 124 : i32
    %dma_wait3A_51 = arith.constant 0 : i32
    %dma_wait3A_52 = tpu.memref_slice %arg5[%dma_wait3A_50, %dma_wait3A_51] : memref<125x80xi32, #tpu.memory_space<vmem>> -> memref<1x80xi32, #tpu.memory_space<vmem>>
    %dma_wait3A_53 = tpu.memref_squeeze %dma_wait3A_52 : memref<1x80xi32, #tpu.memory_space<vmem>> -> memref<80xi32, #tpu.memory_space<vmem>>
    %dma_wait3A_54 = arith.constant 0 : i32
    %dma_wait3A_55 = arith.constant 0 : i32
    %dma_wait3A_56 = tpu.memref_slice %arg2[%dma_wait3A_54, %dma_wait3A_55] : memref<10000x128xf32, #tpu.memory_space<hbm>> -> memref<10000x128xf32, #tpu.memory_space<hbm>>
    tpu.wait_indirect_dma semaphore(%arg11 : memref<!tpu.dma_semaphore, #tpu.memory_space<semaphore_mem>>) src(%dma_wait3A_56 : memref<10000x128xf32, #tpu.memory_space<hbm>>) dst(%arg7 : memref<80x128xf32, #tpu.memory_space<vmem>>)
    %add3A_57 = arith.constant 124 : i32
    %add3A_58 = arith.addi %mul3A_2, %add3A_57 : i32
    %mul3A_59 = arith.constant 80 : i32
    %mul3A_60 = arith.muli %add3A_58, %mul3A_59 : i32
    %dma_start3A_61 = arith.constant 0 : i32
    %dma_start3A_62 = tpu.memref_slice %arg4[%mul3A_60, %dma_start3A_61] : memref<320000x128xf32, #tpu.memory_space<hbm>> -> memref<80x128xf32, #tpu.memory_space<hbm>>
    %dma_start3A_63 = arith.constant 0 : i32
    %dma_start3A_64 = tpu.memref_slice %arg4[%mul3A_60, %dma_start3A_63] : memref<320000x128xf32, #tpu.memory_space<hbm>> -> memref<80x128xf32, #tpu.memory_space<hbm>>
    tpu.enqueue_dma source(%arg7 : memref<80x128xf32, #tpu.memory_space<vmem>>) target(%dma_start3A_64 : memref<80x128xf32, #tpu.memory_space<hbm>>) target_semaphore(%arg14 : memref<!tpu.dma_semaphore, #tpu.memory_space<semaphore_mem>>)
    %add3A_65 = arith.constant 122 : i32
    %add3A_66 = arith.addi %mul3A_2, %add3A_65 : i32
    %mul3A_67 = arith.constant 80 : i32
    %mul3A_68 = arith.muli %add3A_66, %mul3A_67 : i32
    %dma_wait3A_69 = arith.constant 0 : i32
    %dma_wait3A_70 = tpu.memref_slice %arg4[%mul3A_68, %dma_wait3A_69] : memref<320000x128xf32, #tpu.memory_space<hbm>> -> memref<80x128xf32, #tpu.memory_space<hbm>>
    %dma_wait3A_71 = arith.constant 0 : i32
    %dma_wait3A_72 = tpu.memref_slice %arg4[%mul3A_68, %dma_wait3A_71] : memref<320000x128xf32, #tpu.memory_space<hbm>> -> memref<80x128xf32, #tpu.memory_space<hbm>>
    tpu.wait_dma2 semaphore(%arg15 : memref<!tpu.dma_semaphore, #tpu.memory_space<semaphore_mem>>) src(%arg8 : memref<80x128xf32, #tpu.memory_space<vmem>>) dst(%dma_wait3A_72 : memref<80x128xf32, #tpu.memory_space<hbm>>)
    %add3A_73 = arith.constant 123 : i32
    %add3A_74 = arith.addi %mul3A_2, %add3A_73 : i32
    %mul3A_75 = arith.constant 80 : i32
    %mul3A_76 = arith.muli %add3A_74, %mul3A_75 : i32
    %dma_wait3A_77 = arith.constant 0 : i32
    %dma_wait3A_78 = tpu.memref_slice %arg4[%mul3A_76, %dma_wait3A_77] : memref<320000x128xf32, #tpu.memory_space<hbm>> -> memref<80x128xf32, #tpu.memory_space<hbm>>
    %dma_wait3A_79 = arith.constant 0 : i32
    %dma_wait3A_80 = tpu.memref_slice %arg4[%mul3A_76, %dma_wait3A_79] : memref<320000x128xf32, #tpu.memory_space<hbm>> -> memref<80x128xf32, #tpu.memory_space<hbm>>
    tpu.wait_dma2 semaphore(%arg13 : memref<!tpu.dma_semaphore, #tpu.memory_space<semaphore_mem>>) src(%arg6 : memref<80x128xf32, #tpu.memory_space<vmem>>) dst(%dma_wait3A_80 : memref<80x128xf32, #tpu.memory_space<hbm>>)
    %add3A_81 = arith.constant 124 : i32
    %add3A_82 = arith.addi %mul3A_2, %add3A_81 : i32
    %mul3A_83 = arith.constant 80 : i32
    %mul3A_84 = arith.muli %add3A_82, %mul3A_83 : i32
    %dma_wait3A_85 = arith.constant 0 : i32
    %dma_wait3A_86 = tpu.memref_slice %arg4[%mul3A_84, %dma_wait3A_85] : memref<320000x128xf32, #tpu.memory_space<hbm>> -> memref<80x128xf32, #tpu.memory_space<hbm>>
    %dma_wait3A_87 = arith.constant 0 : i32
    %dma_wait3A_88 = tpu.memref_slice %arg4[%mul3A_84, %dma_wait3A_87] : memref<320000x128xf32, #tpu.memory_space<hbm>> -> memref<80x128xf32, #tpu.memory_space<hbm>>
    tpu.wait_dma2 semaphore(%arg14 : memref<!tpu.dma_semaphore, #tpu.memory_space<semaphore_mem>>) src(%arg7 : memref<80x128xf32, #tpu.memory_space<vmem>>) dst(%dma_wait3A_88 : memref<80x128xf32, #tpu.memory_space<hbm>>)
    return
  }
}

#map = affine_map<(d0, d1) -> (0, 0)>
#map1 = affine_map<(d0, d1) -> (0, 0, 0)>
module attributes {stable_mosaic.version = 14 : i64} {
  func.func @_sc_gather_body(%arg0: i32, %arg1: i32, %arg2: memref<10000x128xf32, #tpu.memory_space<hbm>>, %arg3: memref<32x125x80xi32, #tpu.memory_space<hbm>>, %arg4: memref<320000x128xf32, #tpu.memory_space<hbm>>, %arg5: memref<125x80xi32, #tpu.memory_space<vmem>>, %arg6: memref<80x128xf32, #tpu.memory_space<vmem>>, %arg7: memref<80x128xf32, #tpu.memory_space<vmem>>, %arg8: memref<80x128xf32, #tpu.memory_space<vmem>>, %arg9: memref<!tpu.dma_semaphore, #tpu.memory_space<semaphore_mem>>, %arg10: memref<!tpu.dma_semaphore, #tpu.memory_space<semaphore_mem>>, %arg11: memref<!tpu.dma_semaphore, #tpu.memory_space<semaphore_mem>>, %arg12: memref<!tpu.dma_semaphore, #tpu.memory_space<semaphore_mem>>, %arg13: memref<!tpu.dma_semaphore, #tpu.memory_space<semaphore_mem>>, %arg14: memref<!tpu.dma_semaphore, #tpu.memory_space<semaphore_mem>>, %arg15: memref<!tpu.dma_semaphore, #tpu.memory_space<semaphore_mem>>) attributes {dimension_semantics = [#tpu.dimension_semantics<core_parallel>, #tpu.dimension_semantics<subcore_parallel>], iteration_bounds = array<i64: 2, 16>, scalar_prefetch = 0 : i64, scratch_operands = 11 : i64, tpu.core_type = #tpu.core_type<sc_vector_subcore>, window_params = [{transform_indices = #map}, {transform_indices = #map1}, {transform_indices = #map}]} {
    %mul3A = arith.constant 16 : i32
    %mul3A_0 = arith.muli %arg0, %mul3A : i32
    %add3A = arith.addi %mul3A_0, %arg1 : i32
    %mul3A_1 = arith.constant 125 : i32
    %mul3A_2 = arith.muli %add3A, %mul3A_1 : i32
    %dma_start3A = arith.constant 0 : i32
    %dma_start3A_3 = arith.constant 0 : i32
    %dma_start3A_4 = tpu.memref_slice %arg3[%add3A, %dma_start3A, %dma_start3A_3] : memref<32x125x80xi32, #tpu.memory_space<hbm>> -> memref<1x125x80xi32, #tpu.memory_space<hbm>>
    %dma_start3A_5 = tpu.memref_squeeze %dma_start3A_4 : memref<1x125x80xi32, #tpu.memory_space<hbm>> -> memref<125x80xi32, #tpu.memory_space<hbm>>
    %dma_start3A_6 = arith.constant 0 : i32
    %dma_start3A_7 = arith.constant 0 : i32
    %dma_start3A_8 = tpu.memref_slice %arg3[%add3A, %dma_start3A_6, %dma_start3A_7] : memref<32x125x80xi32, #tpu.memory_space<hbm>> -> memref<1x125x80xi32, #tpu.memory_space<hbm>>
    %dma_start3A_9 = tpu.memref_squeeze %dma_start3A_8 : memref<1x125x80xi32, #tpu.memory_space<hbm>> -> memref<125x80xi32, #tpu.memory_space<hbm>>
    tpu.enqueue_dma source(%dma_start3A_9 : memref<125x80xi32, #tpu.memory_space<hbm>>) target(%arg5 : memref<125x80xi32, #tpu.memory_space<vmem>>) target_semaphore(%arg9 : memref<!tpu.dma_semaphore, #tpu.memory_space<semaphore_mem>>)
    %dma_wait3A = arith.constant 0 : i32
    %dma_wait3A_10 = arith.constant 0 : i32
    %dma_wait3A_11 = tpu.memref_slice %arg3[%add3A, %dma_wait3A, %dma_wait3A_10] : memref<32x125x80xi32, #tpu.memory_space<hbm>> -> memref<1x125x80xi32, #tpu.memory_space<hbm>>
    %dma_wait3A_12 = tpu.memref_squeeze %dma_wait3A_11 : memref<1x125x80xi32, #tpu.memory_space<hbm>> -> memref<125x80xi32, #tpu.memory_space<hbm>>
    %dma_wait3A_13 = arith.constant 0 : i32
    %dma_wait3A_14 = arith.constant 0 : i32
    %dma_wait3A_15 = tpu.memref_slice %arg3[%add3A, %dma_wait3A_13, %dma_wait3A_14] : memref<32x125x80xi32, #tpu.memory_space<hbm>> -> memref<1x125x80xi32, #tpu.memory_space<hbm>>
    %dma_wait3A_16 = tpu.memref_squeeze %dma_wait3A_15 : memref<1x125x80xi32, #tpu.memory_space<hbm>> -> memref<125x80xi32, #tpu.memory_space<hbm>>
    tpu.wait_dma2 semaphore(%arg9 : memref<!tpu.dma_semaphore, #tpu.memory_space<semaphore_mem>>) src(%dma_wait3A_16 : memref<125x80xi32, #tpu.memory_space<hbm>>) dst(%arg5 : memref<125x80xi32, #tpu.memory_space<vmem>>)
    %dma_start3A_17 = arith.constant 0 : i32
    %dma_start3A_18 = arith.constant 0 : i32
    %dma_start3A_19 = tpu.memref_slice %arg5[%dma_start3A_17, %dma_start3A_18] : memref<125x80xi32, #tpu.memory_space<vmem>> -> memref<1x80xi32, #tpu.memory_space<vmem>>
    %dma_start3A_20 = tpu.memref_squeeze %dma_start3A_19 : memref<1x80xi32, #tpu.memory_space<vmem>> -> memref<80xi32, #tpu.memory_space<vmem>>
    %dma_start3A_21 = arith.constant 0 : i32
    %dma_start3A_22 = arith.constant 0 : i32
    %dma_start3A_23 = tpu.memref_slice %arg2[%dma_start3A_21, %dma_start3A_22] : memref<10000x128xf32, #tpu.memory_space<hbm>> -> memref<10000x128xf32, #tpu.memory_space<hbm>>
    tpu.enqueue_indirect_dma source(%dma_start3A_23 : memref<10000x128xf32, #tpu.memory_space<hbm>>) target(%arg6 : memref<80x128xf32, #tpu.memory_space<vmem>>) offsets(%dma_start3A_20 : memref<80xi32, #tpu.memory_space<vmem>>) semaphore(%arg10 : memref<!tpu.dma_semaphore, #tpu.memory_space<semaphore_mem>>)
    %dma_start3A_24 = arith.constant 1 : i32
    %dma_start3A_25 = arith.constant 0 : i32
    %dma_start3A_26 = tpu.memref_slice %arg5[%dma_start3A_24, %dma_start3A_25] : memref<125x80xi32, #tpu.memory_space<vmem>> -> memref<1x80xi32, #tpu.memory_space<vmem>>
    %dma_start3A_27 = tpu.memref_squeeze %dma_start3A_26 : memref<1x80xi32, #tpu.memory_space<vmem>> -> memref<80xi32, #tpu.memory_space<vmem>>
    %dma_start3A_28 = arith.constant 0 : i32
    %dma_start3A_29 = arith.constant 0 : i32
    %dma_start3A_30 = tpu.memref_slice %arg2[%dma_start3A_28, %dma_start3A_29] : memref<10000x128xf32, #tpu.memory_space<hbm>> -> memref<10000x128xf32, #tpu.memory_space<hbm>>
    tpu.enqueue_indirect_dma source(%dma_start3A_30 : memref<10000x128xf32, #tpu.memory_space<hbm>>) target(%arg7 : memref<80x128xf32, #tpu.memory_space<vmem>>) offsets(%dma_start3A_27 : memref<80xi32, #tpu.memory_space<vmem>>) semaphore(%arg11 : memref<!tpu.dma_semaphore, #tpu.memory_space<semaphore_mem>>)
    %scan3A = arith.constant 0 : i32
    %scan3A_31 = arith.constant 41 : i32
    %scan3A_32 = arith.addi %scan3A, %scan3A_31 : i32
    %scan3A_33 = arith.constant 1 : i32
    scf.for %scan3A_89 = %scan3A to %scan3A_32 step %scan3A_33  : i32 {
      %mul3A_90 = arith.constant 1 : i32
      %mul3A_91 = arith.muli %scan3A_89, %mul3A_90 : i32
      %add3A_92 = arith.constant 0 : i32
      %add3A_93 = arith.addi %add3A_92, %mul3A_91 : i32
      %mul3A_94 = arith.constant 3 : i32
      %mul3A_95 = arith.muli %mul3A_94, %add3A_93 : i32
      %add3A_96 = arith.constant 0 : i32
      %add3A_97 = arith.addi %mul3A_95, %add3A_96 : i32
      %dma_wait3A_98 = arith.constant 0 : i32
      %dma_wait3A_99 = tpu.memref_slice %arg5[%add3A_97, %dma_wait3A_98] : memref<125x80xi32, #tpu.memory_space<vmem>> -> memref<1x80xi32, #tpu.memory_space<vmem>>
      %dma_wait3A_100 = tpu.memref_squeeze %dma_wait3A_99 : memref<1x80xi32, #tpu.memory_space<vmem>> -> memref<80xi32, #tpu.memory_space<vmem>>
      %dma_wait3A_101 = arith.constant 0 : i32
      %dma_wait3A_102 = arith.constant 0 : i32
      %dma_wait3A_103 = tpu.memref_slice %arg2[%dma_wait3A_101, %dma_wait3A_102] : memref<10000x128xf32, #tpu.memory_space<hbm>> -> memref<10000x128xf32, #tpu.memory_space<hbm>>
      tpu.wait_indirect_dma semaphore(%arg10 : memref<!tpu.dma_semaphore, #tpu.memory_space<semaphore_mem>>) src(%dma_wait3A_103 : memref<10000x128xf32, #tpu.memory_space<hbm>>) dst(%arg6 : memref<80x128xf32, #tpu.memory_space<vmem>>)
      %add3A_104 = arith.addi %mul3A_2, %add3A_97 : i32
      %mul3A_105 = arith.constant 80 : i32
      %mul3A_106 = arith.muli %add3A_104, %mul3A_105 : i32
      %dma_start3A_107 = arith.constant 0 : i32
      %dma_start3A_108 = tpu.memref_slice %arg4[%mul3A_106, %dma_start3A_107] : memref<320000x128xf32, #tpu.memory_space<hbm>> -> memref<80x128xf32, #tpu.memory_space<hbm>>
      %dma_start3A_109 = arith.constant 0 : i32
      %dma_start3A_110 = tpu.memref_slice %arg4[%mul3A_106, %dma_start3A_109] : memref<320000x128xf32, #tpu.memory_space<hbm>> -> memref<80x128xf32, #tpu.memory_space<hbm>>
      tpu.enqueue_dma source(%arg6 : memref<80x128xf32, #tpu.memory_space<vmem>>) target(%dma_start3A_110 : memref<80x128xf32, #tpu.memory_space<hbm>>) target_semaphore(%arg13 : memref<!tpu.dma_semaphore, #tpu.memory_space<semaphore_mem>>)
      %add3A_111 = arith.constant 2 : i32
      %add3A_112 = arith.addi %add3A_97, %add3A_111 : i32
      %lt3A = arith.constant 125 : i32
      %lt3A_113 = arith.cmpi slt, %add3A_112, %lt3A : i32
      %convert_element_type3A = arith.extui %lt3A_113 : i1 to i32
      %cond3A = arith.constant 0 : i32
      %cond3A_114 = arith.cmpi ne, %convert_element_type3A, %cond3A : i32
      scf.if %cond3A_114 {
        %sub3A = arith.constant 1 : i32
        %sub3A_163 = arith.subi %add3A_97, %sub3A : i32
        %ge3A = arith.constant 0 : i32
        %ge3A_164 = arith.cmpi sge, %sub3A_163, %ge3A : i32
        %convert_element_type3A_165 = arith.extui %ge3A_164 : i1 to i32
        %cond3A_166 = arith.constant 0 : i32
        %cond3A_167 = arith.cmpi ne, %convert_element_type3A_165, %cond3A_166 : i32
        scf.if %cond3A_167 {
          %sub3A_176 = arith.constant 1 : i32
          %sub3A_177 = arith.subi %add3A_97, %sub3A_176 : i32
          %add3A_178 = arith.addi %mul3A_2, %sub3A_177 : i32
          %mul3A_179 = arith.constant 80 : i32
          %mul3A_180 = arith.muli %add3A_178, %mul3A_179 : i32
          %dma_wait3A_181 = arith.constant 0 : i32
          %dma_wait3A_182 = tpu.memref_slice %arg4[%mul3A_180, %dma_wait3A_181] : memref<320000x128xf32, #tpu.memory_space<hbm>> -> memref<80x128xf32, #tpu.memory_space<hbm>>
          %dma_wait3A_183 = arith.constant 0 : i32
          %dma_wait3A_184 = tpu.memref_slice %arg4[%mul3A_180, %dma_wait3A_183] : memref<320000x128xf32, #tpu.memory_space<hbm>> -> memref<80x128xf32, #tpu.memory_space<hbm>>
          tpu.wait_dma2 semaphore(%arg15 : memref<!tpu.dma_semaphore, #tpu.memory_space<semaphore_mem>>) src(%arg8 : memref<80x128xf32, #tpu.memory_space<vmem>>) dst(%dma_wait3A_184 : memref<80x128xf32, #tpu.memory_space<hbm>>)
        } else {
        }
        %add3A_168 = arith.constant 2 : i32
        %add3A_169 = arith.addi %add3A_97, %add3A_168 : i32
        %dma_start3A_170 = arith.constant 0 : i32
        %dma_start3A_171 = tpu.memref_slice %arg5[%add3A_169, %dma_start3A_170] : memref<125x80xi32, #tpu.memory_space<vmem>> -> memref<1x80xi32, #tpu.memory_space<vmem>>
        %dma_start3A_172 = tpu.memref_squeeze %dma_start3A_171 : memref<1x80xi32, #tpu.memory_space<vmem>> -> memref<80xi32, #tpu.memory_space<vmem>>
        %dma_start3A_173 = arith.constant 0 : i32
        %dma_start3A_174 = arith.constant 0 : i32
        %dma_start3A_175 = tpu.memref_slice %arg2[%dma_start3A_173, %dma_start3A_174] : memref<10000x128xf32, #tpu.memory_space<hbm>> -> memref<10000x128xf32, #tpu.memory_space<hbm>>
        tpu.enqueue_indirect_dma source(%dma_start3A_175 : memref<10000x128xf32, #tpu.memory_space<hbm>>) target(%arg8 : memref<80x128xf32, #tpu.memory_space<vmem>>) offsets(%dma_start3A_172 : memref<80xi32, #tpu.memory_space<vmem>>) semaphore(%arg12 : memref<!tpu.dma_semaphore, #tpu.memory_space<semaphore_mem>>)
      } else {
      }
      %mul3A_115 = arith.constant 3 : i32
      %mul3A_116 = arith.muli %mul3A_115, %add3A_93 : i32
      %add3A_117 = arith.constant 1 : i32
      %add3A_118 = arith.addi %mul3A_116, %add3A_117 : i32
      %dma_wait3A_119 = arith.constant 0 : i32
      %dma_wait3A_120 = tpu.memref_slice %arg5[%add3A_118, %dma_wait3A_119] : memref<125x80xi32, #tpu.memory_space<vmem>> -> memref<1x80xi32, #tpu.memory_space<vmem>>
      %dma_wait3A_121 = tpu.memref_squeeze %dma_wait3A_120 : memref<1x80xi32, #tpu.memory_space<vmem>> -> memref<80xi32, #tpu.memory_space<vmem>>
      %dma_wait3A_122 = arith.constant 0 : i32
      %dma_wait3A_123 = arith.constant 0 : i32
      %dma_wait3A_124 = tpu.memref_slice %arg2[%dma_wait3A_122, %dma_wait3A_123] : memref<10000x128xf32, #tpu.memory_space<hbm>> -> memref<10000x128xf32, #tpu.memory_space<hbm>>
      tpu.wait_indirect_dma semaphore(%arg11 : memref<!tpu.dma_semaphore, #tpu.memory_space<semaphore_mem>>) src(%dma_wait3A_124 : memref<10000x128xf32, #tpu.memory_space<hbm>>) dst(%arg7 : memref<80x128xf32, #tpu.memory_space<vmem>>)
      %add3A_125 = arith.addi %mul3A_2, %add3A_118 : i32
      %mul3A_126 = arith.constant 80 : i32
      %mul3A_127 = arith.muli %add3A_125, %mul3A_126 : i32
      %dma_start3A_128 = arith.constant 0 : i32
      %dma_start3A_129 = tpu.memref_slice %arg4[%mul3A_127, %dma_start3A_128] : memref<320000x128xf32, #tpu.memory_space<hbm>> -> memref<80x128xf32, #tpu.memory_space<hbm>>
      %dma_start3A_130 = arith.constant 0 : i32
      %dma_start3A_131 = tpu.memref_slice %arg4[%mul3A_127, %dma_start3A_130] : memref<320000x128xf32, #tpu.memory_space<hbm>> -> memref<80x128xf32, #tpu.memory_space<hbm>>
      tpu.enqueue_dma source(%arg7 : memref<80x128xf32, #tpu.memory_space<vmem>>) target(%dma_start3A_131 : memref<80x128xf32, #tpu.memory_space<hbm>>) target_semaphore(%arg14 : memref<!tpu.dma_semaphore, #tpu.memory_space<semaphore_mem>>)
      %add3A_132 = arith.constant 2 : i32
      %add3A_133 = arith.addi %add3A_118, %add3A_132 : i32
      %lt3A_134 = arith.constant 125 : i32
      %lt3A_135 = arith.cmpi slt, %add3A_133, %lt3A_134 : i32
      %convert_element_type3A_136 = arith.extui %lt3A_135 : i1 to i32
      %cond3A_137 = arith.constant 0 : i32
      %cond3A_138 = arith.cmpi ne, %convert_element_type3A_136, %cond3A_137 : i32
      scf.if %cond3A_138 {
        %sub3A = arith.constant 1 : i32
        %sub3A_163 = arith.subi %add3A_118, %sub3A : i32
        %ge3A = arith.constant 0 : i32
        %ge3A_164 = arith.cmpi sge, %sub3A_163, %ge3A : i32
        %convert_element_type3A_165 = arith.extui %ge3A_164 : i1 to i32
        %cond3A_166 = arith.constant 0 : i32
        %cond3A_167 = arith.cmpi ne, %convert_element_type3A_165, %cond3A_166 : i32
        scf.if %cond3A_167 {
          %sub3A_176 = arith.constant 1 : i32
          %sub3A_177 = arith.subi %add3A_118, %sub3A_176 : i32
          %add3A_178 = arith.addi %mul3A_2, %sub3A_177 : i32
          %mul3A_179 = arith.constant 80 : i32
          %mul3A_180 = arith.muli %add3A_178, %mul3A_179 : i32
          %dma_wait3A_181 = arith.constant 0 : i32
          %dma_wait3A_182 = tpu.memref_slice %arg4[%mul3A_180, %dma_wait3A_181] : memref<320000x128xf32, #tpu.memory_space<hbm>> -> memref<80x128xf32, #tpu.memory_space<hbm>>
          %dma_wait3A_183 = arith.constant 0 : i32
          %dma_wait3A_184 = tpu.memref_slice %arg4[%mul3A_180, %dma_wait3A_183] : memref<320000x128xf32, #tpu.memory_space<hbm>> -> memref<80x128xf32, #tpu.memory_space<hbm>>
          tpu.wait_dma2 semaphore(%arg13 : memref<!tpu.dma_semaphore, #tpu.memory_space<semaphore_mem>>) src(%arg6 : memref<80x128xf32, #tpu.memory_space<vmem>>) dst(%dma_wait3A_184 : memref<80x128xf32, #tpu.memory_space<hbm>>)
        } else {
        }
        %add3A_168 = arith.constant 2 : i32
        %add3A_169 = arith.addi %add3A_118, %add3A_168 : i32
        %dma_start3A_170 = arith.constant 0 : i32
        %dma_start3A_171 = tpu.memref_slice %arg5[%add3A_169, %dma_start3A_170] : memref<125x80xi32, #tpu.memory_space<vmem>> -> memref<1x80xi32, #tpu.memory_space<vmem>>
        %dma_start3A_172 = tpu.memref_squeeze %dma_start3A_171 : memref<1x80xi32, #tpu.memory_space<vmem>> -> memref<80xi32, #tpu.memory_space<vmem>>
        %dma_start3A_173 = arith.constant 0 : i32
        %dma_start3A_174 = arith.constant 0 : i32
        %dma_start3A_175 = tpu.memref_slice %arg2[%dma_start3A_173, %dma_start3A_174] : memref<10000x128xf32, #tpu.memory_space<hbm>> -> memref<10000x128xf32, #tpu.memory_space<hbm>>
        tpu.enqueue_indirect_dma source(%dma_start3A_175 : memref<10000x128xf32, #tpu.memory_space<hbm>>) target(%arg6 : memref<80x128xf32, #tpu.memory_space<vmem>>) offsets(%dma_start3A_172 : memref<80xi32, #tpu.memory_space<vmem>>) semaphore(%arg10 : memref<!tpu.dma_semaphore, #tpu.memory_space<semaphore_mem>>)
      } else {
      }
      %mul3A_139 = arith.constant 3 : i32
      %mul3A_140 = arith.muli %mul3A_139, %add3A_93 : i32
      %add3A_141 = arith.constant 2 : i32
      %add3A_142 = arith.addi %mul3A_140, %add3A_141 : i32
      %dma_wait3A_143 = arith.constant 0 : i32
      %dma_wait3A_144 = tpu.memref_slice %arg5[%add3A_142, %dma_wait3A_143] : memref<125x80xi32, #tpu.memory_space<vmem>> -> memref<1x80xi32, #tpu.memory_space<vmem>>
      %dma_wait3A_145 = tpu.memref_squeeze %dma_wait3A_144 : memref<1x80xi32, #tpu.memory_space<vmem>> -> memref<80xi32, #tpu.memory_space<vmem>>
      %dma_wait3A_146 = arith.constant 0 : i32
      %dma_wait3A_147 = arith.constant 0 : i32
      %dma_wait3A_148 = tpu.memref_slice %arg2[%dma_wait3A_146, %dma_wait3A_147] : memref<10000x128xf32, #tpu.memory_space<hbm>> -> memref<10000x128xf32, #tpu.memory_space<hbm>>
      tpu.wait_indirect_dma semaphore(%arg12 : memref<!tpu.dma_semaphore, #tpu.memory_space<semaphore_mem>>) src(%dma_wait3A_148 : memref<10000x128xf32, #tpu.memory_space<hbm>>) dst(%arg8 : memref<80x128xf32, #tpu.memory_space<vmem>>)
      %add3A_149 = arith.addi %mul3A_2, %add3A_142 : i32
      %mul3A_150 = arith.constant 80 : i32
      %mul3A_151 = arith.muli %add3A_149, %mul3A_150 : i32
      %dma_start3A_152 = arith.constant 0 : i32
      %dma_start3A_153 = tpu.memref_slice %arg4[%mul3A_151, %dma_start3A_152] : memref<320000x128xf32, #tpu.memory_space<hbm>> -> memref<80x128xf32, #tpu.memory_space<hbm>>
      %dma_start3A_154 = arith.constant 0 : i32
      %dma_start3A_155 = tpu.memref_slice %arg4[%mul3A_151, %dma_start3A_154] : memref<320000x128xf32, #tpu.memory_space<hbm>> -> memref<80x128xf32, #tpu.memory_space<hbm>>
      tpu.enqueue_dma source(%arg8 : memref<80x128xf32, #tpu.memory_space<vmem>>) target(%dma_start3A_155 : memref<80x128xf32, #tpu.memory_space<hbm>>) target_semaphore(%arg15 : memref<!tpu.dma_semaphore, #tpu.memory_space<semaphore_mem>>)
      %add3A_156 = arith.constant 2 : i32
      %add3A_157 = arith.addi %add3A_142, %add3A_156 : i32
      %lt3A_158 = arith.constant 125 : i32
      %lt3A_159 = arith.cmpi slt, %add3A_157, %lt3A_158 : i32
      %convert_element_type3A_160 = arith.extui %lt3A_159 : i1 to i32
      %cond3A_161 = arith.constant 0 : i32
      %cond3A_162 = arith.cmpi ne, %convert_element_type3A_160, %cond3A_161 : i32
      scf.if %cond3A_162 {
        %sub3A = arith.constant 1 : i32
        %sub3A_163 = arith.subi %add3A_142, %sub3A : i32
        %ge3A = arith.constant 0 : i32
        %ge3A_164 = arith.cmpi sge, %sub3A_163, %ge3A : i32
        %convert_element_type3A_165 = arith.extui %ge3A_164 : i1 to i32
        %cond3A_166 = arith.constant 0 : i32
        %cond3A_167 = arith.cmpi ne, %convert_element_type3A_165, %cond3A_166 : i32
        scf.if %cond3A_167 {
          %sub3A_176 = arith.constant 1 : i32
          %sub3A_177 = arith.subi %add3A_142, %sub3A_176 : i32
          %add3A_178 = arith.addi %mul3A_2, %sub3A_177 : i32
          %mul3A_179 = arith.constant 80 : i32
          %mul3A_180 = arith.muli %add3A_178, %mul3A_179 : i32
          %dma_wait3A_181 = arith.constant 0 : i32
          %dma_wait3A_182 = tpu.memref_slice %arg4[%mul3A_180, %dma_wait3A_181] : memref<320000x128xf32, #tpu.memory_space<hbm>> -> memref<80x128xf32, #tpu.memory_space<hbm>>
          %dma_wait3A_183 = arith.constant 0 : i32
          %dma_wait3A_184 = tpu.memref_slice %arg4[%mul3A_180, %dma_wait3A_183] : memref<320000x128xf32, #tpu.memory_space<hbm>> -> memref<80x128xf32, #tpu.memory_space<hbm>>
          tpu.wait_dma2 semaphore(%arg14 : memref<!tpu.dma_semaphore, #tpu.memory_space<semaphore_mem>>) src(%arg7 : memref<80x128xf32, #tpu.memory_space<vmem>>) dst(%dma_wait3A_184 : memref<80x128xf32, #tpu.memory_space<hbm>>)
        } else {
        }
        %add3A_168 = arith.constant 2 : i32
        %add3A_169 = arith.addi %add3A_142, %add3A_168 : i32
        %dma_start3A_170 = arith.constant 0 : i32
        %dma_start3A_171 = tpu.memref_slice %arg5[%add3A_169, %dma_start3A_170] : memref<125x80xi32, #tpu.memory_space<vmem>> -> memref<1x80xi32, #tpu.memory_space<vmem>>
        %dma_start3A_172 = tpu.memref_squeeze %dma_start3A_171 : memref<1x80xi32, #tpu.memory_space<vmem>> -> memref<80xi32, #tpu.memory_space<vmem>>
        %dma_start3A_173 = arith.constant 0 : i32
        %dma_start3A_174 = arith.constant 0 : i32
        %dma_start3A_175 = tpu.memref_slice %arg2[%dma_start3A_173, %dma_start3A_174] : memref<10000x128xf32, #tpu.memory_space<hbm>> -> memref<10000x128xf32, #tpu.memory_space<hbm>>
        tpu.enqueue_indirect_dma source(%dma_start3A_175 : memref<10000x128xf32, #tpu.memory_space<hbm>>) target(%arg7 : memref<80x128xf32, #tpu.memory_space<vmem>>) offsets(%dma_start3A_172 : memref<80xi32, #tpu.memory_space<vmem>>) semaphore(%arg11 : memref<!tpu.dma_semaphore, #tpu.memory_space<semaphore_mem>>)
      } else {
      }
    }
    %scan3A_34 = arith.constant 41 : i32
    %dma_wait3A_35 = arith.constant 123 : i32
    %dma_wait3A_36 = arith.constant 0 : i32
    %dma_wait3A_37 = tpu.memref_slice %arg5[%dma_wait3A_35, %dma_wait3A_36] : memref<125x80xi32, #tpu.memory_space<vmem>> -> memref<1x80xi32, #tpu.memory_space<vmem>>
    %dma_wait3A_38 = tpu.memref_squeeze %dma_wait3A_37 : memref<1x80xi32, #tpu.memory_space<vmem>> -> memref<80xi32, #tpu.memory_space<vmem>>
    %dma_wait3A_39 = arith.constant 0 : i32
    %dma_wait3A_40 = arith.constant 0 : i32
    %dma_wait3A_41 = tpu.memref_slice %arg2[%dma_wait3A_39, %dma_wait3A_40] : memref<10000x128xf32, #tpu.memory_space<hbm>> -> memref<10000x128xf32, #tpu.memory_space<hbm>>
    tpu.wait_indirect_dma semaphore(%arg10 : memref<!tpu.dma_semaphore, #tpu.memory_space<semaphore_mem>>) src(%dma_wait3A_41 : memref<10000x128xf32, #tpu.memory_space<hbm>>) dst(%arg6 : memref<80x128xf32, #tpu.memory_space<vmem>>)
    %add3A_42 = arith.constant 123 : i32
    %add3A_43 = arith.addi %mul3A_2, %add3A_42 : i32
    %mul3A_44 = arith.constant 80 : i32
    %mul3A_45 = arith.muli %add3A_43, %mul3A_44 : i32
    %dma_start3A_46 = arith.constant 0 : i32
    %dma_start3A_47 = tpu.memref_slice %arg4[%mul3A_45, %dma_start3A_46] : memref<320000x128xf32, #tpu.memory_space<hbm>> -> memref<80x128xf32, #tpu.memory_space<hbm>>
    %dma_start3A_48 = arith.constant 0 : i32
    %dma_start3A_49 = tpu.memref_slice %arg4[%mul3A_45, %dma_start3A_48] : memref<320000x128xf32, #tpu.memory_space<hbm>> -> memref<80x128xf32, #tpu.memory_space<hbm>>
    tpu.enqueue_dma source(%arg6 : memref<80x128xf32, #tpu.memory_space<vmem>>) target(%dma_start3A_49 : memref<80x128xf32, #tpu.memory_space<hbm>>) target_semaphore(%arg13 : memref<!tpu.dma_semaphore, #tpu.memory_space<semaphore_mem>>)
    %dma_wait3A_50 = arith.constant 124 : i32
    %dma_wait3A_51 = arith.constant 0 : i32
    %dma_wait3A_52 = tpu.memref_slice %arg5[%dma_wait3A_50, %dma_wait3A_51] : memref<125x80xi32, #tpu.memory_space<vmem>> -> memref<1x80xi32, #tpu.memory_space<vmem>>
    %dma_wait3A_53 = tpu.memref_squeeze %dma_wait3A_52 : memref<1x80xi32, #tpu.memory_space<vmem>> -> memref<80xi32, #tpu.memory_space<vmem>>
    %dma_wait3A_54 = arith.constant 0 : i32
    %dma_wait3A_55 = arith.constant 0 : i32
    %dma_wait3A_56 = tpu.memref_slice %arg2[%dma_wait3A_54, %dma_wait3A_55] : memref<10000x128xf32, #tpu.memory_space<hbm>> -> memref<10000x128xf32, #tpu.memory_space<hbm>>
    tpu.wait_indirect_dma semaphore(%arg11 : memref<!tpu.dma_semaphore, #tpu.memory_space<semaphore_mem>>) src(%dma_wait3A_56 : memref<10000x128xf32, #tpu.memory_space<hbm>>) dst(%arg7 : memref<80x128xf32, #tpu.memory_space<vmem>>)
    %add3A_57 = arith.constant 124 : i32
    %add3A_58 = arith.addi %mul3A_2, %add3A_57 : i32
    %mul3A_59 = arith.constant 80 : i32
    %mul3A_60 = arith.muli %add3A_58, %mul3A_59 : i32
    %dma_start3A_61 = arith.constant 0 : i32
    %dma_start3A_62 = tpu.memref_slice %arg4[%mul3A_60, %dma_start3A_61] : memref<320000x128xf32, #tpu.memory_space<hbm>> -> memref<80x128xf32, #tpu.memory_space<hbm>>
    %dma_start3A_63 = arith.constant 0 : i32
    %dma_start3A_64 = tpu.memref_slice %arg4[%mul3A_60, %dma_start3A_63] : memref<320000x128xf32, #tpu.memory_space<hbm>> -> memref<80x128xf32, #tpu.memory_space<hbm>>
    tpu.enqueue_dma source(%arg7 : memref<80x128xf32, #tpu.memory_space<vmem>>) target(%dma_start3A_64 : memref<80x128xf32, #tpu.memory_space<hbm>>) target_semaphore(%arg14 : memref<!tpu.dma_semaphore, #tpu.memory_space<semaphore_mem>>)
    %add3A_65 = arith.constant 122 : i32
    %add3A_66 = arith.addi %mul3A_2, %add3A_65 : i32
    %mul3A_67 = arith.constant 80 : i32
    %mul3A_68 = arith.muli %add3A_66, %mul3A_67 : i32
    %dma_wait3A_69 = arith.constant 0 : i32
    %dma_wait3A_70 = tpu.memref_slice %arg4[%mul3A_68, %dma_wait3A_69] : memref<320000x128xf32, #tpu.memory_space<hbm>> -> memref<80x128xf32, #tpu.memory_space<hbm>>
    %dma_wait3A_71 = arith.constant 0 : i32
    %dma_wait3A_72 = tpu.memref_slice %arg4[%mul3A_68, %dma_wait3A_71] : memref<320000x128xf32, #tpu.memory_space<hbm>> -> memref<80x128xf32, #tpu.memory_space<hbm>>
    tpu.wait_dma2 semaphore(%arg15 : memref<!tpu.dma_semaphore, #tpu.memory_space<semaphore_mem>>) src(%arg8 : memref<80x128xf32, #tpu.memory_space<vmem>>) dst(%dma_wait3A_72 : memref<80x128xf32, #tpu.memory_space<hbm>>)
    %add3A_73 = arith.constant 123 : i32
    %add3A_74 = arith.addi %mul3A_2, %add3A_73 : i32
    %mul3A_75 = arith.constant 80 : i32
    %mul3A_76 = arith.muli %add3A_74, %mul3A_75 : i32
    %dma_wait3A_77 = arith.constant 0 : i32
    %dma_wait3A_78 = tpu.memref_slice %arg4[%mul3A_76, %dma_wait3A_77] : memref<320000x128xf32, #tpu.memory_space<hbm>> -> memref<80x128xf32, #tpu.memory_space<hbm>>
    %dma_wait3A_79 = arith.constant 0 : i32
    %dma_wait3A_80 = tpu.memref_slice %arg4[%mul3A_76, %dma_wait3A_79] : memref<320000x128xf32, #tpu.memory_space<hbm>> -> memref<80x128xf32, #tpu.memory_space<hbm>>
    tpu.wait_dma2 semaphore(%arg13 : memref<!tpu.dma_semaphore, #tpu.memory_space<semaphore_mem>>) src(%arg6 : memref<80x128xf32, #tpu.memory_space<vmem>>) dst(%dma_wait3A_80 : memref<80x128xf32, #tpu.memory_space<hbm>>)
    %add3A_81 = arith.constant 124 : i32
    %add3A_82 = arith.addi %mul3A_2, %add3A_81 : i32
    %mul3A_83 = arith.constant 80 : i32
    %mul3A_84 = arith.muli %add3A_82, %mul3A_83 : i32
    %dma_wait3A_85 = arith.constant 0 : i32
    %dma_wait3A_86 = tpu.memref_slice %arg4[%mul3A_84, %dma_wait3A_85] : memref<320000x128xf32, #tpu.memory_space<hbm>> -> memref<80x128xf32, #tpu.memory_space<hbm>>
    %dma_wait3A_87 = arith.constant 0 : i32
    %dma_wait3A_88 = tpu.memref_slice %arg4[%mul3A_84, %dma_wait3A_87] : memref<320000x128xf32, #tpu.memory_space<hbm>> -> memref<80x128xf32, #tpu.memory_space<hbm>>
    tpu.wait_dma2 semaphore(%arg14 : memref<!tpu.dma_semaphore, #tpu.memory_space<semaphore_mem>>) src(%arg7 : memref<80x128xf32, #tpu.memory_space<vmem>>) dst(%dma_wait3A_88 : memref<80x128xf32, #tpu.memory_space<hbm>>)
    return
  }
}

#map = affine_map<(d0, d1) -> (0, 0)>
#map1 = affine_map<(d0, d1) -> (0, 0, 0)>
module attributes {stable_mosaic.version = 14 : i64} {
  func.func @_sc_scatter_body(%arg0: i32, %arg1: i32, %arg2: memref<320000x128xf32, #tpu.memory_space<hbm>>, %arg3: memref<32x125x80xi32, #tpu.memory_space<hbm>>, %arg4: memref<400x128xf32, #tpu.memory_space<hbm>>, %arg5: memref<2x10000x128xf32, #tpu.memory_space<hbm>>, %arg6: memref<10000x128xf32, #tpu.memory_space<vmem_shared>>, %arg7: memref<125x80xi32, #tpu.memory_space<vmem>>, %arg8: memref<80x128xf32, #tpu.memory_space<vmem>>, %arg9: memref<80x128xf32, #tpu.memory_space<vmem>>, %arg10: memref<!tpu.dma_semaphore, #tpu.memory_space<semaphore_mem>>, %arg11: memref<!tpu.dma_semaphore, #tpu.memory_space<semaphore_mem>>) attributes {dimension_semantics = [#tpu.dimension_semantics<core_parallel>, #tpu.dimension_semantics<subcore_parallel>], iteration_bounds = array<i64: 2, 16>, scalar_prefetch = 0 : i64, scratch_operands = 6 : i64, tpu.core_type = #tpu.core_type<sc_vector_subcore>, window_params = [{transform_indices = #map}, {transform_indices = #map1}, {transform_indices = #map}, {transform_indices = #map1}]} {
    %mul3A = arith.constant 16 : i32
    %mul3A_0 = arith.muli %arg0, %mul3A : i32
    %add3A = arith.addi %mul3A_0, %arg1 : i32
    %add3A_1 = arith.constant 0 : i32
    %add3A_2 = arith.addi %arg1, %add3A_1 : i32
    %lt3A = arith.constant 25 : i32
    %lt3A_3 = arith.cmpi slt, %add3A_2, %lt3A : i32
    %convert_element_type3A = arith.extui %lt3A_3 : i1 to i32
    %cond3A = arith.constant 0 : i32
    %cond3A_4 = arith.cmpi ne, %convert_element_type3A, %cond3A : i32
    scf.if %cond3A_4 {
      %mul3A_71 = arith.constant 400 : i32
      %mul3A_72 = arith.muli %add3A_2, %mul3A_71 : i32
      "tpu.region"() ({
        %run_scoped3A_73 = tpu.sem_alloc : memref<!tpu.dma_semaphore, #tpu.memory_space<semaphore_mem>>
        %dma_start3A_74 = arith.constant 0 : i32
        %dma_start3A_75 = tpu.memref_slice %arg6[%mul3A_72, %dma_start3A_74] : memref<10000x128xf32, #tpu.memory_space<vmem_shared>> -> memref<400x128xf32, #tpu.memory_space<vmem_shared>>
        tpu.enqueue_dma source(%arg4 : memref<400x128xf32, #tpu.memory_space<hbm>>) target(%dma_start3A_75 : memref<400x128xf32, #tpu.memory_space<vmem_shared>>) target_semaphore(%run_scoped3A_73 : memref<!tpu.dma_semaphore, #tpu.memory_space<semaphore_mem>>)
        %dma_wait3A_76 = arith.constant 0 : i32
        %dma_wait3A_77 = tpu.memref_slice %arg6[%mul3A_72, %dma_wait3A_76] : memref<10000x128xf32, #tpu.memory_space<vmem_shared>> -> memref<400x128xf32, #tpu.memory_space<vmem_shared>>
        tpu.wait_dma2 semaphore(%run_scoped3A_73 : memref<!tpu.dma_semaphore, #tpu.memory_space<semaphore_mem>>) src(%arg4 : memref<400x128xf32, #tpu.memory_space<hbm>>) dst(%dma_wait3A_77 : memref<400x128xf32, #tpu.memory_space<vmem_shared>>)
        tpu.yield
      }) : () -> ()
    } else {
    }
    %add3A_5 = arith.constant 16 : i32
    %add3A_6 = arith.addi %arg1, %add3A_5 : i32
    %lt3A_7 = arith.constant 25 : i32
    %lt3A_8 = arith.cmpi slt, %add3A_6, %lt3A_7 : i32
    %convert_element_type3A_9 = arith.extui %lt3A_8 : i1 to i32
    %cond3A_10 = arith.constant 0 : i32
    %cond3A_11 = arith.cmpi ne, %convert_element_type3A_9, %cond3A_10 : i32
    scf.if %cond3A_11 {
      %mul3A_71 = arith.constant 400 : i32
      %mul3A_72 = arith.muli %add3A_6, %mul3A_71 : i32
      "tpu.region"() ({
        %run_scoped3A_73 = tpu.sem_alloc : memref<!tpu.dma_semaphore, #tpu.memory_space<semaphore_mem>>
        %dma_start3A_74 = arith.constant 0 : i32
        %dma_start3A_75 = tpu.memref_slice %arg6[%mul3A_72, %dma_start3A_74] : memref<10000x128xf32, #tpu.memory_space<vmem_shared>> -> memref<400x128xf32, #tpu.memory_space<vmem_shared>>
        tpu.enqueue_dma source(%arg4 : memref<400x128xf32, #tpu.memory_space<hbm>>) target(%dma_start3A_75 : memref<400x128xf32, #tpu.memory_space<vmem_shared>>) target_semaphore(%run_scoped3A_73 : memref<!tpu.dma_semaphore, #tpu.memory_space<semaphore_mem>>)
        %dma_wait3A_76 = arith.constant 0 : i32
        %dma_wait3A_77 = tpu.memref_slice %arg6[%mul3A_72, %dma_wait3A_76] : memref<10000x128xf32, #tpu.memory_space<vmem_shared>> -> memref<400x128xf32, #tpu.memory_space<vmem_shared>>
        tpu.wait_dma2 semaphore(%run_scoped3A_73 : memref<!tpu.dma_semaphore, #tpu.memory_space<semaphore_mem>>) src(%arg4 : memref<400x128xf32, #tpu.memory_space<hbm>>) dst(%dma_wait3A_77 : memref<400x128xf32, #tpu.memory_space<vmem_shared>>)
        tpu.yield
      }) : () -> ()
    } else {
    }
    %dma_start3A = arith.constant 0 : i32
    %dma_start3A_12 = arith.constant 0 : i32
    %dma_start3A_13 = tpu.memref_slice %arg3[%add3A, %dma_start3A, %dma_start3A_12] : memref<32x125x80xi32, #tpu.memory_space<hbm>> -> memref<1x125x80xi32, #tpu.memory_space<hbm>>
    %dma_start3A_14 = tpu.memref_squeeze %dma_start3A_13 : memref<1x125x80xi32, #tpu.memory_space<hbm>> -> memref<125x80xi32, #tpu.memory_space<hbm>>
    %dma_start3A_15 = arith.constant 0 : i32
    %dma_start3A_16 = arith.constant 0 : i32
    %dma_start3A_17 = tpu.memref_slice %arg3[%add3A, %dma_start3A_15, %dma_start3A_16] : memref<32x125x80xi32, #tpu.memory_space<hbm>> -> memref<1x125x80xi32, #tpu.memory_space<hbm>>
    %dma_start3A_18 = tpu.memref_squeeze %dma_start3A_17 : memref<1x125x80xi32, #tpu.memory_space<hbm>> -> memref<125x80xi32, #tpu.memory_space<hbm>>
    tpu.enqueue_dma source(%dma_start3A_18 : memref<125x80xi32, #tpu.memory_space<hbm>>) target(%arg7 : memref<125x80xi32, #tpu.memory_space<vmem>>) target_semaphore(%arg10 : memref<!tpu.dma_semaphore, #tpu.memory_space<semaphore_mem>>)
    %mul3A_19 = arith.constant 125 : i32
    %mul3A_20 = arith.muli %add3A, %mul3A_19 : i32
    %dma_wait3A = arith.constant 0 : i32
    %dma_wait3A_21 = arith.constant 0 : i32
    %dma_wait3A_22 = tpu.memref_slice %arg3[%add3A, %dma_wait3A, %dma_wait3A_21] : memref<32x125x80xi32, #tpu.memory_space<hbm>> -> memref<1x125x80xi32, #tpu.memory_space<hbm>>
    %dma_wait3A_23 = tpu.memref_squeeze %dma_wait3A_22 : memref<1x125x80xi32, #tpu.memory_space<hbm>> -> memref<125x80xi32, #tpu.memory_space<hbm>>
    %dma_wait3A_24 = arith.constant 0 : i32
    %dma_wait3A_25 = arith.constant 0 : i32
    %dma_wait3A_26 = tpu.memref_slice %arg3[%add3A, %dma_wait3A_24, %dma_wait3A_25] : memref<32x125x80xi32, #tpu.memory_space<hbm>> -> memref<1x125x80xi32, #tpu.memory_space<hbm>>
    %dma_wait3A_27 = tpu.memref_squeeze %dma_wait3A_26 : memref<1x125x80xi32, #tpu.memory_space<hbm>> -> memref<125x80xi32, #tpu.memory_space<hbm>>
    tpu.wait_dma2 semaphore(%arg10 : memref<!tpu.dma_semaphore, #tpu.memory_space<semaphore_mem>>) src(%dma_wait3A_27 : memref<125x80xi32, #tpu.memory_space<hbm>>) dst(%arg7 : memref<125x80xi32, #tpu.memory_space<vmem>>)
    %barrier3A = arith.constant 0 : index
    tpu.barrier barrier_id(%barrier3A)
    %add3A_28 = arith.constant 0 : i32
    %add3A_29 = arith.addi %mul3A_20, %add3A_28 : i32
    %mul3A_30 = arith.constant 80 : i32
    %mul3A_31 = arith.muli %add3A_29, %mul3A_30 : i32
    %dma_start3A_32 = arith.constant 0 : i32
    %dma_start3A_33 = tpu.memref_slice %arg2[%mul3A_31, %dma_start3A_32] : memref<320000x128xf32, #tpu.memory_space<hbm>> -> memref<80x128xf32, #tpu.memory_space<hbm>>
    %dma_start3A_34 = arith.constant 0 : i32
    %dma_start3A_35 = tpu.memref_slice %arg2[%mul3A_31, %dma_start3A_34] : memref<320000x128xf32, #tpu.memory_space<hbm>> -> memref<80x128xf32, #tpu.memory_space<hbm>>
    tpu.enqueue_dma source(%dma_start3A_35 : memref<80x128xf32, #tpu.memory_space<hbm>>) target(%arg8 : memref<80x128xf32, #tpu.memory_space<vmem>>) target_semaphore(%arg10 : memref<!tpu.dma_semaphore, #tpu.memory_space<semaphore_mem>>)
    %add3A_36 = arith.constant 1 : i32
    %add3A_37 = arith.addi %mul3A_20, %add3A_36 : i32
    %mul3A_38 = arith.constant 80 : i32
    %mul3A_39 = arith.muli %add3A_37, %mul3A_38 : i32
    %dma_start3A_40 = arith.constant 0 : i32
    %dma_start3A_41 = tpu.memref_slice %arg2[%mul3A_39, %dma_start3A_40] : memref<320000x128xf32, #tpu.memory_space<hbm>> -> memref<80x128xf32, #tpu.memory_space<hbm>>
    %dma_start3A_42 = arith.constant 0 : i32
    %dma_start3A_43 = tpu.memref_slice %arg2[%mul3A_39, %dma_start3A_42] : memref<320000x128xf32, #tpu.memory_space<hbm>> -> memref<80x128xf32, #tpu.memory_space<hbm>>
    tpu.enqueue_dma source(%dma_start3A_43 : memref<80x128xf32, #tpu.memory_space<hbm>>) target(%arg9 : memref<80x128xf32, #tpu.memory_space<vmem>>) target_semaphore(%arg11 : memref<!tpu.dma_semaphore, #tpu.memory_space<semaphore_mem>>)
    %scan3A = arith.constant 0 : i32
    %scan3A_44 = arith.constant 62 : i32
    %scan3A_45 = arith.addi %scan3A, %scan3A_44 : i32
    %scan3A_46 = arith.constant 1 : i32
    scf.for %scan3A_71 = %scan3A to %scan3A_45 step %scan3A_46  : i32 {
      %mul3A_72 = arith.constant 1 : i32
      %mul3A_73 = arith.muli %scan3A_71, %mul3A_72 : i32
      %add3A_74 = arith.constant 0 : i32
      %add3A_75 = arith.addi %add3A_74, %mul3A_73 : i32
      %mul3A_76 = arith.constant 2 : i32
      %mul3A_77 = arith.muli %mul3A_76, %add3A_75 : i32
      %add3A_78 = arith.constant 0 : i32
      %add3A_79 = arith.addi %mul3A_77, %add3A_78 : i32
      %add3A_80 = arith.addi %mul3A_20, %add3A_79 : i32
      %mul3A_81 = arith.constant 80 : i32
      %mul3A_82 = arith.muli %add3A_80, %mul3A_81 : i32
      %dma_wait3A_83 = arith.constant 0 : i32
      %dma_wait3A_84 = tpu.memref_slice %arg2[%mul3A_82, %dma_wait3A_83] : memref<320000x128xf32, #tpu.memory_space<hbm>> -> memref<80x128xf32, #tpu.memory_space<hbm>>
      %dma_wait3A_85 = arith.constant 0 : i32
      %dma_wait3A_86 = tpu.memref_slice %arg2[%mul3A_82, %dma_wait3A_85] : memref<320000x128xf32, #tpu.memory_space<hbm>> -> memref<80x128xf32, #tpu.memory_space<hbm>>
      tpu.wait_dma2 semaphore(%arg10 : memref<!tpu.dma_semaphore, #tpu.memory_space<semaphore_mem>>) src(%dma_wait3A_86 : memref<80x128xf32, #tpu.memory_space<hbm>>) dst(%arg8 : memref<80x128xf32, #tpu.memory_space<vmem>>)
      "tpu.region"() ({
        %run_scoped3A_112 = tpu.sem_alloc : memref<!tpu.dma_semaphore, #tpu.memory_space<semaphore_mem>>
        %dma_start3A_113 = arith.constant 0 : i32
        %dma_start3A_114 = tpu.memref_slice %arg7[%add3A_79, %dma_start3A_113] : memref<125x80xi32, #tpu.memory_space<vmem>> -> memref<1x80xi32, #tpu.memory_space<vmem>>
        %dma_start3A_115 = tpu.memref_squeeze %dma_start3A_114 : memref<1x80xi32, #tpu.memory_space<vmem>> -> memref<80xi32, #tpu.memory_space<vmem>>
        %dma_start3A_116 = arith.constant 0 : i32
        %dma_start3A_117 = arith.constant 0 : i32
        %dma_start3A_118 = tpu.memref_slice %arg6[%dma_start3A_116, %dma_start3A_117] : memref<10000x128xf32, #tpu.memory_space<vmem_shared>> -> memref<10000x128xf32, #tpu.memory_space<vmem_shared>>
        tpu.enqueue_indirect_dma source(%arg8 : memref<80x128xf32, #tpu.memory_space<vmem>>) target(%dma_start3A_118 : memref<10000x128xf32, #tpu.memory_space<vmem_shared>>) offsets(%dma_start3A_115 : memref<80xi32, #tpu.memory_space<vmem>>) semaphore(%run_scoped3A_112 : memref<!tpu.dma_semaphore, #tpu.memory_space<semaphore_mem>>) {add = true}
        %dma_wait3A_119 = arith.constant 0 : i32
        %dma_wait3A_120 = tpu.memref_slice %arg7[%add3A_79, %dma_wait3A_119] : memref<125x80xi32, #tpu.memory_space<vmem>> -> memref<1x80xi32, #tpu.memory_space<vmem>>
        %dma_wait3A_121 = tpu.memref_squeeze %dma_wait3A_120 : memref<1x80xi32, #tpu.memory_space<vmem>> -> memref<80xi32, #tpu.memory_space<vmem>>
        %dma_wait3A_122 = arith.constant 0 : i32
        %dma_wait3A_123 = arith.constant 0 : i32
        %dma_wait3A_124 = tpu.memref_slice %arg6[%dma_wait3A_122, %dma_wait3A_123] : memref<10000x128xf32, #tpu.memory_space<vmem_shared>> -> memref<10000x128xf32, #tpu.memory_space<vmem_shared>>
        tpu.wait_indirect_dma semaphore(%run_scoped3A_112 : memref<!tpu.dma_semaphore, #tpu.memory_space<semaphore_mem>>) src(%arg8 : memref<80x128xf32, #tpu.memory_space<vmem>>) dst(%dma_wait3A_124 : memref<10000x128xf32, #tpu.memory_space<vmem_shared>>)
        tpu.yield
      }) : () -> ()
      %add3A_87 = arith.constant 2 : i32
      %add3A_88 = arith.addi %add3A_79, %add3A_87 : i32
      %lt3A_89 = arith.constant 125 : i32
      %lt3A_90 = arith.cmpi slt, %add3A_88, %lt3A_89 : i32
      %convert_element_type3A_91 = arith.extui %lt3A_90 : i1 to i32
      %cond3A_92 = arith.constant 0 : i32
      %cond3A_93 = arith.cmpi ne, %convert_element_type3A_91, %cond3A_92 : i32
      scf.if %cond3A_93 {
        %add3A_112 = arith.constant 2 : i32
        %add3A_113 = arith.addi %add3A_79, %add3A_112 : i32
        %add3A_114 = arith.addi %mul3A_20, %add3A_113 : i32
        %mul3A_115 = arith.constant 80 : i32
        %mul3A_116 = arith.muli %add3A_114, %mul3A_115 : i32
        %dma_start3A_117 = arith.constant 0 : i32
        %dma_start3A_118 = tpu.memref_slice %arg2[%mul3A_116, %dma_start3A_117] : memref<320000x128xf32, #tpu.memory_space<hbm>> -> memref<80x128xf32, #tpu.memory_space<hbm>>
        %dma_start3A_119 = arith.constant 0 : i32
        %dma_start3A_120 = tpu.memref_slice %arg2[%mul3A_116, %dma_start3A_119] : memref<320000x128xf32, #tpu.memory_space<hbm>> -> memref<80x128xf32, #tpu.memory_space<hbm>>
        tpu.enqueue_dma source(%dma_start3A_120 : memref<80x128xf32, #tpu.memory_space<hbm>>) target(%arg8 : memref<80x128xf32, #tpu.memory_space<vmem>>) target_semaphore(%arg10 : memref<!tpu.dma_semaphore, #tpu.memory_space<semaphore_mem>>)
      } else {
      }
      %mul3A_94 = arith.constant 2 : i32
      %mul3A_95 = arith.muli %mul3A_94, %add3A_75 : i32
      %add3A_96 = arith.constant 1 : i32
      %add3A_97 = arith.addi %mul3A_95, %add3A_96 : i32
      %add3A_98 = arith.addi %mul3A_20, %add3A_97 : i32
      %mul3A_99 = arith.constant 80 : i32
      %mul3A_100 = arith.muli %add3A_98, %mul3A_99 : i32
      %dma_wait3A_101 = arith.constant 0 : i32
      %dma_wait3A_102 = tpu.memref_slice %arg2[%mul3A_100, %dma_wait3A_101] : memref<320000x128xf32, #tpu.memory_space<hbm>> -> memref<80x128xf32, #tpu.memory_space<hbm>>
      %dma_wait3A_103 = arith.constant 0 : i32
      %dma_wait3A_104 = tpu.memref_slice %arg2[%mul3A_100, %dma_wait3A_103] : memref<320000x128xf32, #tpu.memory_space<hbm>> -> memref<80x128xf32, #tpu.memory_space<hbm>>
      tpu.wait_dma2 semaphore(%arg11 : memref<!tpu.dma_semaphore, #tpu.memory_space<semaphore_mem>>) src(%dma_wait3A_104 : memref<80x128xf32, #tpu.memory_space<hbm>>) dst(%arg9 : memref<80x128xf32, #tpu.memory_space<vmem>>)
      "tpu.region"() ({
        %run_scoped3A_112 = tpu.sem_alloc : memref<!tpu.dma_semaphore, #tpu.memory_space<semaphore_mem>>
        %dma_start3A_113 = arith.constant 0 : i32
        %dma_start3A_114 = tpu.memref_slice %arg7[%add3A_97, %dma_start3A_113] : memref<125x80xi32, #tpu.memory_space<vmem>> -> memref<1x80xi32, #tpu.memory_space<vmem>>
        %dma_start3A_115 = tpu.memref_squeeze %dma_start3A_114 : memref<1x80xi32, #tpu.memory_space<vmem>> -> memref<80xi32, #tpu.memory_space<vmem>>
        %dma_start3A_116 = arith.constant 0 : i32
        %dma_start3A_117 = arith.constant 0 : i32
        %dma_start3A_118 = tpu.memref_slice %arg6[%dma_start3A_116, %dma_start3A_117] : memref<10000x128xf32, #tpu.memory_space<vmem_shared>> -> memref<10000x128xf32, #tpu.memory_space<vmem_shared>>
        tpu.enqueue_indirect_dma source(%arg9 : memref<80x128xf32, #tpu.memory_space<vmem>>) target(%dma_start3A_118 : memref<10000x128xf32, #tpu.memory_space<vmem_shared>>) offsets(%dma_start3A_115 : memref<80xi32, #tpu.memory_space<vmem>>) semaphore(%run_scoped3A_112 : memref<!tpu.dma_semaphore, #tpu.memory_space<semaphore_mem>>) {add = true}
        %dma_wait3A_119 = arith.constant 0 : i32
        %dma_wait3A_120 = tpu.memref_slice %arg7[%add3A_97, %dma_wait3A_119] : memref<125x80xi32, #tpu.memory_space<vmem>> -> memref<1x80xi32, #tpu.memory_space<vmem>>
        %dma_wait3A_121 = tpu.memref_squeeze %dma_wait3A_120 : memref<1x80xi32, #tpu.memory_space<vmem>> -> memref<80xi32, #tpu.memory_space<vmem>>
        %dma_wait3A_122 = arith.constant 0 : i32
        %dma_wait3A_123 = arith.constant 0 : i32
        %dma_wait3A_124 = tpu.memref_slice %arg6[%dma_wait3A_122, %dma_wait3A_123] : memref<10000x128xf32, #tpu.memory_space<vmem_shared>> -> memref<10000x128xf32, #tpu.memory_space<vmem_shared>>
        tpu.wait_indirect_dma semaphore(%run_scoped3A_112 : memref<!tpu.dma_semaphore, #tpu.memory_space<semaphore_mem>>) src(%arg9 : memref<80x128xf32, #tpu.memory_space<vmem>>) dst(%dma_wait3A_124 : memref<10000x128xf32, #tpu.memory_space<vmem_shared>>)
        tpu.yield
      }) : () -> ()
      %add3A_105 = arith.constant 2 : i32
      %add3A_106 = arith.addi %add3A_97, %add3A_105 : i32
      %lt3A_107 = arith.constant 125 : i32
      %lt3A_108 = arith.cmpi slt, %add3A_106, %lt3A_107 : i32
      %convert_element_type3A_109 = arith.extui %lt3A_108 : i1 to i32
      %cond3A_110 = arith.constant 0 : i32
      %cond3A_111 = arith.cmpi ne, %convert_element_type3A_109, %cond3A_110 : i32
      scf.if %cond3A_111 {
        %add3A_112 = arith.constant 2 : i32
        %add3A_113 = arith.addi %add3A_97, %add3A_112 : i32
        %add3A_114 = arith.addi %mul3A_20, %add3A_113 : i32
        %mul3A_115 = arith.constant 80 : i32
        %mul3A_116 = arith.muli %add3A_114, %mul3A_115 : i32
        %dma_start3A_117 = arith.constant 0 : i32
        %dma_start3A_118 = tpu.memref_slice %arg2[%mul3A_116, %dma_start3A_117] : memref<320000x128xf32, #tpu.memory_space<hbm>> -> memref<80x128xf32, #tpu.memory_space<hbm>>
        %dma_start3A_119 = arith.constant 0 : i32
        %dma_start3A_120 = tpu.memref_slice %arg2[%mul3A_116, %dma_start3A_119] : memref<320000x128xf32, #tpu.memory_space<hbm>> -> memref<80x128xf32, #tpu.memory_space<hbm>>
        tpu.enqueue_dma source(%dma_start3A_120 : memref<80x128xf32, #tpu.memory_space<hbm>>) target(%arg9 : memref<80x128xf32, #tpu.memory_space<vmem>>) target_semaphore(%arg11 : memref<!tpu.dma_semaphore, #tpu.memory_space<semaphore_mem>>)
      } else {
      }
    }
    %scan3A_47 = arith.constant 62 : i32
    %add3A_48 = arith.constant 124 : i32
    %add3A_49 = arith.addi %mul3A_20, %add3A_48 : i32
    %mul3A_50 = arith.constant 80 : i32
    %mul3A_51 = arith.muli %add3A_49, %mul3A_50 : i32
    %dma_wait3A_52 = arith.constant 0 : i32
    %dma_wait3A_53 = tpu.memref_slice %arg2[%mul3A_51, %dma_wait3A_52] : memref<320000x128xf32, #tpu.memory_space<hbm>> -> memref<80x128xf32, #tpu.memory_space<hbm>>
    %dma_wait3A_54 = arith.constant 0 : i32
    %dma_wait3A_55 = tpu.memref_slice %arg2[%mul3A_51, %dma_wait3A_54] : memref<320000x128xf32, #tpu.memory_space<hbm>> -> memref<80x128xf32, #tpu.memory_space<hbm>>
    tpu.wait_dma2 semaphore(%arg10 : memref<!tpu.dma_semaphore, #tpu.memory_space<semaphore_mem>>) src(%dma_wait3A_55 : memref<80x128xf32, #tpu.memory_space<hbm>>) dst(%arg8 : memref<80x128xf32, #tpu.memory_space<vmem>>)
    %run_scoped3A = arith.constant 124 : i32
    "tpu.region"() ({
      %run_scoped3A_71 = tpu.sem_alloc : memref<!tpu.dma_semaphore, #tpu.memory_space<semaphore_mem>>
      %dma_start3A_72 = arith.constant 0 : i32
      %dma_start3A_73 = tpu.memref_slice %arg7[%run_scoped3A, %dma_start3A_72] : memref<125x80xi32, #tpu.memory_space<vmem>> -> memref<1x80xi32, #tpu.memory_space<vmem>>
      %dma_start3A_74 = tpu.memref_squeeze %dma_start3A_73 : memref<1x80xi32, #tpu.memory_space<vmem>> -> memref<80xi32, #tpu.memory_space<vmem>>
      %dma_start3A_75 = arith.constant 0 : i32
      %dma_start3A_76 = arith.constant 0 : i32
      %dma_start3A_77 = tpu.memref_slice %arg6[%dma_start3A_75, %dma_start3A_76] : memref<10000x128xf32, #tpu.memory_space<vmem_shared>> -> memref<10000x128xf32, #tpu.memory_space<vmem_shared>>
      tpu.enqueue_indirect_dma source(%arg8 : memref<80x128xf32, #tpu.memory_space<vmem>>) target(%dma_start3A_77 : memref<10000x128xf32, #tpu.memory_space<vmem_shared>>) offsets(%dma_start3A_74 : memref<80xi32, #tpu.memory_space<vmem>>) semaphore(%run_scoped3A_71 : memref<!tpu.dma_semaphore, #tpu.memory_space<semaphore_mem>>) {add = true}
      %dma_wait3A_78 = arith.constant 0 : i32
      %dma_wait3A_79 = tpu.memref_slice %arg7[%run_scoped3A, %dma_wait3A_78] : memref<125x80xi32, #tpu.memory_space<vmem>> -> memref<1x80xi32, #tpu.memory_space<vmem>>
      %dma_wait3A_80 = tpu.memref_squeeze %dma_wait3A_79 : memref<1x80xi32, #tpu.memory_space<vmem>> -> memref<80xi32, #tpu.memory_space<vmem>>
      %dma_wait3A_81 = arith.constant 0 : i32
      %dma_wait3A_82 = arith.constant 0 : i32
      %dma_wait3A_83 = tpu.memref_slice %arg6[%dma_wait3A_81, %dma_wait3A_82] : memref<10000x128xf32, #tpu.memory_space<vmem_shared>> -> memref<10000x128xf32, #tpu.memory_space<vmem_shared>>
      tpu.wait_indirect_dma semaphore(%run_scoped3A_71 : memref<!tpu.dma_semaphore, #tpu.memory_space<semaphore_mem>>) src(%arg8 : memref<80x128xf32, #tpu.memory_space<vmem>>) dst(%dma_wait3A_83 : memref<10000x128xf32, #tpu.memory_space<vmem_shared>>)
      tpu.yield
    }) : () -> ()
    %barrier3A_56 = arith.constant 0 : index
    tpu.barrier barrier_id(%barrier3A_56)
    %add3A_57 = arith.constant 0 : i32
    %add3A_58 = arith.addi %arg1, %add3A_57 : i32
    %lt3A_59 = arith.constant 25 : i32
    %lt3A_60 = arith.cmpi slt, %add3A_58, %lt3A_59 : i32
    %convert_element_type3A_61 = arith.extui %lt3A_60 : i1 to i32
    %cond3A_62 = arith.constant 0 : i32
    %cond3A_63 = arith.cmpi ne, %convert_element_type3A_61, %cond3A_62 : i32
    scf.if %cond3A_63 {
      %mul3A_71 = arith.constant 400 : i32
      %mul3A_72 = arith.muli %add3A_58, %mul3A_71 : i32
      %mul3A_73 = arith.constant 400 : i32
      %mul3A_74 = arith.muli %add3A_58, %mul3A_73 : i32
      "tpu.region"() ({
        %run_scoped3A_75 = tpu.sem_alloc : memref<!tpu.dma_semaphore, #tpu.memory_space<semaphore_mem>>
        %dma_start3A_76 = arith.constant 0 : i32
        %dma_start3A_77 = tpu.memref_slice %arg5[%arg0, %mul3A_74, %dma_start3A_76] : memref<2x10000x128xf32, #tpu.memory_space<hbm>> -> memref<1x400x128xf32, #tpu.memory_space<hbm>>
        %dma_start3A_78 = tpu.memref_squeeze %dma_start3A_77 : memref<1x400x128xf32, #tpu.memory_space<hbm>> -> memref<400x128xf32, #tpu.memory_space<hbm>>
        %dma_start3A_79 = arith.constant 0 : i32
        %dma_start3A_80 = tpu.memref_slice %arg6[%mul3A_72, %dma_start3A_79] : memref<10000x128xf32, #tpu.memory_space<vmem_shared>> -> memref<400x128xf32, #tpu.memory_space<vmem_shared>>
        tpu.enqueue_dma source(%dma_start3A_80 : memref<400x128xf32, #tpu.memory_space<vmem_shared>>) target(%dma_start3A_78 : memref<400x128xf32, #tpu.memory_space<hbm>>) target_semaphore(%run_scoped3A_75 : memref<!tpu.dma_semaphore, #tpu.memory_space<semaphore_mem>>)
        %dma_wait3A_81 = arith.constant 0 : i32
        %dma_wait3A_82 = tpu.memref_slice %arg5[%arg0, %mul3A_74, %dma_wait3A_81] : memref<2x10000x128xf32, #tpu.memory_space<hbm>> -> memref<1x400x128xf32, #tpu.memory_space<hbm>>
        %dma_wait3A_83 = tpu.memref_squeeze %dma_wait3A_82 : memref<1x400x128xf32, #tpu.memory_space<hbm>> -> memref<400x128xf32, #tpu.memory_space<hbm>>
        %dma_wait3A_84 = arith.constant 0 : i32
        %dma_wait3A_85 = tpu.memref_slice %arg6[%mul3A_72, %dma_wait3A_84] : memref<10000x128xf32, #tpu.memory_space<vmem_shared>> -> memref<400x128xf32, #tpu.memory_space<vmem_shared>>
        tpu.wait_dma2 semaphore(%run_scoped3A_75 : memref<!tpu.dma_semaphore, #tpu.memory_space<semaphore_mem>>) src(%dma_wait3A_85 : memref<400x128xf32, #tpu.memory_space<vmem_shared>>) dst(%dma_wait3A_83 : memref<400x128xf32, #tpu.memory_space<hbm>>)
        tpu.yield
      }) : () -> ()
    } else {
    }
    %add3A_64 = arith.constant 16 : i32
    %add3A_65 = arith.addi %arg1, %add3A_64 : i32
    %lt3A_66 = arith.constant 25 : i32
    %lt3A_67 = arith.cmpi slt, %add3A_65, %lt3A_66 : i32
    %convert_element_type3A_68 = arith.extui %lt3A_67 : i1 to i32
    %cond3A_69 = arith.constant 0 : i32
    %cond3A_70 = arith.cmpi ne, %convert_element_type3A_68, %cond3A_69 : i32
    scf.if %cond3A_70 {
      %mul3A_71 = arith.constant 400 : i32
      %mul3A_72 = arith.muli %add3A_65, %mul3A_71 : i32
      %mul3A_73 = arith.constant 400 : i32
      %mul3A_74 = arith.muli %add3A_65, %mul3A_73 : i32
      "tpu.region"() ({
        %run_scoped3A_75 = tpu.sem_alloc : memref<!tpu.dma_semaphore, #tpu.memory_space<semaphore_mem>>
        %dma_start3A_76 = arith.constant 0 : i32
        %dma_start3A_77 = tpu.memref_slice %arg5[%arg0, %mul3A_74, %dma_start3A_76] : memref<2x10000x128xf32, #tpu.memory_space<hbm>> -> memref<1x400x128xf32, #tpu.memory_space<hbm>>
        %dma_start3A_78 = tpu.memref_squeeze %dma_start3A_77 : memref<1x400x128xf32, #tpu.memory_space<hbm>> -> memref<400x128xf32, #tpu.memory_space<hbm>>
        %dma_start3A_79 = arith.constant 0 : i32
        %dma_start3A_80 = tpu.memref_slice %arg6[%mul3A_72, %dma_start3A_79] : memref<10000x128xf32, #tpu.memory_space<vmem_shared>> -> memref<400x128xf32, #tpu.memory_space<vmem_shared>>
        tpu.enqueue_dma source(%dma_start3A_80 : memref<400x128xf32, #tpu.memory_space<vmem_shared>>) target(%dma_start3A_78 : memref<400x128xf32, #tpu.memory_space<hbm>>) target_semaphore(%run_scoped3A_75 : memref<!tpu.dma_semaphore, #tpu.memory_space<semaphore_mem>>)
        %dma_wait3A_81 = arith.constant 0 : i32
        %dma_wait3A_82 = tpu.memref_slice %arg5[%arg0, %mul3A_74, %dma_wait3A_81] : memref<2x10000x128xf32, #tpu.memory_space<hbm>> -> memref<1x400x128xf32, #tpu.memory_space<hbm>>
        %dma_wait3A_83 = tpu.memref_squeeze %dma_wait3A_82 : memref<1x400x128xf32, #tpu.memory_space<hbm>> -> memref<400x128xf32, #tpu.memory_space<hbm>>
        %dma_wait3A_84 = arith.constant 0 : i32
        %dma_wait3A_85 = tpu.memref_slice %arg6[%mul3A_72, %dma_wait3A_84] : memref<10000x128xf32, #tpu.memory_space<vmem_shared>> -> memref<400x128xf32, #tpu.memory_space<vmem_shared>>
        tpu.wait_dma2 semaphore(%run_scoped3A_75 : memref<!tpu.dma_semaphore, #tpu.memory_space<semaphore_mem>>) src(%dma_wait3A_85 : memref<400x128xf32, #tpu.memory_space<vmem_shared>>) dst(%dma_wait3A_83 : memref<400x128xf32, #tpu.memory_space<hbm>>)
        tpu.yield
      }) : () -> ()
    } else {
    }
    return
  }
}

#map = affine_map<(d0, d1) -> (0, 0)>
#map1 = affine_map<(d0, d1) -> (0, 0, 0)>
module attributes {stable_mosaic.version = 14 : i64} {
  func.func @_sc_scatter_body(%arg0: i32, %arg1: i32, %arg2: memref<320000x128xf32, #tpu.memory_space<hbm>>, %arg3: memref<32x125x80xi32, #tpu.memory_space<hbm>>, %arg4: memref<400x128xf32, #tpu.memory_space<hbm>>, %arg5: memref<2x10000x128xf32, #tpu.memory_space<hbm>>, %arg6: memref<10000x128xf32, #tpu.memory_space<vmem_shared>>, %arg7: memref<125x80xi32, #tpu.memory_space<vmem>>, %arg8: memref<80x128xf32, #tpu.memory_space<vmem>>, %arg9: memref<80x128xf32, #tpu.memory_space<vmem>>, %arg10: memref<!tpu.dma_semaphore, #tpu.memory_space<semaphore_mem>>, %arg11: memref<!tpu.dma_semaphore, #tpu.memory_space<semaphore_mem>>) attributes {dimension_semantics = [#tpu.dimension_semantics<core_parallel>, #tpu.dimension_semantics<subcore_parallel>], iteration_bounds = array<i64: 2, 16>, scalar_prefetch = 0 : i64, scratch_operands = 6 : i64, tpu.core_type = #tpu.core_type<sc_vector_subcore>, window_params = [{transform_indices = #map}, {transform_indices = #map1}, {transform_indices = #map}, {transform_indices = #map1}]} {
    %mul3A = arith.constant 16 : i32
    %mul3A_0 = arith.muli %arg0, %mul3A : i32
    %add3A = arith.addi %mul3A_0, %arg1 : i32
    %add3A_1 = arith.constant 0 : i32
    %add3A_2 = arith.addi %arg1, %add3A_1 : i32
    %lt3A = arith.constant 25 : i32
    %lt3A_3 = arith.cmpi slt, %add3A_2, %lt3A : i32
    %convert_element_type3A = arith.extui %lt3A_3 : i1 to i32
    %cond3A = arith.constant 0 : i32
    %cond3A_4 = arith.cmpi ne, %convert_element_type3A, %cond3A : i32
    scf.if %cond3A_4 {
      %mul3A_71 = arith.constant 400 : i32
      %mul3A_72 = arith.muli %add3A_2, %mul3A_71 : i32
      "tpu.region"() ({
        %run_scoped3A_73 = tpu.sem_alloc : memref<!tpu.dma_semaphore, #tpu.memory_space<semaphore_mem>>
        %dma_start3A_74 = arith.constant 0 : i32
        %dma_start3A_75 = tpu.memref_slice %arg6[%mul3A_72, %dma_start3A_74] : memref<10000x128xf32, #tpu.memory_space<vmem_shared>> -> memref<400x128xf32, #tpu.memory_space<vmem_shared>>
        tpu.enqueue_dma source(%arg4 : memref<400x128xf32, #tpu.memory_space<hbm>>) target(%dma_start3A_75 : memref<400x128xf32, #tpu.memory_space<vmem_shared>>) target_semaphore(%run_scoped3A_73 : memref<!tpu.dma_semaphore, #tpu.memory_space<semaphore_mem>>)
        %dma_wait3A_76 = arith.constant 0 : i32
        %dma_wait3A_77 = tpu.memref_slice %arg6[%mul3A_72, %dma_wait3A_76] : memref<10000x128xf32, #tpu.memory_space<vmem_shared>> -> memref<400x128xf32, #tpu.memory_space<vmem_shared>>
        tpu.wait_dma2 semaphore(%run_scoped3A_73 : memref<!tpu.dma_semaphore, #tpu.memory_space<semaphore_mem>>) src(%arg4 : memref<400x128xf32, #tpu.memory_space<hbm>>) dst(%dma_wait3A_77 : memref<400x128xf32, #tpu.memory_space<vmem_shared>>)
        tpu.yield
      }) : () -> ()
    } else {
    }
    %add3A_5 = arith.constant 16 : i32
    %add3A_6 = arith.addi %arg1, %add3A_5 : i32
    %lt3A_7 = arith.constant 25 : i32
    %lt3A_8 = arith.cmpi slt, %add3A_6, %lt3A_7 : i32
    %convert_element_type3A_9 = arith.extui %lt3A_8 : i1 to i32
    %cond3A_10 = arith.constant 0 : i32
    %cond3A_11 = arith.cmpi ne, %convert_element_type3A_9, %cond3A_10 : i32
    scf.if %cond3A_11 {
      %mul3A_71 = arith.constant 400 : i32
      %mul3A_72 = arith.muli %add3A_6, %mul3A_71 : i32
      "tpu.region"() ({
        %run_scoped3A_73 = tpu.sem_alloc : memref<!tpu.dma_semaphore, #tpu.memory_space<semaphore_mem>>
        %dma_start3A_74 = arith.constant 0 : i32
        %dma_start3A_75 = tpu.memref_slice %arg6[%mul3A_72, %dma_start3A_74] : memref<10000x128xf32, #tpu.memory_space<vmem_shared>> -> memref<400x128xf32, #tpu.memory_space<vmem_shared>>
        tpu.enqueue_dma source(%arg4 : memref<400x128xf32, #tpu.memory_space<hbm>>) target(%dma_start3A_75 : memref<400x128xf32, #tpu.memory_space<vmem_shared>>) target_semaphore(%run_scoped3A_73 : memref<!tpu.dma_semaphore, #tpu.memory_space<semaphore_mem>>)
        %dma_wait3A_76 = arith.constant 0 : i32
        %dma_wait3A_77 = tpu.memref_slice %arg6[%mul3A_72, %dma_wait3A_76] : memref<10000x128xf32, #tpu.memory_space<vmem_shared>> -> memref<400x128xf32, #tpu.memory_space<vmem_shared>>
        tpu.wait_dma2 semaphore(%run_scoped3A_73 : memref<!tpu.dma_semaphore, #tpu.memory_space<semaphore_mem>>) src(%arg4 : memref<400x128xf32, #tpu.memory_space<hbm>>) dst(%dma_wait3A_77 : memref<400x128xf32, #tpu.memory_space<vmem_shared>>)
        tpu.yield
      }) : () -> ()
    } else {
    }
    %dma_start3A = arith.constant 0 : i32
    %dma_start3A_12 = arith.constant 0 : i32
    %dma_start3A_13 = tpu.memref_slice %arg3[%add3A, %dma_start3A, %dma_start3A_12] : memref<32x125x80xi32, #tpu.memory_space<hbm>> -> memref<1x125x80xi32, #tpu.memory_space<hbm>>
    %dma_start3A_14 = tpu.memref_squeeze %dma_start3A_13 : memref<1x125x80xi32, #tpu.memory_space<hbm>> -> memref<125x80xi32, #tpu.memory_space<hbm>>
    %dma_start3A_15 = arith.constant 0 : i32
    %dma_start3A_16 = arith.constant 0 : i32
    %dma_start3A_17 = tpu.memref_slice %arg3[%add3A, %dma_start3A_15, %dma_start3A_16] : memref<32x125x80xi32, #tpu.memory_space<hbm>> -> memref<1x125x80xi32, #tpu.memory_space<hbm>>
    %dma_start3A_18 = tpu.memref_squeeze %dma_start3A_17 : memref<1x125x80xi32, #tpu.memory_space<hbm>> -> memref<125x80xi32, #tpu.memory_space<hbm>>
    tpu.enqueue_dma source(%dma_start3A_18 : memref<125x80xi32, #tpu.memory_space<hbm>>) target(%arg7 : memref<125x80xi32, #tpu.memory_space<vmem>>) target_semaphore(%arg10 : memref<!tpu.dma_semaphore, #tpu.memory_space<semaphore_mem>>)
    %mul3A_19 = arith.constant 125 : i32
    %mul3A_20 = arith.muli %add3A, %mul3A_19 : i32
    %dma_wait3A = arith.constant 0 : i32
    %dma_wait3A_21 = arith.constant 0 : i32
    %dma_wait3A_22 = tpu.memref_slice %arg3[%add3A, %dma_wait3A, %dma_wait3A_21] : memref<32x125x80xi32, #tpu.memory_space<hbm>> -> memref<1x125x80xi32, #tpu.memory_space<hbm>>
    %dma_wait3A_23 = tpu.memref_squeeze %dma_wait3A_22 : memref<1x125x80xi32, #tpu.memory_space<hbm>> -> memref<125x80xi32, #tpu.memory_space<hbm>>
    %dma_wait3A_24 = arith.constant 0 : i32
    %dma_wait3A_25 = arith.constant 0 : i32
    %dma_wait3A_26 = tpu.memref_slice %arg3[%add3A, %dma_wait3A_24, %dma_wait3A_25] : memref<32x125x80xi32, #tpu.memory_space<hbm>> -> memref<1x125x80xi32, #tpu.memory_space<hbm>>
    %dma_wait3A_27 = tpu.memref_squeeze %dma_wait3A_26 : memref<1x125x80xi32, #tpu.memory_space<hbm>> -> memref<125x80xi32, #tpu.memory_space<hbm>>
    tpu.wait_dma2 semaphore(%arg10 : memref<!tpu.dma_semaphore, #tpu.memory_space<semaphore_mem>>) src(%dma_wait3A_27 : memref<125x80xi32, #tpu.memory_space<hbm>>) dst(%arg7 : memref<125x80xi32, #tpu.memory_space<vmem>>)
    %barrier3A = arith.constant 0 : index
    tpu.barrier barrier_id(%barrier3A)
    %add3A_28 = arith.constant 0 : i32
    %add3A_29 = arith.addi %mul3A_20, %add3A_28 : i32
    %mul3A_30 = arith.constant 80 : i32
    %mul3A_31 = arith.muli %add3A_29, %mul3A_30 : i32
    %dma_start3A_32 = arith.constant 0 : i32
    %dma_start3A_33 = tpu.memref_slice %arg2[%mul3A_31, %dma_start3A_32] : memref<320000x128xf32, #tpu.memory_space<hbm>> -> memref<80x128xf32, #tpu.memory_space<hbm>>
    %dma_start3A_34 = arith.constant 0 : i32
    %dma_start3A_35 = tpu.memref_slice %arg2[%mul3A_31, %dma_start3A_34] : memref<320000x128xf32, #tpu.memory_space<hbm>> -> memref<80x128xf32, #tpu.memory_space<hbm>>
    tpu.enqueue_dma source(%dma_start3A_35 : memref<80x128xf32, #tpu.memory_space<hbm>>) target(%arg8 : memref<80x128xf32, #tpu.memory_space<vmem>>) target_semaphore(%arg10 : memref<!tpu.dma_semaphore, #tpu.memory_space<semaphore_mem>>)
    %add3A_36 = arith.constant 1 : i32
    %add3A_37 = arith.addi %mul3A_20, %add3A_36 : i32
    %mul3A_38 = arith.constant 80 : i32
    %mul3A_39 = arith.muli %add3A_37, %mul3A_38 : i32
    %dma_start3A_40 = arith.constant 0 : i32
    %dma_start3A_41 = tpu.memref_slice %arg2[%mul3A_39, %dma_start3A_40] : memref<320000x128xf32, #tpu.memory_space<hbm>> -> memref<80x128xf32, #tpu.memory_space<hbm>>
    %dma_start3A_42 = arith.constant 0 : i32
    %dma_start3A_43 = tpu.memref_slice %arg2[%mul3A_39, %dma_start3A_42] : memref<320000x128xf32, #tpu.memory_space<hbm>> -> memref<80x128xf32, #tpu.memory_space<hbm>>
    tpu.enqueue_dma source(%dma_start3A_43 : memref<80x128xf32, #tpu.memory_space<hbm>>) target(%arg9 : memref<80x128xf32, #tpu.memory_space<vmem>>) target_semaphore(%arg11 : memref<!tpu.dma_semaphore, #tpu.memory_space<semaphore_mem>>)
    %scan3A = arith.constant 0 : i32
    %scan3A_44 = arith.constant 62 : i32
    %scan3A_45 = arith.addi %scan3A, %scan3A_44 : i32
    %scan3A_46 = arith.constant 1 : i32
    scf.for %scan3A_71 = %scan3A to %scan3A_45 step %scan3A_46  : i32 {
      %mul3A_72 = arith.constant 1 : i32
      %mul3A_73 = arith.muli %scan3A_71, %mul3A_72 : i32
      %add3A_74 = arith.constant 0 : i32
      %add3A_75 = arith.addi %add3A_74, %mul3A_73 : i32
      %mul3A_76 = arith.constant 2 : i32
      %mul3A_77 = arith.muli %mul3A_76, %add3A_75 : i32
      %add3A_78 = arith.constant 0 : i32
      %add3A_79 = arith.addi %mul3A_77, %add3A_78 : i32
      %add3A_80 = arith.addi %mul3A_20, %add3A_79 : i32
      %mul3A_81 = arith.constant 80 : i32
      %mul3A_82 = arith.muli %add3A_80, %mul3A_81 : i32
      %dma_wait3A_83 = arith.constant 0 : i32
      %dma_wait3A_84 = tpu.memref_slice %arg2[%mul3A_82, %dma_wait3A_83] : memref<320000x128xf32, #tpu.memory_space<hbm>> -> memref<80x128xf32, #tpu.memory_space<hbm>>
      %dma_wait3A_85 = arith.constant 0 : i32
      %dma_wait3A_86 = tpu.memref_slice %arg2[%mul3A_82, %dma_wait3A_85] : memref<320000x128xf32, #tpu.memory_space<hbm>> -> memref<80x128xf32, #tpu.memory_space<hbm>>
      tpu.wait_dma2 semaphore(%arg10 : memref<!tpu.dma_semaphore, #tpu.memory_space<semaphore_mem>>) src(%dma_wait3A_86 : memref<80x128xf32, #tpu.memory_space<hbm>>) dst(%arg8 : memref<80x128xf32, #tpu.memory_space<vmem>>)
      "tpu.region"() ({
        %run_scoped3A_112 = tpu.sem_alloc : memref<!tpu.dma_semaphore, #tpu.memory_space<semaphore_mem>>
        %dma_start3A_113 = arith.constant 0 : i32
        %dma_start3A_114 = tpu.memref_slice %arg7[%add3A_79, %dma_start3A_113] : memref<125x80xi32, #tpu.memory_space<vmem>> -> memref<1x80xi32, #tpu.memory_space<vmem>>
        %dma_start3A_115 = tpu.memref_squeeze %dma_start3A_114 : memref<1x80xi32, #tpu.memory_space<vmem>> -> memref<80xi32, #tpu.memory_space<vmem>>
        %dma_start3A_116 = arith.constant 0 : i32
        %dma_start3A_117 = arith.constant 0 : i32
        %dma_start3A_118 = tpu.memref_slice %arg6[%dma_start3A_116, %dma_start3A_117] : memref<10000x128xf32, #tpu.memory_space<vmem_shared>> -> memref<10000x128xf32, #tpu.memory_space<vmem_shared>>
        tpu.enqueue_indirect_dma source(%arg8 : memref<80x128xf32, #tpu.memory_space<vmem>>) target(%dma_start3A_118 : memref<10000x128xf32, #tpu.memory_space<vmem_shared>>) offsets(%dma_start3A_115 : memref<80xi32, #tpu.memory_space<vmem>>) semaphore(%run_scoped3A_112 : memref<!tpu.dma_semaphore, #tpu.memory_space<semaphore_mem>>) {add = true}
        %dma_wait3A_119 = arith.constant 0 : i32
        %dma_wait3A_120 = tpu.memref_slice %arg7[%add3A_79, %dma_wait3A_119] : memref<125x80xi32, #tpu.memory_space<vmem>> -> memref<1x80xi32, #tpu.memory_space<vmem>>
        %dma_wait3A_121 = tpu.memref_squeeze %dma_wait3A_120 : memref<1x80xi32, #tpu.memory_space<vmem>> -> memref<80xi32, #tpu.memory_space<vmem>>
        %dma_wait3A_122 = arith.constant 0 : i32
        %dma_wait3A_123 = arith.constant 0 : i32
        %dma_wait3A_124 = tpu.memref_slice %arg6[%dma_wait3A_122, %dma_wait3A_123] : memref<10000x128xf32, #tpu.memory_space<vmem_shared>> -> memref<10000x128xf32, #tpu.memory_space<vmem_shared>>
        tpu.wait_indirect_dma semaphore(%run_scoped3A_112 : memref<!tpu.dma_semaphore, #tpu.memory_space<semaphore_mem>>) src(%arg8 : memref<80x128xf32, #tpu.memory_space<vmem>>) dst(%dma_wait3A_124 : memref<10000x128xf32, #tpu.memory_space<vmem_shared>>)
        tpu.yield
      }) : () -> ()
      %add3A_87 = arith.constant 2 : i32
      %add3A_88 = arith.addi %add3A_79, %add3A_87 : i32
      %lt3A_89 = arith.constant 125 : i32
      %lt3A_90 = arith.cmpi slt, %add3A_88, %lt3A_89 : i32
      %convert_element_type3A_91 = arith.extui %lt3A_90 : i1 to i32
      %cond3A_92 = arith.constant 0 : i32
      %cond3A_93 = arith.cmpi ne, %convert_element_type3A_91, %cond3A_92 : i32
      scf.if %cond3A_93 {
        %add3A_112 = arith.constant 2 : i32
        %add3A_113 = arith.addi %add3A_79, %add3A_112 : i32
        %add3A_114 = arith.addi %mul3A_20, %add3A_113 : i32
        %mul3A_115 = arith.constant 80 : i32
        %mul3A_116 = arith.muli %add3A_114, %mul3A_115 : i32
        %dma_start3A_117 = arith.constant 0 : i32
        %dma_start3A_118 = tpu.memref_slice %arg2[%mul3A_116, %dma_start3A_117] : memref<320000x128xf32, #tpu.memory_space<hbm>> -> memref<80x128xf32, #tpu.memory_space<hbm>>
        %dma_start3A_119 = arith.constant 0 : i32
        %dma_start3A_120 = tpu.memref_slice %arg2[%mul3A_116, %dma_start3A_119] : memref<320000x128xf32, #tpu.memory_space<hbm>> -> memref<80x128xf32, #tpu.memory_space<hbm>>
        tpu.enqueue_dma source(%dma_start3A_120 : memref<80x128xf32, #tpu.memory_space<hbm>>) target(%arg8 : memref<80x128xf32, #tpu.memory_space<vmem>>) target_semaphore(%arg10 : memref<!tpu.dma_semaphore, #tpu.memory_space<semaphore_mem>>)
      } else {
      }
      %mul3A_94 = arith.constant 2 : i32
      %mul3A_95 = arith.muli %mul3A_94, %add3A_75 : i32
      %add3A_96 = arith.constant 1 : i32
      %add3A_97 = arith.addi %mul3A_95, %add3A_96 : i32
      %add3A_98 = arith.addi %mul3A_20, %add3A_97 : i32
      %mul3A_99 = arith.constant 80 : i32
      %mul3A_100 = arith.muli %add3A_98, %mul3A_99 : i32
      %dma_wait3A_101 = arith.constant 0 : i32
      %dma_wait3A_102 = tpu.memref_slice %arg2[%mul3A_100, %dma_wait3A_101] : memref<320000x128xf32, #tpu.memory_space<hbm>> -> memref<80x128xf32, #tpu.memory_space<hbm>>
      %dma_wait3A_103 = arith.constant 0 : i32
      %dma_wait3A_104 = tpu.memref_slice %arg2[%mul3A_100, %dma_wait3A_103] : memref<320000x128xf32, #tpu.memory_space<hbm>> -> memref<80x128xf32, #tpu.memory_space<hbm>>
      tpu.wait_dma2 semaphore(%arg11 : memref<!tpu.dma_semaphore, #tpu.memory_space<semaphore_mem>>) src(%dma_wait3A_104 : memref<80x128xf32, #tpu.memory_space<hbm>>) dst(%arg9 : memref<80x128xf32, #tpu.memory_space<vmem>>)
      "tpu.region"() ({
        %run_scoped3A_112 = tpu.sem_alloc : memref<!tpu.dma_semaphore, #tpu.memory_space<semaphore_mem>>
        %dma_start3A_113 = arith.constant 0 : i32
        %dma_start3A_114 = tpu.memref_slice %arg7[%add3A_97, %dma_start3A_113] : memref<125x80xi32, #tpu.memory_space<vmem>> -> memref<1x80xi32, #tpu.memory_space<vmem>>
        %dma_start3A_115 = tpu.memref_squeeze %dma_start3A_114 : memref<1x80xi32, #tpu.memory_space<vmem>> -> memref<80xi32, #tpu.memory_space<vmem>>
        %dma_start3A_116 = arith.constant 0 : i32
        %dma_start3A_117 = arith.constant 0 : i32
        %dma_start3A_118 = tpu.memref_slice %arg6[%dma_start3A_116, %dma_start3A_117] : memref<10000x128xf32, #tpu.memory_space<vmem_shared>> -> memref<10000x128xf32, #tpu.memory_space<vmem_shared>>
        tpu.enqueue_indirect_dma source(%arg9 : memref<80x128xf32, #tpu.memory_space<vmem>>) target(%dma_start3A_118 : memref<10000x128xf32, #tpu.memory_space<vmem_shared>>) offsets(%dma_start3A_115 : memref<80xi32, #tpu.memory_space<vmem>>) semaphore(%run_scoped3A_112 : memref<!tpu.dma_semaphore, #tpu.memory_space<semaphore_mem>>) {add = true}
        %dma_wait3A_119 = arith.constant 0 : i32
        %dma_wait3A_120 = tpu.memref_slice %arg7[%add3A_97, %dma_wait3A_119] : memref<125x80xi32, #tpu.memory_space<vmem>> -> memref<1x80xi32, #tpu.memory_space<vmem>>
        %dma_wait3A_121 = tpu.memref_squeeze %dma_wait3A_120 : memref<1x80xi32, #tpu.memory_space<vmem>> -> memref<80xi32, #tpu.memory_space<vmem>>
        %dma_wait3A_122 = arith.constant 0 : i32
        %dma_wait3A_123 = arith.constant 0 : i32
        %dma_wait3A_124 = tpu.memref_slice %arg6[%dma_wait3A_122, %dma_wait3A_123] : memref<10000x128xf32, #tpu.memory_space<vmem_shared>> -> memref<10000x128xf32, #tpu.memory_space<vmem_shared>>
        tpu.wait_indirect_dma semaphore(%run_scoped3A_112 : memref<!tpu.dma_semaphore, #tpu.memory_space<semaphore_mem>>) src(%arg9 : memref<80x128xf32, #tpu.memory_space<vmem>>) dst(%dma_wait3A_124 : memref<10000x128xf32, #tpu.memory_space<vmem_shared>>)
        tpu.yield
      }) : () -> ()
      %add3A_105 = arith.constant 2 : i32
      %add3A_106 = arith.addi %add3A_97, %add3A_105 : i32
      %lt3A_107 = arith.constant 125 : i32
      %lt3A_108 = arith.cmpi slt, %add3A_106, %lt3A_107 : i32
      %convert_element_type3A_109 = arith.extui %lt3A_108 : i1 to i32
      %cond3A_110 = arith.constant 0 : i32
      %cond3A_111 = arith.cmpi ne, %convert_element_type3A_109, %cond3A_110 : i32
      scf.if %cond3A_111 {
        %add3A_112 = arith.constant 2 : i32
        %add3A_113 = arith.addi %add3A_97, %add3A_112 : i32
        %add3A_114 = arith.addi %mul3A_20, %add3A_113 : i32
        %mul3A_115 = arith.constant 80 : i32
        %mul3A_116 = arith.muli %add3A_114, %mul3A_115 : i32
        %dma_start3A_117 = arith.constant 0 : i32
        %dma_start3A_118 = tpu.memref_slice %arg2[%mul3A_116, %dma_start3A_117] : memref<320000x128xf32, #tpu.memory_space<hbm>> -> memref<80x128xf32, #tpu.memory_space<hbm>>
        %dma_start3A_119 = arith.constant 0 : i32
        %dma_start3A_120 = tpu.memref_slice %arg2[%mul3A_116, %dma_start3A_119] : memref<320000x128xf32, #tpu.memory_space<hbm>> -> memref<80x128xf32, #tpu.memory_space<hbm>>
        tpu.enqueue_dma source(%dma_start3A_120 : memref<80x128xf32, #tpu.memory_space<hbm>>) target(%arg9 : memref<80x128xf32, #tpu.memory_space<vmem>>) target_semaphore(%arg11 : memref<!tpu.dma_semaphore, #tpu.memory_space<semaphore_mem>>)
      } else {
      }
    }
    %scan3A_47 = arith.constant 62 : i32
    %add3A_48 = arith.constant 124 : i32
    %add3A_49 = arith.addi %mul3A_20, %add3A_48 : i32
    %mul3A_50 = arith.constant 80 : i32
    %mul3A_51 = arith.muli %add3A_49, %mul3A_50 : i32
    %dma_wait3A_52 = arith.constant 0 : i32
    %dma_wait3A_53 = tpu.memref_slice %arg2[%mul3A_51, %dma_wait3A_52] : memref<320000x128xf32, #tpu.memory_space<hbm>> -> memref<80x128xf32, #tpu.memory_space<hbm>>
    %dma_wait3A_54 = arith.constant 0 : i32
    %dma_wait3A_55 = tpu.memref_slice %arg2[%mul3A_51, %dma_wait3A_54] : memref<320000x128xf32, #tpu.memory_space<hbm>> -> memref<80x128xf32, #tpu.memory_space<hbm>>
    tpu.wait_dma2 semaphore(%arg10 : memref<!tpu.dma_semaphore, #tpu.memory_space<semaphore_mem>>) src(%dma_wait3A_55 : memref<80x128xf32, #tpu.memory_space<hbm>>) dst(%arg8 : memref<80x128xf32, #tpu.memory_space<vmem>>)
    %run_scoped3A = arith.constant 124 : i32
    "tpu.region"() ({
      %run_scoped3A_71 = tpu.sem_alloc : memref<!tpu.dma_semaphore, #tpu.memory_space<semaphore_mem>>
      %dma_start3A_72 = arith.constant 0 : i32
      %dma_start3A_73 = tpu.memref_slice %arg7[%run_scoped3A, %dma_start3A_72] : memref<125x80xi32, #tpu.memory_space<vmem>> -> memref<1x80xi32, #tpu.memory_space<vmem>>
      %dma_start3A_74 = tpu.memref_squeeze %dma_start3A_73 : memref<1x80xi32, #tpu.memory_space<vmem>> -> memref<80xi32, #tpu.memory_space<vmem>>
      %dma_start3A_75 = arith.constant 0 : i32
      %dma_start3A_76 = arith.constant 0 : i32
      %dma_start3A_77 = tpu.memref_slice %arg6[%dma_start3A_75, %dma_start3A_76] : memref<10000x128xf32, #tpu.memory_space<vmem_shared>> -> memref<10000x128xf32, #tpu.memory_space<vmem_shared>>
      tpu.enqueue_indirect_dma source(%arg8 : memref<80x128xf32, #tpu.memory_space<vmem>>) target(%dma_start3A_77 : memref<10000x128xf32, #tpu.memory_space<vmem_shared>>) offsets(%dma_start3A_74 : memref<80xi32, #tpu.memory_space<vmem>>) semaphore(%run_scoped3A_71 : memref<!tpu.dma_semaphore, #tpu.memory_space<semaphore_mem>>) {add = true}
      %dma_wait3A_78 = arith.constant 0 : i32
      %dma_wait3A_79 = tpu.memref_slice %arg7[%run_scoped3A, %dma_wait3A_78] : memref<125x80xi32, #tpu.memory_space<vmem>> -> memref<1x80xi32, #tpu.memory_space<vmem>>
      %dma_wait3A_80 = tpu.memref_squeeze %dma_wait3A_79 : memref<1x80xi32, #tpu.memory_space<vmem>> -> memref<80xi32, #tpu.memory_space<vmem>>
      %dma_wait3A_81 = arith.constant 0 : i32
      %dma_wait3A_82 = arith.constant 0 : i32
      %dma_wait3A_83 = tpu.memref_slice %arg6[%dma_wait3A_81, %dma_wait3A_82] : memref<10000x128xf32, #tpu.memory_space<vmem_shared>> -> memref<10000x128xf32, #tpu.memory_space<vmem_shared>>
      tpu.wait_indirect_dma semaphore(%run_scoped3A_71 : memref<!tpu.dma_semaphore, #tpu.memory_space<semaphore_mem>>) src(%arg8 : memref<80x128xf32, #tpu.memory_space<vmem>>) dst(%dma_wait3A_83 : memref<10000x128xf32, #tpu.memory_space<vmem_shared>>)
      tpu.yield
    }) : () -> ()
    %barrier3A_56 = arith.constant 0 : index
    tpu.barrier barrier_id(%barrier3A_56)
    %add3A_57 = arith.constant 0 : i32
    %add3A_58 = arith.addi %arg1, %add3A_57 : i32
    %lt3A_59 = arith.constant 25 : i32
    %lt3A_60 = arith.cmpi slt, %add3A_58, %lt3A_59 : i32
    %convert_element_type3A_61 = arith.extui %lt3A_60 : i1 to i32
    %cond3A_62 = arith.constant 0 : i32
    %cond3A_63 = arith.cmpi ne, %convert_element_type3A_61, %cond3A_62 : i32
    scf.if %cond3A_63 {
      %mul3A_71 = arith.constant 400 : i32
      %mul3A_72 = arith.muli %add3A_58, %mul3A_71 : i32
      %mul3A_73 = arith.constant 400 : i32
      %mul3A_74 = arith.muli %add3A_58, %mul3A_73 : i32
      "tpu.region"() ({
        %run_scoped3A_75 = tpu.sem_alloc : memref<!tpu.dma_semaphore, #tpu.memory_space<semaphore_mem>>
        %dma_start3A_76 = arith.constant 0 : i32
        %dma_start3A_77 = tpu.memref_slice %arg5[%arg0, %mul3A_74, %dma_start3A_76] : memref<2x10000x128xf32, #tpu.memory_space<hbm>> -> memref<1x400x128xf32, #tpu.memory_space<hbm>>
        %dma_start3A_78 = tpu.memref_squeeze %dma_start3A_77 : memref<1x400x128xf32, #tpu.memory_space<hbm>> -> memref<400x128xf32, #tpu.memory_space<hbm>>
        %dma_start3A_79 = arith.constant 0 : i32
        %dma_start3A_80 = tpu.memref_slice %arg6[%mul3A_72, %dma_start3A_79] : memref<10000x128xf32, #tpu.memory_space<vmem_shared>> -> memref<400x128xf32, #tpu.memory_space<vmem_shared>>
        tpu.enqueue_dma source(%dma_start3A_80 : memref<400x128xf32, #tpu.memory_space<vmem_shared>>) target(%dma_start3A_78 : memref<400x128xf32, #tpu.memory_space<hbm>>) target_semaphore(%run_scoped3A_75 : memref<!tpu.dma_semaphore, #tpu.memory_space<semaphore_mem>>)
        %dma_wait3A_81 = arith.constant 0 : i32
        %dma_wait3A_82 = tpu.memref_slice %arg5[%arg0, %mul3A_74, %dma_wait3A_81] : memref<2x10000x128xf32, #tpu.memory_space<hbm>> -> memref<1x400x128xf32, #tpu.memory_space<hbm>>
        %dma_wait3A_83 = tpu.memref_squeeze %dma_wait3A_82 : memref<1x400x128xf32, #tpu.memory_space<hbm>> -> memref<400x128xf32, #tpu.memory_space<hbm>>
        %dma_wait3A_84 = arith.constant 0 : i32
        %dma_wait3A_85 = tpu.memref_slice %arg6[%mul3A_72, %dma_wait3A_84] : memref<10000x128xf32, #tpu.memory_space<vmem_shared>> -> memref<400x128xf32, #tpu.memory_space<vmem_shared>>
        tpu.wait_dma2 semaphore(%run_scoped3A_75 : memref<!tpu.dma_semaphore, #tpu.memory_space<semaphore_mem>>) src(%dma_wait3A_85 : memref<400x128xf32, #tpu.memory_space<vmem_shared>>) dst(%dma_wait3A_83 : memref<400x128xf32, #tpu.memory_space<hbm>>)
        tpu.yield
      }) : () -> ()
    } else {
    }
    %add3A_64 = arith.constant 16 : i32
    %add3A_65 = arith.addi %arg1, %add3A_64 : i32
    %lt3A_66 = arith.constant 25 : i32
    %lt3A_67 = arith.cmpi slt, %add3A_65, %lt3A_66 : i32
    %convert_element_type3A_68 = arith.extui %lt3A_67 : i1 to i32
    %cond3A_69 = arith.constant 0 : i32
    %cond3A_70 = arith.cmpi ne, %convert_element_type3A_68, %cond3A_69 : i32
    scf.if %cond3A_70 {
      %mul3A_71 = arith.constant 400 : i32
      %mul3A_72 = arith.muli %add3A_65, %mul3A_71 : i32
      %mul3A_73 = arith.constant 400 : i32
      %mul3A_74 = arith.muli %add3A_65, %mul3A_73 : i32
      "tpu.region"() ({
        %run_scoped3A_75 = tpu.sem_alloc : memref<!tpu.dma_semaphore, #tpu.memory_space<semaphore_mem>>
        %dma_start3A_76 = arith.constant 0 : i32
        %dma_start3A_77 = tpu.memref_slice %arg5[%arg0, %mul3A_74, %dma_start3A_76] : memref<2x10000x128xf32, #tpu.memory_space<hbm>> -> memref<1x400x128xf32, #tpu.memory_space<hbm>>
        %dma_start3A_78 = tpu.memref_squeeze %dma_start3A_77 : memref<1x400x128xf32, #tpu.memory_space<hbm>> -> memref<400x128xf32, #tpu.memory_space<hbm>>
        %dma_start3A_79 = arith.constant 0 : i32
        %dma_start3A_80 = tpu.memref_slice %arg6[%mul3A_72, %dma_start3A_79] : memref<10000x128xf32, #tpu.memory_space<vmem_shared>> -> memref<400x128xf32, #tpu.memory_space<vmem_shared>>
        tpu.enqueue_dma source(%dma_start3A_80 : memref<400x128xf32, #tpu.memory_space<vmem_shared>>) target(%dma_start3A_78 : memref<400x128xf32, #tpu.memory_space<hbm>>) target_semaphore(%run_scoped3A_75 : memref<!tpu.dma_semaphore, #tpu.memory_space<semaphore_mem>>)
        %dma_wait3A_81 = arith.constant 0 : i32
        %dma_wait3A_82 = tpu.memref_slice %arg5[%arg0, %mul3A_74, %dma_wait3A_81] : memref<2x10000x128xf32, #tpu.memory_space<hbm>> -> memref<1x400x128xf32, #tpu.memory_space<hbm>>
        %dma_wait3A_83 = tpu.memref_squeeze %dma_wait3A_82 : memref<1x400x128xf32, #tpu.memory_space<hbm>> -> memref<400x128xf32, #tpu.memory_space<hbm>>
        %dma_wait3A_84 = arith.constant 0 : i32
        %dma_wait3A_85 = tpu.memref_slice %arg6[%mul3A_72, %dma_wait3A_84] : memref<10000x128xf32, #tpu.memory_space<vmem_shared>> -> memref<400x128xf32, #tpu.memory_space<vmem_shared>>
        tpu.wait_dma2 semaphore(%run_scoped3A_75 : memref<!tpu.dma_semaphore, #tpu.memory_space<semaphore_mem>>) src(%dma_wait3A_85 : memref<400x128xf32, #tpu.memory_space<vmem_shared>>) dst(%dma_wait3A_83 : memref<400x128xf32, #tpu.memory_space<hbm>>)
        tpu.yield
      }) : () -> ()
    } else {
    }
    return
  }
}

module attributes {stable_mosaic.version = 14 : i64} {
  func.func @_init_body(%arg0: i32, %arg1: memref<2000x40xf32, #tpu.memory_space<vmem>>, %arg2: memref<2000x128xf32, #tpu.memory_space<vmem>>, %arg3: memref<128x40xf32, #tpu.memory_space<vmem>>, %arg4: memref<2000x128xf32, #tpu.memory_space<vmem>>) attributes {dimension_semantics = [#tpu.dimension_semantics<arbitrary>], iteration_bounds = array<i64: 160>, scalar_prefetch = 0 : i64, scratch_operands = 0 : i64, tpu.core_type = #tpu.core_type<tc>, window_params = [{transform_indices = @transform_0, window_bounds = array<i64: 2000, 40>}, {transform_indices = @transform_1, window_bounds = array<i64: 2000, 128>}, {pipeline_mode = #tpu.pipeline_mode<synchronous>, transform_indices = @transform_2, window_bounds = array<i64: 128, 40>}, {transform_indices = @transform_3, window_bounds = array<i64: 2000, 128>}]} {
    %get3A = arith.constant 0 : index
    %get3A_0 = arith.constant 0 : index
    %get3A_1 = vector.load %arg1[%get3A, %get3A_0] : memref<2000x40xf32, #tpu.memory_space<vmem>>, vector<2000x40xf32>
    %get3A_2 = arith.constant 0 : index
    %get3A_3 = arith.constant 0 : index
    %get3A_4 = vector.load %arg3[%get3A_2, %get3A_3] : memref<128x40xf32, #tpu.memory_space<vmem>>, vector<128x40xf32>
    %dot_general3A = arith.constant dense<0.000000e+00> : vector<2000x128xf32>
    %dot_general3A_5 = tpu.matmul %get3A_1, %get3A_4, %dot_general3A {dimension_numbers = #tpu.dot_dimension_numbers<[1], [1], [0], [0], [0, 0, 1, 0], [], []>, transpose_lhs_hint = false} : vector<2000x40xf32>, vector<128x40xf32>, vector<2000x128xf32> -> vector<2000x128xf32>
    %max3A = arith.constant 0.000000e+00 : f32
    %max3A_6 = vector.broadcast %max3A : f32 to vector<2000x128xf32>
    %max3A_7 = arith.maximumf %dot_general3A_5, %max3A_6 : vector<2000x128xf32>
    %get3A_8 = arith.constant 0 : index
    %get3A_9 = arith.constant 0 : index
    %get3A_10 = vector.load %arg2[%get3A_8, %get3A_9] : memref<2000x128xf32, #tpu.memory_space<vmem>>, vector<2000x128xf32>
    %add3A = arith.addf %max3A_7, %get3A_10 : vector<2000x128xf32>
    %swap3A = arith.constant 0 : index
    %swap3A_11 = arith.constant 0 : index
    %swap3A_12 = vector.load %arg4[%swap3A, %swap3A_11] : memref<2000x128xf32, #tpu.memory_space<vmem>>, vector<2000x128xf32>
    tpu.vector_store %arg4[%swap3A, %swap3A_11], %add3A {strides = array<i32>} : memref<2000x128xf32, #tpu.memory_space<vmem>>, vector<2000x128xf32>,
    return
  }
  func.func @transform_0(%arg0: i32) -> (i32, i32) {
    %c0_i32 = arith.constant 0 : i32
    %c0_i32_0 = arith.constant 0 : i32
    return %arg0, %c0_i32 : i32, i32
  }
  func.func @transform_1(%arg0: i32) -> (i32, i32) {
    %c0_i32 = arith.constant 0 : i32
    %c0_i32_0 = arith.constant 0 : i32
    return %arg0, %c0_i32 : i32, i32
  }
  func.func @transform_2(%arg0: i32) -> (i32, i32) {
    %c0_i32 = arith.constant 0 : i32
    %c0_i32_0 = arith.constant 0 : i32
    %c0_i32_1 = arith.constant 0 : i32
    return %c0_i32, %c0_i32_0 : i32, i32
  }
  func.func @transform_3(%arg0: i32) -> (i32, i32) {
    %c0_i32 = arith.constant 0 : i32
    %c0_i32_0 = arith.constant 0 : i32
    return %arg0, %c0_i32 : i32, i32
  }
}

module attributes {stable_mosaic.version = 14 : i64} {
  func.func @_add_body(%arg0: i32, %arg1: memref<2000x128xf32, #tpu.memory_space<vmem>>, %arg2: memref<2000x128xf32, #tpu.memory_space<vmem>>, %arg3: memref<2000x128xf32, #tpu.memory_space<vmem>>) attributes {dimension_semantics = [#tpu.dimension_semantics<arbitrary>], iteration_bounds = array<i64: 5>, scalar_prefetch = 0 : i64, scratch_operands = 0 : i64, tpu.core_type = #tpu.core_type<tc>, window_params = [{transform_indices = @transform_0, window_bounds = array<i64: 2000, 128>}, {transform_indices = @transform_1, window_bounds = array<i64: 2000, 128>}, {transform_indices = @transform_2, window_bounds = array<i64: 2000, 128>}]} {
    %get3A = arith.constant 0 : index
    %get3A_0 = arith.constant 0 : index
    %get3A_1 = vector.load %arg1[%get3A, %get3A_0] : memref<2000x128xf32, #tpu.memory_space<vmem>>, vector<2000x128xf32>
    %get3A_2 = arith.constant 0 : index
    %get3A_3 = arith.constant 0 : index
    %get3A_4 = vector.load %arg2[%get3A_2, %get3A_3] : memref<2000x128xf32, #tpu.memory_space<vmem>>, vector<2000x128xf32>
    %add3A = arith.addf %get3A_1, %get3A_4 : vector<2000x128xf32>
    %swap3A = arith.constant 0 : index
    %swap3A_5 = arith.constant 0 : index
    %swap3A_6 = vector.load %arg3[%swap3A, %swap3A_5] : memref<2000x128xf32, #tpu.memory_space<vmem>>, vector<2000x128xf32>
    tpu.vector_store %arg3[%swap3A, %swap3A_5], %add3A {strides = array<i32>} : memref<2000x128xf32, #tpu.memory_space<vmem>>, vector<2000x128xf32>,
    return
  }
  func.func @transform_0(%arg0: i32) -> (i32, i32) {
    %c0_i32 = arith.constant 0 : i32
    %c0_i32_0 = arith.constant 0 : i32
    return %arg0, %c0_i32 : i32, i32
  }
  func.func @transform_1(%arg0: i32) -> (i32, i32) {
    %c0_i32 = arith.constant 0 : i32
    %c0_i32_0 = arith.constant 0 : i32
    return %arg0, %c0_i32 : i32, i32
  }
  func.func @transform_2(%arg0: i32) -> (i32, i32) {
    %c0_i32 = arith.constant 0 : i32
    %c0_i32_0 = arith.constant 0 : i32
    return %arg0, %c0_i32 : i32, i32
  }
}

module attributes {stable_mosaic.version = 14 : i64} {
  func.func @_update_body(%arg0: i32, %arg1: memref<2000x128xf32, #tpu.memory_space<vmem>>, %arg2: memref<2000x128xf32, #tpu.memory_space<vmem>>, %arg3: memref<2000x128xf32, #tpu.memory_space<vmem>>, %arg4: memref<2000x40xf32, #tpu.memory_space<vmem>>, %arg5: memref<128x40xf32, #tpu.memory_space<vmem>>, %arg6: memref<128x128xf32, #tpu.memory_space<vmem>>, %arg7: memref<2000x128xf32, #tpu.memory_space<vmem>>) attributes {dimension_semantics = [#tpu.dimension_semantics<arbitrary>], iteration_bounds = array<i64: 160>, scalar_prefetch = 0 : i64, scratch_operands = 0 : i64, tpu.core_type = #tpu.core_type<tc>, window_params = [{transform_indices = @transform_0, window_bounds = array<i64: 2000, 128>}, {transform_indices = @transform_1, window_bounds = array<i64: 2000, 128>}, {transform_indices = @transform_2, window_bounds = array<i64: 2000, 128>}, {transform_indices = @transform_3, window_bounds = array<i64: 2000, 40>}, {pipeline_mode = #tpu.pipeline_mode<synchronous>, transform_indices = @transform_4, window_bounds = array<i64: 128, 40>}, {pipeline_mode = #tpu.pipeline_mode<synchronous>, transform_indices = @transform_5, window_bounds = array<i64: 128, 128>}, {transform_indices = @transform_6, window_bounds = array<i64: 2000, 128>}]} {
    %get3A = arith.constant 0 : index
    %get3A_0 = arith.constant 0 : index
    %get3A_1 = vector.load %arg2[%get3A, %get3A_0] : memref<2000x128xf32, #tpu.memory_space<vmem>>, vector<2000x128xf32>
    %iota3A = tpu.iota {dimensions = array<i32: 0>} : vector<2000x128xi32>
    %jit3A = arith.constant 2 : i32
    %eq3A = arith.constant 0 : i32
    %eq3A_2 = arith.cmpi eq, %jit3A, %eq3A : i32
    %jit3A_3 = arith.constant 1 : i32
    %select_n3A = arith.select %eq3A_2, %jit3A_3, %jit3A : i32
    %rem3A = vector.broadcast %select_n3A : i32 to vector<2000x128xi32>
    %rem3A_4 = arith.remsi %iota3A, %rem3A : vector<2000x128xi32>
    %ne3A = arith.constant 0 : i32
    %ne3A_5 = vector.broadcast %ne3A : i32 to vector<2000x128xi32>
    %ne3A_6 = arith.cmpi ne, %rem3A_4, %ne3A_5 : vector<2000x128xi32>
    %lt3A = arith.constant 0 : i32
    %lt3A_7 = vector.broadcast %lt3A : i32 to vector<2000x128xi32>
    %lt3A_8 = arith.cmpi slt, %rem3A_4, %lt3A_7 : vector<2000x128xi32>
    %lt3A_9 = arith.constant 0 : i32
    %lt3A_10 = arith.cmpi slt, %select_n3A, %lt3A_9 : i32
    %ne3A_11 = vector.broadcast %lt3A_10 : i1 to vector<2000x128xi1>
    %ne3A_12 = vector.broadcast %ne3A_11 : vector<2000x128xi1> to vector<2000x128xi1>
    %ne3A_13 = arith.xori %lt3A_8, %ne3A_12 : vector<2000x128xi1>
    %and3A = arith.andi %ne3A_13, %ne3A_6 : vector<2000x128xi1>
    %add3A = vector.broadcast %select_n3A : i32 to vector<2000x128xi32>
    %add3A_14 = arith.addi %rem3A_4, %add3A : vector<2000x128xi32>
    %select_n3A_15 = arith.select %and3A, %add3A_14, %rem3A_4 : vector<2000x128xi1>, vector<2000x128xi32>
    %eq3A_16 = arith.constant 0 : i32
    %eq3A_17 = vector.broadcast %eq3A_16 : i32 to vector<2000x128xi32>
    %eq3A_18 = arith.cmpi eq, %select_n3A_15, %eq3A_17 : vector<2000x128xi32>
    %roll3A = arith.constant 1999 : i32
    %roll3A_19 = tpu.dynamic_rotate %get3A_1 by %roll3A dim 0 : vector<2000x128xf32>, i32 -> vector<2000x128xf32>
    %roll3A_20 = arith.constant 1 : i32
    %roll3A_21 = tpu.dynamic_rotate %get3A_1 by %roll3A_20 dim 0 : vector<2000x128xf32>, i32 -> vector<2000x128xf32>
    %select_n3A_22 = arith.select %eq3A_18, %roll3A_19, %roll3A_21 : vector<2000x128xi1>, vector<2000x128xf32>
    %get3A_23 = arith.constant 0 : index
    %get3A_24 = arith.constant 0 : index
    %get3A_25 = vector.load %arg1[%get3A_23, %get3A_24] : memref<2000x128xf32, #tpu.memory_space<vmem>>, vector<2000x128xf32>
    %sub3A = arith.subf %get3A_25, %select_n3A_22 : vector<2000x128xf32>
    %get3A_26 = arith.constant 0 : index
    %get3A_27 = arith.constant 0 : index
    %get3A_28 = vector.load %arg4[%get3A_26, %get3A_27] : memref<2000x40xf32, #tpu.memory_space<vmem>>, vector<2000x40xf32>
    %get3A_29 = arith.constant 0 : index
    %get3A_30 = arith.constant 0 : index
    %get3A_31 = vector.load %arg5[%get3A_29, %get3A_30] : memref<128x40xf32, #tpu.memory_space<vmem>>, vector<128x40xf32>
    %dot_general3A = arith.constant dense<0.000000e+00> : vector<2000x128xf32>
    %dot_general3A_32 = tpu.matmul %get3A_28, %get3A_31, %dot_general3A {dimension_numbers = #tpu.dot_dimension_numbers<[1], [1], [0], [0], [0, 0, 1, 0], [], []>, transpose_lhs_hint = false} : vector<2000x40xf32>, vector<128x40xf32>, vector<2000x128xf32> -> vector<2000x128xf32>
    %get3A_33 = arith.constant 0 : index
    %get3A_34 = arith.constant 0 : index
    %get3A_35 = vector.load %arg6[%get3A_33, %get3A_34] : memref<128x128xf32, #tpu.memory_space<vmem>>, vector<128x128xf32>
    %dot_general3A_36 = arith.constant dense<0.000000e+00> : vector<2000x128xf32>
    %dot_general3A_37 = tpu.matmul %sub3A, %get3A_35, %dot_general3A_36 {dimension_numbers = #tpu.dot_dimension_numbers<[1], [1], [0], [0], [0, 0, 1, 0], [], []>, transpose_lhs_hint = false} : vector<2000x128xf32>, vector<128x128xf32>, vector<2000x128xf32> -> vector<2000x128xf32>
    %add3A_38 = arith.addf %dot_general3A_32, %dot_general3A_37 : vector<2000x128xf32>
    %max3A = arith.constant 0.000000e+00 : f32
    %max3A_39 = vector.broadcast %max3A : f32 to vector<2000x128xf32>
    %max3A_40 = arith.maximumf %add3A_38, %max3A_39 : vector<2000x128xf32>
    %get3A_41 = arith.constant 0 : index
    %get3A_42 = arith.constant 0 : index
    %get3A_43 = vector.load %arg3[%get3A_41, %get3A_42] : memref<2000x128xf32, #tpu.memory_space<vmem>>, vector<2000x128xf32>
    %add3A_44 = arith.addf %max3A_40, %get3A_43 : vector<2000x128xf32>
    %swap3A = arith.constant 0 : index
    %swap3A_45 = arith.constant 0 : index
    %swap3A_46 = vector.load %arg7[%swap3A, %swap3A_45] : memref<2000x128xf32, #tpu.memory_space<vmem>>, vector<2000x128xf32>
    tpu.vector_store %arg7[%swap3A, %swap3A_45], %add3A_44 {strides = array<i32>} : memref<2000x128xf32, #tpu.memory_space<vmem>>, vector<2000x128xf32>,
    return
  }
  func.func @transform_0(%arg0: i32) -> (i32, i32) {
    %c0_i32 = arith.constant 0 : i32
    %c0_i32_0 = arith.constant 0 : i32
    return %arg0, %c0_i32 : i32, i32
  }
  func.func @transform_1(%arg0: i32) -> (i32, i32) {
    %c0_i32 = arith.constant 0 : i32
    %c0_i32_0 = arith.constant 0 : i32
    return %arg0, %c0_i32 : i32, i32
  }
  func.func @transform_2(%arg0: i32) -> (i32, i32) {
    %c0_i32 = arith.constant 0 : i32
    %c0_i32_0 = arith.constant 0 : i32
    return %arg0, %c0_i32 : i32, i32
  }
  func.func @transform_3(%arg0: i32) -> (i32, i32) {
    %c0_i32 = arith.constant 0 : i32
    %c0_i32_0 = arith.constant 0 : i32
    return %arg0, %c0_i32 : i32, i32
  }
  func.func @transform_4(%arg0: i32) -> (i32, i32) {
    %c0_i32 = arith.constant 0 : i32
    %c0_i32_0 = arith.constant 0 : i32
    %c0_i32_1 = arith.constant 0 : i32
    return %c0_i32, %c0_i32_0 : i32, i32
  }
  func.func @transform_5(%arg0: i32) -> (i32, i32) {
    %c0_i32 = arith.constant 0 : i32
    %c0_i32_0 = arith.constant 0 : i32
    %c0_i32_1 = arith.constant 0 : i32
    return %c0_i32, %c0_i32_0 : i32, i32
  }
  func.func @transform_6(%arg0: i32) -> (i32, i32) {
    %c0_i32 = arith.constant 0 : i32
    %c0_i32_0 = arith.constant 0 : i32
    return %arg0, %c0_i32 : i32, i32
  }
}

module attributes {stable_mosaic.version = 14 : i64} {
  func.func @_readout_body(%arg0: i32, %arg1: memref<2000x35xf32, #tpu.memory_space<vmem>>, %arg2: memref<2000x128xf32, #tpu.memory_space<vmem>>, %arg3: memref<1x1x2000xi32, #tpu.memory_space<vmem>>, %arg4: memref<128x35xf32, #tpu.memory_space<vmem>>, %arg5: memref<128x128xf32, #tpu.memory_space<vmem>>, %arg6: memref<1x128xf32, #tpu.memory_space<vmem>>, %arg7: memref<256x128xf32, #tpu.memory_space<vmem>>, %arg8: memref<256x128xf32, #tpu.memory_space<vmem>>, %arg9: memref<256x1xf32, #tpu.memory_space<vmem>>) attributes {dimension_semantics = [#tpu.dimension_semantics<arbitrary>], iteration_bounds = array<i64: 5>, scalar_prefetch = 0 : i64, scratch_operands = 2 : i64, tpu.core_type = #tpu.core_type<tc>, window_params = [{transform_indices = @transform_0, window_bounds = array<i64: 2000, 35>}, {transform_indices = @transform_1, window_bounds = array<i64: 2000, 128>}, {transform_indices = @transform_2, window_bounds = array<i64: 1, 1, 2000>}, {pipeline_mode = #tpu.pipeline_mode<synchronous>, transform_indices = @transform_3, window_bounds = array<i64: 128, 35>}, {pipeline_mode = #tpu.pipeline_mode<synchronous>, transform_indices = @transform_4, window_bounds = array<i64: 128, 128>}, {pipeline_mode = #tpu.pipeline_mode<synchronous>, transform_indices = @transform_5, window_bounds = array<i64: 1, 128>}, {pipeline_mode = #tpu.pipeline_mode<synchronous>, transform_indices = @transform_6, window_bounds = array<i64: 256, 128>}]} {
    %eq3A = arith.constant 0 : i32
    %eq3A_0 = arith.cmpi eq, %arg0, %eq3A : i32
    %convert_element_type3A = arith.extui %eq3A_0 : i1 to i32
    %cond3A = arith.constant 0 : i32
    %cond3A_1 = arith.cmpi ne, %convert_element_type3A, %cond3A : i32
    scf.if %cond3A_1 {
      %broadcast_in_dim3A_53 = arith.constant 0.000000e+00 : f32
      %broadcast_in_dim3A_54 = vector.broadcast %broadcast_in_dim3A_53 : f32 to vector<256x128xf32>
      %swap3A_55 = arith.constant 0 : index
      %swap3A_56 = arith.constant 0 : index
      %swap3A_57 = vector.load %arg8[%swap3A_55, %swap3A_56] : memref<256x128xf32, #tpu.memory_space<vmem>>, vector<256x128xf32>
      tpu.vector_store %arg8[%swap3A_55, %swap3A_56], %broadcast_in_dim3A_54 {strides = array<i32>} : memref<256x128xf32, #tpu.memory_space<vmem>>, vector<256x128xf32>,
      %broadcast_in_dim3A_58 = arith.constant 0.000000e+00 : f32
      %broadcast_in_dim3A_59 = vector.broadcast %broadcast_in_dim3A_58 : f32 to vector<256x1xf32>
      %swap3A_60 = arith.constant 0 : index
      %swap3A_61 = arith.constant 0 : index
      %swap3A_62 = vector.load %arg9[%swap3A_60, %swap3A_61] : memref<256x1xf32, #tpu.memory_space<vmem>>, vector<256x1xf32>
      tpu.vector_store %arg9[%swap3A_60, %swap3A_61], %broadcast_in_dim3A_59 {strides = array<i32>} : memref<256x1xf32, #tpu.memory_space<vmem>>, vector<256x1xf32>,
    } else {
    }
    %get3A = arith.constant 0 : index
    %get3A_2 = arith.constant 0 : index
    %get3A_3 = vector.load %arg1[%get3A, %get3A_2] : memref<2000x35xf32, #tpu.memory_space<vmem>>, vector<2000x35xf32>
    %get3A_4 = arith.constant 0 : index
    %get3A_5 = arith.constant 0 : index
    %get3A_6 = vector.load %arg4[%get3A_4, %get3A_5] : memref<128x35xf32, #tpu.memory_space<vmem>>, vector<128x35xf32>
    %dot_general3A = arith.constant dense<0.000000e+00> : vector<2000x128xf32>
    %dot_general3A_7 = tpu.matmul %get3A_3, %get3A_6, %dot_general3A {dimension_numbers = #tpu.dot_dimension_numbers<[1], [1], [0], [0], [0, 0, 1, 0], [], []>, transpose_lhs_hint = false} : vector<2000x35xf32>, vector<128x35xf32>, vector<2000x128xf32> -> vector<2000x128xf32>
    %get3A_8 = arith.constant 0 : index
    %get3A_9 = arith.constant 0 : index
    %get3A_10 = vector.load %arg2[%get3A_8, %get3A_9] : memref<2000x128xf32, #tpu.memory_space<vmem>>, vector<2000x128xf32>
    %get3A_11 = arith.constant 0 : index
    %get3A_12 = arith.constant 0 : index
    %get3A_13 = vector.load %arg5[%get3A_11, %get3A_12] : memref<128x128xf32, #tpu.memory_space<vmem>>, vector<128x128xf32>
    %dot_general3A_14 = arith.constant dense<0.000000e+00> : vector<2000x128xf32>
    %dot_general3A_15 = tpu.matmul %get3A_10, %get3A_13, %dot_general3A_14 {dimension_numbers = #tpu.dot_dimension_numbers<[1], [1], [0], [0], [0, 0, 1, 0], [], []>, transpose_lhs_hint = false} : vector<2000x128xf32>, vector<128x128xf32>, vector<2000x128xf32> -> vector<2000x128xf32>
    %add3A = arith.addf %dot_general3A_7, %dot_general3A_15 : vector<2000x128xf32>
    %get3A_16 = arith.constant 0 : index
    %get3A_17 = arith.constant 0 : index
    %get3A_18 = vector.load %arg6[%get3A_16, %get3A_17] : memref<1x128xf32, #tpu.memory_space<vmem>>, vector<1x128xf32>
    %add3A_19 = vector.broadcast %get3A_18 : vector<1x128xf32> to vector<2000x128xf32>
    %add3A_20 = arith.addf %add3A, %add3A_19 : vector<2000x128xf32>
    %max3A = arith.constant 0.000000e+00 : f32
    %max3A_21 = vector.broadcast %max3A : f32 to vector<2000x128xf32>
    %max3A_22 = arith.maximumf %add3A_20, %max3A_21 : vector<2000x128xf32>
    %get3A_23 = arith.constant 0 : index
    %get3A_24 = arith.constant 0 : index
    %get3A_25 = arith.constant 0 : index
    %get3A_26 = vector.load %arg3[%get3A_23, %get3A_24, %get3A_25] : memref<1x1x2000xi32, #tpu.memory_space<vmem>>, vector<1x1x2000xi32>
    %get3A_27 = vector.shape_cast %get3A_26 : vector<1x1x2000xi32> to vector<1x2000xi32>
    %iota3A = tpu.iota {dimensions = array<i32: 0>} : vector<256x2000xi32>
    %eq3A_28 = vector.broadcast %get3A_27 : vector<1x2000xi32> to vector<256x2000xi32>
    %eq3A_29 = arith.cmpi eq, %iota3A, %eq3A_28 : vector<256x2000xi32>
    %convert_element_type3A_30 = arith.extui %eq3A_29 : vector<256x2000xi1> to vector<256x2000xi32>
    %convert_element_type3A_31 = arith.sitofp %convert_element_type3A_30 : vector<256x2000xi32> to vector<256x2000xf32>
    %get3A_32 = arith.constant 0 : index
    %get3A_33 = arith.constant 0 : index
    %get3A_34 = vector.load %arg8[%get3A_32, %get3A_33] : memref<256x128xf32, #tpu.memory_space<vmem>>, vector<256x128xf32>
    %dot_general3A_35 = arith.constant dense<0.000000e+00> : vector<256x128xf32>
    %dot_general3A_36 = tpu.matmul %convert_element_type3A_31, %max3A_22, %dot_general3A_35 {dimension_numbers = #tpu.dot_dimension_numbers<[1], [0], [0], [1], [0, 0, 1, 1], [], []>, transpose_lhs_hint = false} : vector<256x2000xf32>, vector<2000x128xf32>, vector<256x128xf32> -> vector<256x128xf32>
    %add3A_37 = arith.addf %get3A_34, %dot_general3A_36 : vector<256x128xf32>
    %swap3A = arith.constant 0 : index
    %swap3A_38 = arith.constant 0 : index
    %swap3A_39 = vector.load %arg8[%swap3A, %swap3A_38] : memref<256x128xf32, #tpu.memory_space<vmem>>, vector<256x128xf32>
    tpu.vector_store %arg8[%swap3A, %swap3A_38], %add3A_37 {strides = array<i32>} : memref<256x128xf32, #tpu.memory_space<vmem>>, vector<256x128xf32>,
    %get3A_40 = arith.constant 0 : index
    %get3A_41 = arith.constant 0 : index
    %get3A_42 = vector.load %arg9[%get3A_40, %get3A_41] : memref<256x1xf32, #tpu.memory_space<vmem>>, vector<256x1xf32>
    %reduce_sum3A = arith.constant dense<0.000000e+00> : vector<256xf32>
    %reduce_sum3A_43 = vector.multi_reduction <add>, %convert_element_type3A_31, %reduce_sum3A [1] : vector<256x2000xf32> to vector<256xf32>
    %broadcast_in_dim3A = vector.shape_cast %reduce_sum3A_43 : vector<256xf32> to vector<256x1xf32>
    %add3A_44 = arith.addf %get3A_42, %broadcast_in_dim3A : vector<256x1xf32>
    %swap3A_45 = arith.constant 0 : index
    %swap3A_46 = arith.constant 0 : index
    %swap3A_47 = vector.load %arg9[%swap3A_45, %swap3A_46] : memref<256x1xf32, #tpu.memory_space<vmem>>, vector<256x1xf32>
    tpu.vector_store %arg9[%swap3A_45, %swap3A_46], %add3A_44 {strides = array<i32>} : memref<256x1xf32, #tpu.memory_space<vmem>>, vector<256x1xf32>,
    %eq3A_48 = arith.constant 4 : i32
    %eq3A_49 = arith.cmpi eq, %arg0, %eq3A_48 : i32
    %convert_element_type3A_50 = arith.extui %eq3A_49 : i1 to i32
    %cond3A_51 = arith.constant 0 : i32
    %cond3A_52 = arith.cmpi ne, %convert_element_type3A_50, %cond3A_51 : i32
    scf.if %cond3A_52 {
      %get3A_53 = arith.constant 0 : index
      %get3A_54 = arith.constant 0 : index
      %get3A_55 = vector.load %arg8[%get3A_53, %get3A_54] : memref<256x128xf32, #tpu.memory_space<vmem>>, vector<256x128xf32>
      %get3A_56 = arith.constant 0 : index
      %get3A_57 = arith.constant 0 : index
      %get3A_58 = vector.load %arg9[%get3A_56, %get3A_57] : memref<256x1xf32, #tpu.memory_space<vmem>>, vector<256x1xf32>
      %max3A_59 = arith.constant 1.000000e+00 : f32
      %max3A_60 = vector.broadcast %max3A_59 : f32 to vector<256x1xf32>
      %max3A_61 = arith.maximumf %get3A_58, %max3A_60 : vector<256x1xf32>
      %div3A = vector.broadcast %max3A_61 : vector<256x1xf32> to vector<256x128xf32>
      %div3A_62 = arith.divf %get3A_55, %div3A : vector<256x128xf32>
      %swap3A_63 = arith.constant 0 : index
      %swap3A_64 = arith.constant 0 : index
      %swap3A_65 = vector.load %arg7[%swap3A_63, %swap3A_64] : memref<256x128xf32, #tpu.memory_space<vmem>>, vector<256x128xf32>
      tpu.vector_store %arg7[%swap3A_63, %swap3A_64], %div3A_62 {strides = array<i32>} : memref<256x128xf32, #tpu.memory_space<vmem>>, vector<256x128xf32>,
    } else {
    }
    return
  }
  func.func @transform_0(%arg0: i32) -> (i32, i32) {
    %c0_i32 = arith.constant 0 : i32
    %c0_i32_0 = arith.constant 0 : i32
    return %arg0, %c0_i32 : i32, i32
  }
  func.func @transform_1(%arg0: i32) -> (i32, i32) {
    %c0_i32 = arith.constant 0 : i32
    %c0_i32_0 = arith.constant 0 : i32
    return %arg0, %c0_i32 : i32, i32
  }
  func.func @transform_2(%arg0: i32) -> (i32, i32, i32) {
    %c0_i32 = arith.constant 0 : i32
    %c0_i32_0 = arith.constant 0 : i32
    %c0_i32_1 = arith.constant 0 : i32
    return %arg0, %c0_i32, %c0_i32_0 : i32, i32, i32
  }
  func.func @transform_3(%arg0: i32) -> (i32, i32) {
    %c0_i32 = arith.constant 0 : i32
    %c0_i32_0 = arith.constant 0 : i32
    %c0_i32_1 = arith.constant 0 : i32
    return %c0_i32, %c0_i32_0 : i32, i32
  }
  func.func @transform_4(%arg0: i32) -> (i32, i32) {
    %c0_i32 = arith.constant 0 : i32
    %c0_i32_0 = arith.constant 0 : i32
    %c0_i32_1 = arith.constant 0 : i32
    return %c0_i32, %c0_i32_0 : i32, i32
  }
  func.func @transform_5(%arg0: i32) -> (i32, i32) {
    %c0_i32 = arith.constant 0 : i32
    %c0_i32_0 = arith.constant 0 : i32
    %c0_i32_1 = arith.constant 0 : i32
    return %c0_i32, %c0_i32_0 : i32, i32
  }
  func.func @transform_6(%arg0: i32) -> (i32, i32) {
    %c0_i32 = arith.constant 0 : i32
    %c0_i32_0 = arith.constant 0 : i32
    %c0_i32_1 = arith.constant 0 : i32
    return %c0_i32, %c0_i32_0 : i32, i32
  }
}

</mosaic_0001>

<sc_bundles>
// kernel: _run.14.cloned.1.call-start
scs
__scs_entry_jumppad:
0x0: {  	(pc) =	sbr.rel $0x88, $3  }
0x1: {  	(tag) =	ssettag $0x0;
	lr =	simm.s32 $0x1  }
0x2: {  	[smem:$0x3F98] =	sst lr;
	_ =	strace $0xD0000000  }
0x3: {  	_ = 	snop  }
0x4: {  	_ = 	snop  }
0x5: {  	_ = 	snop  }
0x6: {  	_ = 	snop  }
0x7: {  	_ = 	snop  }
__scs_overlays_trampoline_lowered:
0x8: {  	[smem:$0x3FA7] =	sst s0  }
0x9: {  	[smem:$0x3FA8] =	sst s1  }
0xa: {  	[smem:$0x3FA9] =	sst s2  }
0xb: {  	[smem:$0x3FAA] =	sst s3  }
0xc: {  	[smem:$0x3FAB] =	sst s4  }
0xd: {  	[smem:$0x3FAC] =	sst s5  }
0xe: {  	[smem:$0x3FAD] =	sst s6  }
0xf: {  	[smem:$0x3FAE] =	sst s7  }
0x10: {  	[smem:$0x3FAF] =	sst s8  }
0x11: {  	[smem:$0x3FB0] =	sst s9;
	s0 =	simm.s32 @!p0 $0x0  }
0x12: {  	s1 =	sld [smem:$0x3F96];
	s0 =	simm.s32 @p0 $0x1  }
0x13: {  	[smem:$0x3FB1] =	sst s0;
	s0 =	simm.s32 @!p1 $0x0  }
0x14: {  	s2 =	sld [smem:$0x3F95];
	s0 =	simm.s32 @p1 $0x1  }
0x15: {  	[smem:$0x3FB2] =	sst s0;
	s0 =	simm.s32 @!p2 $0x0  }
0x16: {  	s3 =	sld [smem:$0x3FDB];
	s0 =	simm.s32 @p2 $0x1  }
0x17: {  	s4 =	simm.s32 $0x1BF5;
	[smem:$0x3FB4] =	sst s0  }
0x18: {  	s0 =	sld [smem:$0x3F97];
	_ =	swait.ge [sflag:s4], $0x0  }
0x19: {  	s7 =	sld [smem:$0x3F98]  }
0x1a: {  	s8 =	sadd.s32 $0xFFFFE003, lr  }
0x1b: {  	s9 =	sadd.s32 $0xFFFFFEF7, lr;
	s5 =	simm.s32 $0xFFFFFFFF;
	p2 =	slt.u32 s8, $0xFFFFF086  }
0x1c: {  	p1 =	slt.u32 s9, $0xF7A;
	s5 =	simm.s32 @!p2 $0x0  }
0x1d: {  	s5 =	simm.s32 @p1 $0x1;
	p0 =	seq.s32 s7, s2  }
0x1e: {  	s7 =	smul.u32 @!p0 $0xF7A, s2;
	p2 =	seq.s32 @!p0 s5, $0x0  }
0x1f: {  	s9 =	smul.u32 $0xF7A, s1;
	s8 =	simm.s32 @!p0 $0x1BF5;
	p2 =	por !p2, p0  }
0x20: {  	[sflag:s8] =	ssyncset.s32 @!p0 $0xFFFFF086;
	s6 =	sadd.s32 @!p0 s3, s7;
	s7 =	simm.s32 @!p0 $0x108  }
0x21: {  	s3 =	sadd.s32 s3, s9;
	s6 =	sadd.s32 @!p0 $0x88, s6;
	s7 =	simm.s32 @p2 $0x1082  }
0x22: {  	[simem:s7], [sflag:s8] =	dma.local @!p0 [hbm:s6], $0xF7A  }
0x23: {  	s9 =	sor.u32 $0xD0000000, s2;
	s6 =	simm.s32 $0x108;
	_ =	swait.ge @!p0 [sflag:s8], $0x0  }
0x24: {  	s3 =	sadd.s32 $0x88, s3;
	s6 =	simm.s32 @!p1 $0x1082;
	[sflag:s4] =	ssyncset.s32 $0xFFFFF086  }
0x25: {  	[simem:s6], [sflag:s4] =	dma.local [hbm:s3], $0xF7A  }
0x26: {  	[smem:$0x3F98] =	sst s1;
	(tag) =	ssettag s2;
	_ =	strace s9  }
0x27: {  	s1 =	sld [smem:$0x3FA8]  }
0x28: {  	s2 =	sld [smem:$0x3FA9]  }
0x29: {  	s4 =	sld [smem:$0x3FAB]  }
0x2a: {  	p0 =	seq.s32 s5, $0x0;
	s5 =	sld [smem:$0x3FAC]  }
0x2b: {  	s6 =	sld [smem:$0x3FAD]  }
0x2c: {  	s7 =	sld [smem:$0x3FAE]  }
0x2d: {  	s3 =	simm.s32 $0x108;
	s8 =	sld [smem:$0x3FAF]  }
0x2e: {  	s3 =	simm.s32 @!p0 $0x1082;
	s9 =	sld [smem:$0x3FB0]  }
0x2f: {  	lr =	sadd.s32 s0, s3;
	s0 =	sld [smem:$0x3FA7]  }
0x30: {  	s3 =	sld [smem:$0x3FAA]  }
0x31: {  	[smem:$0x3FB3] =	sst s10  }
0x32: {  	s10 =	sld [smem:$0x3FB1];
	_ =	sdelay $0x3  }
0x33: {  	p0 =	seq.s32 s10, $0x1;
	s10 =	sld [smem:$0x3FB3];
	_ =	sdelay $0x3  }
0x34: {  	[smem:$0x3FB3] =	sst s10  }
0x35: {  	s10 =	sld [smem:$0x3FB2];
	_ =	sdelay $0x3  }
0x36: {  	p1 =	seq.s32 s10, $0x1;
	s10 =	sld [smem:$0x3FB3];
	_ =	sdelay $0x3  }
0x37: {  	[smem:$0x3FB3] =	sst s10  }
0x38: {  	s10 =	sld [smem:$0x3FB4]  }
0x39: {  	_ = 	snop;
	(pc) =	sbr.ind lr, $3  }
0x3a: {  	_ = 	snop  }
0x3b: {  	_ = 	snop  }
0x3c: {  	p2 =	seq.s32 s10, $0x1;
	s10 =	sld [smem:$0x3FB3]  }
0x3d: {  	_ =	shalt  }
0x3e: {  	_ =	shalt  }
0x3f: {  	_ =	shalt  }
0x40: {  	_ =	shalt  }
0x41: {  	_ =	shalt  }
0x42: {  	_ =	shalt  }
0x43: {  	_ =	shalt  }
0x44: {  	_ =	shalt  }
0x45: {  	_ =	shalt  }
0x46: {  	_ =	shalt  }
0x47: {  	_ =	shalt  }
0x48: {  	_ =	shalt  }
0x49: {  	_ =	shalt  }
0x4a: {  	_ =	shalt  }
0x4b: {  	_ =	shalt  }
0x4c: {  	_ =	shalt  }
0x4d: {  	_ =	shalt  }
0x4e: {  	_ =	shalt  }
0x4f: {  	_ =	shalt  }
0x50: {  	_ =	shalt  }
0x51: {  	_ =	shalt  }
0x52: {  	_ =	shalt  }
0x53: {  	_ =	shalt  }
0x54: {  	_ =	shalt  }
0x55: {  	_ =	shalt  }
0x56: {  	_ =	shalt  }
0x57: {  	_ =	shalt  }
0x58: {  	_ =	shalt  }
0x59: {  	_ =	shalt  }
0x5a: {  	_ =	shalt  }
0x5b: {  	_ =	shalt  }
0x5c: {  	_ =	shalt  }
0x5d: {  	_ =	shalt  }
0x5e: {  	_ =	shalt  }
0x5f: {  	_ =	shalt  }
0x60: {  	_ =	shalt  }
0x61: {  	_ =	shalt  }
0x62: {  	_ =	shalt  }
0x63: {  	_ =	shalt  }
0x64: {  	_ =	shalt  }
0x65: {  	_ =	shalt  }
0x66: {  	_ =	shalt  }
0x67: {  	_ =	shalt  }
0x68: {  	_ =	shalt  }
0x69: {  	_ =	shalt  }
0x6a: {  	_ =	shalt  }
0x6b: {  	_ =	shalt  }
0x6c: {  	_ =	shalt  }
0x6d: {  	_ =	shalt  }
0x6e: {  	_ =	shalt  }
0x6f: {  	_ =	shalt  }
0x70: {  	_ =	shalt  }
0x71: {  	_ =	shalt  }
0x72: {  	_ =	shalt  }
0x73: {  	_ =	shalt  }
0x74: {  	_ =	shalt  }
0x75: {  	_ =	shalt  }
0x76: {  	_ =	shalt  }
0x77: {  	_ =	shalt  }
0x78: {  	_ =	shalt  }
0x79: {  	_ =	shalt  }
0x7a: {  	_ =	shalt  }
0x7b: {  	_ =	shalt  }
0x7c: {  	_ =	shalt  }
0x7d: {  	_ =	shalt  }
0x7e: {  	_ =	shalt  }
0x7f: {  	_ =	shalt  }
0x80: {  	_ =	shalt  }
0x81: {  	_ =	shalt  }
0x82: {  	_ =	shalt  }
0x83: {  	_ =	shalt  }
0x84: {  	_ =	shalt  }
0x85: {  	_ =	shalt  }
0x86: {  	_ =	shalt  }
0x87: {  	_ =	shalt  }
.Lfunc_end0:
.L_simem_size_0:
called_computation_lowered:
.L_overlay_start_0:
0x88: {  	s2 =	sld [smem:$0x3FD9]  }
0x89: {  	s3 =	sld [smem:$0x3FFE];
	_ =	sdelay $0x1  }
0x8a: {  	s1 =	srdreg.scid  }
0x8b: {  	s0 =	sand.u32 $0x1, s1  }
0x8c: {  	s16 =	sshll.u32 s0, $0xA;
	s2 =	sadd.s32 s3, s2  }
0x8d: {  	s2 =	sadd.s32 s2, s16  }
0x8e: {  	[smem:$0x3FBF] =	sst s2  }
0x8f: {  	_ = 	snop  }
0x90: {  	(tm) =	ssettm $0x1  }
0x91: {  	s17 =	sld [smem:$0x3FFB];
	_ =	sdelay $0x3  }
0x92: {  	_ =	strace s17  }
0x93: {  	s2 =	sld [smem:$0x3FFC];
	_ =	sdelay $0x3  }
0x94: {  	_ =	strace s2  }
0x95: {  	s2 =	sld [smem:$0x3FFD];
	_ =	sdelay $0x3  }
0x96: {  	_ =	strace s2  }
0x97: {  	_ =	strace $0x8FFFFFFF  }
0x98: {  	s18 =	sld [smem:$0x3FDB];
	_ =	sdelay $0x1  }
0x99: {  	s19 =	simm.s32 $_scs_section_size  }
0x9a: {  	s4 =	simm.s32 $_size__tile_overlayer_lowered;
	s5 =	simm.s32 $_tile_overlayer_lowered  }
0x9b: {  	s22 =	simm.s32 $0x1BFF;
	s21 =	sshll.u32 s5, $0x1;
	s2 =	sadd.s32 s19, s18  }
0x9c: {  	s6 =	simm.s32 $0x0;
	s20 =	sshll.u32 s4, $0x1;
	s4 =	sadd.s32 s21, s2  }
0x9d: {  	[timem:s6], [sflag:s22] =	dma.local [hbm:s4], s20  }
0x9e: {  	_ =	swait.ge [sflag:s22], s20  }
0x9f: {  	s3 =	ssub.s32 $0x0, s20;
	[sflag:s22] =	ssyncset.done $0x0  }
0xa0: {  	[sflag:s22] =	ssyncadd.s32 s3;
	_ =	sdelay $0x1  }
0xa1: {  	s23 =	simm.s32 $0x1B8B  }
0xa2: {  	_ =	swait.ge [sflag:s23], $0x1  }
0xa3: {  	[sflag:s23] =	ssyncset.done $0x0  }
0xa4: {  	s25 =	simm.s32 $0x1B8E;
	s24 =	sld [smem:$0x3FFE];
	[sflag:s23] =	ssyncadd.s32 $0xFFFFFFFF  }
0xa5: {  	s26 =	simm.s32 $execute0_lowered;
	[smem:$0x3FD2] =	sst s25  }
0xa6: {  	s4 =	sshll.u32 s26, $0x1;
	_ =	strace $0x80000046;
	[dreg:$0x1] =	wrdreg $0xFFFFFFFF  }
0xa7: {  	s28 =	simm.s32 $_size_execute0_lowered;
	s2 =	sadd.s32 s2, s4;
	[dreg:$0x0] =	wrdreg $0x0  }
0xa8: {  	s4 =	sshll.u32 s28, $0x1;
	[dreg:$0x2] =	wrdreg s2  }
0xa9: {  	[dreg:$0x3] =	wrdreg s4  }
0xaa: {  	[dreg:$0x4] =	wrdreg $0xC0  }
0xab: {  	_ =	task [dreg:s6], $0x5FFFF  }
0xac: {  	[dreg:$0x1] =	wrdreg $0xFFFFFFFF  }
0xad: {  	[dreg:$0x0] =	wrdreg $0x60  }
0xae: {  	[dreg:$0x2] =	wrdreg s24  }
0xaf: {  	[dreg:$0x3] =	wrdreg $0x0  }
0xb0: {  	[dreg:$0x4] =	wrdreg $0x9  }
0xb1: {  	_ =	task.clear_ibuf [dreg:s6], $0x5FFFF;
	_ =	strace $0x90000046  }
0xb2: {  	s29 =	simm.s32 $0x9;
	_ =	strace $0x80000048  }
0xb3: {  	_ =	swait.ge [sflag:s29], $0x1  }
0xb4: {  	[sflag:s29] =	ssyncadd.s32 $0xFFFFFFFF  }
0xb5: {  	_ =	strace $0x90000048  }
0xb6: {  	_ =	sfence  }
0xb7: {  	s30 =	sld [smem:$0x0];
	_ =	sdelay $0x2  }
0xb8: {  	s31 =	sshll.u32 s1, $0xD;
	s1 =	sshrl.u32 s1, $0x2  }
0xb9: {  	s3 =	sand.u32 $0x4000, s31;
	s1 =	sadd.s32 s1, s30  }
0xba: {  	s0 =	sor.u32 s3, s0;
	s1 =	sshll.u32 s1, $0x11  }
0xbb: {  	s0 =	sor.u32 s1, s0  }
0xbc: {  	s0 =	sadd.s32 $0x8F2B, s0  }
0xbd: {  	[sflag:s0] =	ssyncadd.remote.s32 $0x1  }
0xbe: {  	_ =	sfence.sel $0xFFFF  }
0xbf: {  	[dreg:$0x0] =	wrdreg $0xFFFFFFFF;
	(pc) =	sbr.abs _section_cstart, $3  }
0xc0: {  	[dreg:$0x1] =	wrdreg $0xFFFFFFFF  }
0xc1: {  	_ =	task.clear_ibuf [dreg:s6], $0x2FFFF;
	_ =	strace $0x9FFFFFFF  }
0xc2: {  	(tm) =	ssettm $0x7FFFFFFF  }
0xc3: {  	_ =	shalt  }
tec
execute0_lowered:
.L_overlay_start_1:
0x0: {  	(tag) =	ssettag $0x1  }
0x1: {  	s0 =	srdreg.scid;
	s5 =	rddreg [dreg:$0x0]  }
0x2: {  	s2 =	rddreg [dreg:$0x1];
	s1 =	stileid.u32  }
0x3: {  	s3 =	simm.s32 $0x0;
	s19 =	simm.s32 $0x17880;
	s10 =	smul.u32 $0x32000, s1  }
0x4: {  	s9 =	sand.u32 $0x1, s0;
	[smem:$0x7FF] =	sst s3;
	s17 =	smul.u32 $0xC800, s1  }
0x5: {  	s11 =	sadd.s32 $0x4FF000, s5;
	s12 =	sor.u32 $0x10, s1;
	s29 =	smul.u32 $0x27100, s1  }
0x6: {  	s15 =	sadd.s32 $0x9E2A00, s5;
	s22 =	sshll.u32 s1, $0x6;
	s14 =	smul.u32 $0x32000, s12  }
0x7: {  	p0 =	sgt.u32 s1, $0x8;
	s4 =	sshll.u32 s9, $0x4;
	s23 =	smul.u32 $0x138800, s9  }
0x8: {  	_ =	strace $0x80000047;
	s8 =	ssub.s32 $0x2, s9;
	s12 =	smul.u32 $0xC800, s12  }
0x9: {  	s26 =	smul.u32 $0x271000, s9;
	s6 =	sor.u32 s1, s4;
	s13 =	sshrl.u32 s8, $0x1  }
0xa: {  	s21 =	sshrl.u32 s10, $0x2;
	s4 =	sshll.u32 s6, $0xB;
	s20 =	smul.u32 $0x27100, s6  }
0xb: {  	s13 =	ssub.s32 s8, s13;
	s6 =	smul.u32 $0x138800, s6;
	s16 =	sadd.s32 s21, s2  }
0xc: {  	s14 =	sshrl.u32 s14, $0x2;
	s25 =	sadd.s32 s17, s23;
	s10 =	sadd.s32 s23, s12  }
0xd: {  	s30 =	sadd.s32 s26, s11;
	s17 =	simm.s32 $0x13880;
	s21 =	simm.s32 $0x50  }
0xe: {  	s23 =	simm.s32 $0x17580;
	s26 =	simm.s32 $0x0;
	s7 =	sadd.s32 s4, s5  }
0xf: {  	s4 =	sadd.s32 $0x9E1000, s5;
	s5 =	sor.u32 $0x1C03, s22;
	s18 =	sadd.s32 s14, s2  }
0x10: {  	s28 =	sshrl.u32 s25, $0x3;
	s10 =	sshrl.u32 s10, $0x3;
	s31 =	sadd.s32 s29, s30  }
0x11: {  	s14 =	sshrl.u32 s16, $0x3;
	s22 =	simm.s32 $0x2;
	s25 =	simm.s32 $0x17680  }
0x12: {  	s6 =	sshrl.u32 s6, $0x3;
	s9 =	sadd.s32 s15, s28;
	s10 =	sadd.s32 s15, s10  }
0x13: {  	s15 =	simm.s32 $0x3;
	s16 =	sshrl.u32 @!p0 s18, $0x3;
	s18 =	simm.s32 $0x1  }
0x14: {  	s24 =	sadd.s32 s11, s6;
	s6 =	sadd.s32 $0x4EF000, s7;
	s7 =	sadd.s32 s11, s20  }
0x15: {  	s11 =	smax.u32 s13, $0x1;
	s13 =	sadd.s32 $0xF00, s31;
	s20 =	simm.s32 $0x1A080  }
0x16: {  	s8 =	sadd.s32 $0x500, s24;
	s12 =	sadd.s32 $0x26C00, s7;
	s24 =	simm.s32 $0x17600  }
.LBB2_1:
0x17: {  	[spmem:s14], [sflag:s5] =	dma.local [hbm:s4], $0x1900  }
0x18: {  	_ =	swait.ge [sflag:s15], $0x1900  }
0x19: {  	[sflag:s15] =	ssyncset.done $0x0  }
0x1a: {  	s28 =	simm.s32 @!p0 $0x3;
	[sflag:s15] =	ssyncadd.s32 $0xFFFFE700  }
0x1b: {  	[spmem:s16], [sflag:s5] =	dma.local @!p0 [hbm:s4], $0x1900  }
0x1c: {  	_ =	swait.ge @!p0 [sflag:s28], $0x1900  }
0x1d: {  	[sflag:s28] =	ssyncset.done @!p0 $0x0  }
0x1e: {  	[sflag:s28] =	ssyncadd.s32 @!p0 $0xFFFFE700  }
0x1f: {  	[tilespmem:s17], [sflag:$0x1] =	stream.linear.gather [hbm4b:s6+s3], $0x3E80, $0x38;
	[tilespmem:$0x1C880] =	vst v63  }
0x20: {  	_ =	swait.ge [sflag:s18], $0x3E80  }
0x21: {  	[sflag:s18] =	ssyncset.done $0x0  }
0x22: {  	[sflag:s18] =	ssyncadd.s32 $0xFFFFC180  }
0x23: {  	[bflag:$0x0] =	sbarrier.arrive $0xFFFF  }
0x24: {  	[tilespmem:s19], [sflag:$0x1] =	stream.linear.gather [hbm4b:s7+s3], $0x2800, $0x38;
	[tilespmem:$0x1C880] =	vst v63  }
0x25: {  	_ = 	snop  }
0x26: {  	[tilespmem:s20], [sflag:$0x2] =	stream.linear.gather [hbm4b:s8+s3], $0x2800, $0x38;
	[tilespmem:$0x1C880] =	vst v63  }
0x27: {  	_ =	swait.ge [sflag:s18], $0x2800  }
0x28: {  	[sflag:s18] =	ssyncset.done $0x0  }
0x29: {  	s28 =	simm.s32 $0x13880;
	[sflag:s18] =	ssyncadd.s32 $0xFFFFD800  }
0x2a: {  	[spmem:s2] =	stream.indirect.scatter.add.f32 [tilespmem:s19], [sflag:$0x3], $0x80, s28, s21, $0xb8;
	[tilespmem:$0x1C880] =	vst v63  }
0x2b: {  	_ =	swait.ge [sflag:s15], $0x2800  }
0x2c: {  	[sflag:s15] =	ssyncset.done $0x0  }
0x2d: {  	s28 =	sadd.s32 $0xFFFFFB00, s13;
	[sflag:s15] =	ssyncadd.s32 $0xFFFFD800  }
0x2e: {  	[tilespmem:s19], [sflag:$0x1] =	stream.linear.gather [hbm4b:s28+s3], $0x2800, $0x38;
	[tilespmem:$0x1C880] =	vst v63  }
0x2f: {  	_ =	swait.ge [sflag:s22], $0x2800  }
0x30: {  	[sflag:s22] =	ssyncset.done $0x0  }
0x31: {  	s28 =	simm.s32 $0x13900;
	[sflag:s22] =	ssyncadd.s32 $0xFFFFD800  }
0x32: {  	[spmem:s2] =	stream.indirect.scatter.add.f32 [tilespmem:s20], [sflag:$0x3], $0x80, s28, s21, $0xb8;
	[tilespmem:$0x1C880] =	vst v63  }
0x33: {  	_ =	swait.ge [sflag:s15], $0x2800  }
0x34: {  	s29 =	sadd.s32 $0xA00, s13;
	[sflag:s15] =	ssyncset.done $0x0  }
0x35: {  	s30 =	smov.u32 s13;
	s28 =	simm.s32 $0x400;
	[sflag:s15] =	ssyncadd.s32 $0xFFFFD800  }
.LBB2_2:
0x36: {  	[tilespmem:s20], [sflag:$0x2] =	stream.linear.gather [hbm4b:s30+s3], $0x2800, $0x38;
	[tilespmem:$0x1C880] =	vst v63  }
0x37: {  	s31 =	smov.u32 s28;
	s30 =	smov.u32 s29  }
0x38: {  	p1 =	sne.s32 s28, $0xF000;
	s28 =	sadd.s32 $0x400, s28;
	_ =	swait.ge [sflag:s18], $0x2800  }
0x39: {  	s31 =	sshra.s32 s31, $0x2;
	[sflag:s18] =	ssyncset.done $0x0  }
0x3a: {  	s0 =	sadd.s32 $0x13880, s31;
	[sflag:s18] =	ssyncadd.s32 $0xFFFFD800  }
0x3b: {  	[spmem:s2] =	stream.indirect.scatter.add.f32 [tilespmem:s19], [sflag:$0x3], $0x80, s0, s21, $0xb8;
	[tilespmem:$0x1C880] =	vst v63  }
0x3c: {  	_ =	swait.ge [sflag:s15], $0x2800  }
0x3d: {  	[sflag:s15] =	ssyncset.done $0x0  }
0x3e: {  	s0 =	sadd.s32 $0xFFFFFB00, s29;
	[sflag:s15] =	ssyncadd.s32 $0xFFFFD800  }
0x3f: {  	[tilespmem:s19], [sflag:$0x1] =	stream.linear.gather [hbm4b:s0+s3], $0x2800, $0x38;
	[tilespmem:$0x1C880] =	vst v63  }
0x40: {  	_ =	swait.ge [sflag:s22], $0x2800  }
0x41: {  	[sflag:s22] =	ssyncset.done $0x0  }
.Ltmp0:
0x42: {  	s0 =	sadd.s32 $0x13900, s31;
	[sflag:s22] =	ssyncadd.s32 $0xFFFFD800;
	(pc) =	sbr.rel @p1 .LBB2_2-.Ltmp0, $4  }
0x43: {  	[spmem:s2] =	stream.indirect.scatter.add.f32 [tilespmem:s20], [sflag:$0x3], $0x80, s0, s21, $0xb8;
	[tilespmem:$0x1C880] =	vst v63  }
0x44: {  	_ =	swait.ge [sflag:s15], $0x2800  }
0x45: {  	[sflag:s15] =	ssyncset.done $0x0  }
0x46: {  	s29 =	sadd.s32 $0xA00, s29;
	[sflag:s15] =	ssyncadd.s32 $0xFFFFD800  }
0x47: {  	[tilespmem:s20], [sflag:$0x2] =	stream.linear.gather [hbm4b:s30+s3], $0x2800, $0x38;
	[tilespmem:$0x1C880] =	vst v63  }
0x48: {  	_ =	swait.ge [sflag:s18], $0x2800  }
0x49: {  	[sflag:s18] =	ssyncset.done $0x0  }
0x4a: {  	[sflag:s18] =	ssyncadd.s32 $0xFFFFD800  }
0x4b: {  	[spmem:s2] =	stream.indirect.scatter.add.f32 [tilespmem:s19], [sflag:$0x3], $0x80, s23, s21, $0xb8;
	[tilespmem:$0x1C880] =	vst v63  }
0x4c: {  	_ =	swait.ge [sflag:s15], $0x2800  }
0x4d: {  	[sflag:s15] =	ssyncset.done $0x0  }
0x4e: {  	[sflag:s15] =	ssyncadd.s32 $0xFFFFD800  }
0x4f: {  	[tilespmem:s19], [sflag:$0x1] =	stream.linear.gather [hbm4b:s12+s3], $0x2800, $0x38;
	[tilespmem:$0x1C880] =	vst v63  }
0x50: {  	_ =	swait.ge [sflag:s22], $0x2800  }
0x51: {  	[sflag:s22] =	ssyncset.done $0x0  }
0x52: {  	[sflag:s22] =	ssyncadd.s32 $0xFFFFD800  }
0x53: {  	[spmem:s2] =	stream.indirect.scatter.add.f32 [tilespmem:s20], [sflag:$0x3], $0x80, s24, s21, $0xb8;
	[tilespmem:$0x1C880] =	vst v63  }
0x54: {  	_ =	swait.ge [sflag:s15], $0x2800  }
0x55: {  	[sflag:s15] =	ssyncset.done $0x0  }
0x56: {  	[sflag:s15] =	ssyncadd.s32 $0xFFFFD800  }
0x57: {  	_ =	swait.ge [sflag:s18], $0x2800  }
0x58: {  	[sflag:s18] =	ssyncset.done $0x0  }
0x59: {  	[sflag:s18] =	ssyncadd.s32 $0xFFFFD800  }
0x5a: {  	[spmem:s2] =	stream.indirect.scatter.add.f32 [tilespmem:s19], [sflag:$0x3], $0x80, s25, s21, $0xb8;
	[tilespmem:$0x1C880] =	vst v63  }
0x5b: {  	_ =	swait.ge [sflag:s15], $0x2800  }
0x5c: {  	[sflag:s15] =	ssyncset.done $0x0  }
0x5d: {  	[sflag:s15] =	ssyncadd.s32 $0xFFFFD800  }
0x5e: {  	[bflag:$0x0] =	sbarrier.arrive $0xFFFF  }
0x5f: {  	[hbm:s9], [sflag:s5] =	dma.local [spmem:s14], $0x1900  }
0x60: {  	s26 =	sadd.s32 $0x1, s26;
	_ =	swait.ge [sflag:s15], $0x1900  }
0x61: {  	p1 =	sne.s32 s26, s11;
	[sflag:s15] =	ssyncset.done $0x0  }
.Ltmp1:
0x62: {  	s0 =	simm.s32 @!p0 $0x3;
	[sflag:s15] =	ssyncadd.s32 $0xFFFFE700;
	(pc) =	sbr.rel @p1 .LBB2_1-.Ltmp1, $4  }
0x63: {  	[hbm:s10], [sflag:s5] =	dma.local @!p0 [spmem:s16], $0x1900  }
0x64: {  	_ =	swait.ge @!p0 [sflag:s0], $0x1900  }
0x65: {  	[sflag:s0] =	ssyncset.done @!p0 $0x0  }
0x66: {  	[sflag:s0] =	ssyncadd.s32 @!p0 $0xFFFFE700  }
0x67: {  	_ =	sfence.sel $0x180000  }
0x68: {  	[bflag:$0x0] =	sbarrier.arrive $0xFFFF  }
0x69: {  	_ =	strace $0x90000047  }
0x6a: {  	[bflag:$0x2] =	sbarrier.arrive $0xFFFF  }
0x6b: {  	p0 =	sne.s32 s1, $0x0;
	s0 =	rddreg [dreg:$0x2]  }
0x6c: {  	s0 =	sadd.s32 @!p0 $0x100000, s0  }
0x6d: {  	[sflag:s0] =	ssyncadd.tile.s32 @!p0 $0x1;
	_ =	shalt  }
.Lfunc_end2:
_tile_overlayer_lowered:
.L_overlay_start_2:
0x6e: {  	(tag) =	ssettag $0x2  }
0x6f: {  	s0 =	rddreg [dreg:$0x0];
	s2 =	stileid.u32  }
0x70: {  	s1 =	rddreg [dreg:$0x1];
	p0 =	sne.s32 s2, $0x0  }
0x71: {  	s3 =	rddreg [dreg:$0x2];
	[bflag:$0x3] =	sbarrier.arrive $0xFFFF;
	s2 =	simm.s32 @!p0 $0x1C03  }
0x72: {  	[timem:s3], [sflag:s2] =	dma.local @!p0 [hbm:s0], s1  }
0x73: {  	s0 =	simm.s32 @!p0 $0x3  }
0x74: {  	_ =	swait.ge @!p0 [sflag:s0], s1  }
0x75: {  	s1 =	ssub.s32 @!p0 $0x0, s1;
	[sflag:s0] =	ssyncset.done @!p0 $0x0  }
0x76: {  	[sflag:s0] =	ssyncadd.s32 @!p0 s1  }
0x77: {  	[bflag:$0x3] =	sbarrier.arrive $0xFFFF  }
0x78: {  	_ =	shalt  }

// kernel: _run.17.cloned.1.call-start
scs
__scs_entry_jumppad:
0x0: {  	(pc) =	sbr.rel $0x88, $3  }
0x1: {  	(tag) =	ssettag $0x0;
	lr =	simm.s32 $0x1  }
0x2: {  	[smem:$0x3F98] =	sst lr;
	_ =	strace $0xD0000000  }
0x3: {  	_ = 	snop  }
0x4: {  	_ = 	snop  }
0x5: {  	_ = 	snop  }
0x6: {  	_ = 	snop  }
0x7: {  	_ = 	snop  }
__scs_overlays_trampoline_lowered:
0x8: {  	[smem:$0x3FA7] =	sst s0  }
0x9: {  	[smem:$0x3FA8] =	sst s1  }
0xa: {  	[smem:$0x3FA9] =	sst s2  }
0xb: {  	[smem:$0x3FAA] =	sst s3  }
0xc: {  	[smem:$0x3FAB] =	sst s4  }
0xd: {  	[smem:$0x3FAC] =	sst s5  }
0xe: {  	[smem:$0x3FAD] =	sst s6  }
0xf: {  	[smem:$0x3FAE] =	sst s7  }
0x10: {  	[smem:$0x3FAF] =	sst s8  }
0x11: {  	[smem:$0x3FB0] =	sst s9;
	s0 =	simm.s32 @!p0 $0x0  }
0x12: {  	s1 =	sld [smem:$0x3F96];
	s0 =	simm.s32 @p0 $0x1  }
0x13: {  	[smem:$0x3FB1] =	sst s0;
	s0 =	simm.s32 @!p1 $0x0  }
0x14: {  	s2 =	sld [smem:$0x3F95];
	s0 =	simm.s32 @p1 $0x1  }
0x15: {  	[smem:$0x3FB2] =	sst s0;
	s0 =	simm.s32 @!p2 $0x0  }
0x16: {  	s3 =	sld [smem:$0x3FDB];
	s0 =	simm.s32 @p2 $0x1  }
0x17: {  	s4 =	simm.s32 $0x1BF5;
	[smem:$0x3FB4] =	sst s0  }
0x18: {  	s0 =	sld [smem:$0x3F97];
	_ =	swait.ge [sflag:s4], $0x0  }
0x19: {  	s7 =	sld [smem:$0x3F98]  }
0x1a: {  	s8 =	sadd.s32 $0xFFFFE003, lr  }
0x1b: {  	s9 =	sadd.s32 $0xFFFFFEF7, lr;
	s5 =	simm.s32 $0xFFFFFFFF;
	p2 =	slt.u32 s8, $0xFFFFF086  }
0x1c: {  	p1 =	slt.u32 s9, $0xF7A;
	s5 =	simm.s32 @!p2 $0x0  }
0x1d: {  	s5 =	simm.s32 @p1 $0x1;
	p0 =	seq.s32 s7, s2  }
0x1e: {  	s7 =	smul.u32 @!p0 $0xF7A, s2;
	p2 =	seq.s32 @!p0 s5, $0x0  }
0x1f: {  	s9 =	smul.u32 $0xF7A, s1;
	s8 =	simm.s32 @!p0 $0x1BF5;
	p2 =	por !p2, p0  }
0x20: {  	[sflag:s8] =	ssyncset.s32 @!p0 $0xFFFFF086;
	s6 =	sadd.s32 @!p0 s3, s7;
	s7 =	simm.s32 @!p0 $0x108  }
0x21: {  	s3 =	sadd.s32 s3, s9;
	s6 =	sadd.s32 @!p0 $0x88, s6;
	s7 =	simm.s32 @p2 $0x1082  }
0x22: {  	[simem:s7], [sflag:s8] =	dma.local @!p0 [hbm:s6], $0xF7A  }
0x23: {  	s9 =	sor.u32 $0xD0000000, s2;
	s6 =	simm.s32 $0x108;
	_ =	swait.ge @!p0 [sflag:s8], $0x0  }
0x24: {  	s3 =	sadd.s32 $0x88, s3;
	s6 =	simm.s32 @!p1 $0x1082;
	[sflag:s4] =	ssyncset.s32 $0xFFFFF086  }
0x25: {  	[simem:s6], [sflag:s4] =	dma.local [hbm:s3], $0xF7A  }
0x26: {  	[smem:$0x3F98] =	sst s1;
	(tag) =	ssettag s2;
	_ =	strace s9  }
0x27: {  	s1 =	sld [smem:$0x3FA8]  }
0x28: {  	s2 =	sld [smem:$0x3FA9]  }
0x29: {  	s4 =	sld [smem:$0x3FAB]  }
0x2a: {  	p0 =	seq.s32 s5, $0x0;
	s5 =	sld [smem:$0x3FAC]  }
0x2b: {  	s6 =	sld [smem:$0x3FAD]  }
0x2c: {  	s7 =	sld [smem:$0x3FAE]  }
0x2d: {  	s3 =	simm.s32 $0x108;
	s8 =	sld [smem:$0x3FAF]  }
0x2e: {  	s3 =	simm.s32 @!p0 $0x1082;
	s9 =	sld [smem:$0x3FB0]  }
0x2f: {  	lr =	sadd.s32 s0, s3;
	s0 =	sld [smem:$0x3FA7]  }
0x30: {  	s3 =	sld [smem:$0x3FAA]  }
0x31: {  	[smem:$0x3FB3] =	sst s10  }
0x32: {  	s10 =	sld [smem:$0x3FB1];
	_ =	sdelay $0x3  }
0x33: {  	p0 =	seq.s32 s10, $0x1;
	s10 =	sld [smem:$0x3FB3];
	_ =	sdelay $0x3  }
0x34: {  	[smem:$0x3FB3] =	sst s10  }
0x35: {  	s10 =	sld [smem:$0x3FB2];
	_ =	sdelay $0x3  }
0x36: {  	p1 =	seq.s32 s10, $0x1;
	s10 =	sld [smem:$0x3FB3];
	_ =	sdelay $0x3  }
0x37: {  	[smem:$0x3FB3] =	sst s10  }
0x38: {  	s10 =	sld [smem:$0x3FB4]  }
0x39: {  	_ = 	snop;
	(pc) =	sbr.ind lr, $3  }
0x3a: {  	_ = 	snop  }
0x3b: {  	_ = 	snop  }
0x3c: {  	p2 =	seq.s32 s10, $0x1;
	s10 =	sld [smem:$0x3FB3]  }
0x3d: {  	_ =	shalt  }
0x3e: {  	_ =	shalt  }
0x3f: {  	_ =	shalt  }
0x40: {  	_ =	shalt  }
0x41: {  	_ =	shalt  }
0x42: {  	_ =	shalt  }
0x43: {  	_ =	shalt  }
0x44: {  	_ =	shalt  }
0x45: {  	_ =	shalt  }
0x46: {  	_ =	shalt  }
0x47: {  	_ =	shalt  }
0x48: {  	_ =	shalt  }
0x49: {  	_ =	shalt  }
0x4a: {  	_ =	shalt  }
0x4b: {  	_ =	shalt  }
0x4c: {  	_ =	shalt  }
0x4d: {  	_ =	shalt  }
0x4e: {  	_ =	shalt  }
0x4f: {  	_ =	shalt  }
0x50: {  	_ =	shalt  }
0x51: {  	_ =	shalt  }
0x52: {  	_ =	shalt  }
0x53: {  	_ =	shalt  }
0x54: {  	_ =	shalt  }
0x55: {  	_ =	shalt  }
0x56: {  	_ =	shalt  }
0x57: {  	_ =	shalt  }
0x58: {  	_ =	shalt  }
0x59: {  	_ =	shalt  }
0x5a: {  	_ =	shalt  }
0x5b: {  	_ =	shalt  }
0x5c: {  	_ =	shalt  }
0x5d: {  	_ =	shalt  }
0x5e: {  	_ =	shalt  }
0x5f: {  	_ =	shalt  }
0x60: {  	_ =	shalt  }
0x61: {  	_ =	shalt  }
0x62: {  	_ =	shalt  }
0x63: {  	_ =	shalt  }
0x64: {  	_ =	shalt  }
0x65: {  	_ =	shalt  }
0x66: {  	_ =	shalt  }
0x67: {  	_ =	shalt  }
0x68: {  	_ =	shalt  }
0x69: {  	_ =	shalt  }
0x6a: {  	_ =	shalt  }
0x6b: {  	_ =	shalt  }
0x6c: {  	_ =	shalt  }
0x6d: {  	_ =	shalt  }
0x6e: {  	_ =	shalt  }
0x6f: {  	_ =	shalt  }
0x70: {  	_ =	shalt  }
0x71: {  	_ =	shalt  }
0x72: {  	_ =	shalt  }
0x73: {  	_ =	shalt  }
0x74: {  	_ =	shalt  }
0x75: {  	_ =	shalt  }
0x76: {  	_ =	shalt  }
0x77: {  	_ =	shalt  }
0x78: {  	_ =	shalt  }
0x79: {  	_ =	shalt  }
0x7a: {  	_ =	shalt  }
0x7b: {  	_ =	shalt  }
0x7c: {  	_ =	shalt  }
0x7d: {  	_ =	shalt  }
0x7e: {  	_ =	shalt  }
0x7f: {  	_ =	shalt  }
0x80: {  	_ =	shalt  }
0x81: {  	_ =	shalt  }
0x82: {  	_ =	shalt  }
0x83: {  	_ =	shalt  }
0x84: {  	_ =	shalt  }
0x85: {  	_ =	shalt  }
0x86: {  	_ =	shalt  }
0x87: {  	_ =	shalt  }
.Lfunc_end0:
.L_simem_size_0:
called_computation.1_lowered:
.L_overlay_start_0:
0x88: {  	s2 =	sld [smem:$0x3FD9]  }
0x89: {  	s3 =	sld [smem:$0x3FFE];
	_ =	sdelay $0x1  }
0x8a: {  	s1 =	srdreg.scid  }
0x8b: {  	s0 =	sand.u32 $0x1, s1  }
0x8c: {  	s16 =	sshll.u32 s0, $0xA;
	s2 =	sadd.s32 s3, s2  }
0x8d: {  	s2 =	sadd.s32 s2, s16  }
0x8e: {  	[smem:$0x3FBF] =	sst s2  }
0x8f: {  	_ = 	snop  }
0x90: {  	(tm) =	ssettm $0x1  }
0x91: {  	s17 =	sld [smem:$0x3FFB];
	_ =	sdelay $0x3  }
0x92: {  	_ =	strace s17  }
0x93: {  	s2 =	sld [smem:$0x3FFC];
	_ =	sdelay $0x3  }
0x94: {  	_ =	strace s2  }
0x95: {  	s2 =	sld [smem:$0x3FFD];
	_ =	sdelay $0x3  }
0x96: {  	_ =	strace s2  }
0x97: {  	_ =	strace $0x8FFFFFFF  }
0x98: {  	s18 =	sld [smem:$0x3FDB];
	_ =	sdelay $0x1  }
0x99: {  	s19 =	simm.s32 $_scs_section_size  }
0x9a: {  	s4 =	simm.s32 $_size__tile_overlayer_lowered;
	s5 =	simm.s32 $_tile_overlayer_lowered  }
0x9b: {  	s22 =	simm.s32 $0x1BFF;
	s21 =	sshll.u32 s5, $0x1;
	s2 =	sadd.s32 s19, s18  }
0x9c: {  	s6 =	simm.s32 $0x0;
	s20 =	sshll.u32 s4, $0x1;
	s4 =	sadd.s32 s21, s2  }
0x9d: {  	[timem:s6], [sflag:s22] =	dma.local [hbm:s4], s20  }
0x9e: {  	_ =	swait.ge [sflag:s22], s20  }
0x9f: {  	s3 =	ssub.s32 $0x0, s20;
	[sflag:s22] =	ssyncset.done $0x0  }
0xa0: {  	[sflag:s22] =	ssyncadd.s32 s3;
	_ =	sdelay $0x1  }
0xa1: {  	s23 =	simm.s32 $0x1B8B  }
0xa2: {  	_ =	swait.ge [sflag:s23], $0x1  }
0xa3: {  	[sflag:s23] =	ssyncset.done $0x0  }
0xa4: {  	s25 =	simm.s32 $0x1B8E;
	s24 =	sld [smem:$0x3FFE];
	[sflag:s23] =	ssyncadd.s32 $0xFFFFFFFF  }
0xa5: {  	s26 =	simm.s32 $execute0_lowered;
	[smem:$0x3FD2] =	sst s25  }
0xa6: {  	s4 =	sshll.u32 s26, $0x1;
	_ =	strace $0x80000049;
	[dreg:$0x1] =	wrdreg $0xFFFFFFFF  }
0xa7: {  	s28 =	simm.s32 $_size_execute0_lowered;
	s2 =	sadd.s32 s2, s4;
	[dreg:$0x0] =	wrdreg $0x0  }
0xa8: {  	s4 =	sshll.u32 s28, $0x1;
	[dreg:$0x2] =	wrdreg s2  }
0xa9: {  	[dreg:$0x3] =	wrdreg s4  }
0xaa: {  	[dreg:$0x4] =	wrdreg $0xC0  }
0xab: {  	_ =	task [dreg:s6], $0x5FFFF  }
0xac: {  	[dreg:$0x1] =	wrdreg $0xFFFFFFFF  }
0xad: {  	[dreg:$0x0] =	wrdreg $0x60  }
0xae: {  	[dreg:$0x2] =	wrdreg s24  }
0xaf: {  	[dreg:$0x3] =	wrdreg $0x9  }
0xb0: {  	_ =	task.clear_ibuf [dreg:s6], $0x4FFFF;
	_ =	strace $0x90000049  }
0xb1: {  	s29 =	simm.s32 $0x9;
	_ =	strace $0x8000004B  }
0xb2: {  	_ =	swait.ge [sflag:s29], $0x1  }
0xb3: {  	[sflag:s29] =	ssyncadd.s32 $0xFFFFFFFF  }
0xb4: {  	_ =	strace $0x9000004B  }
0xb5: {  	_ =	sfence  }
0xb6: {  	s30 =	sld [smem:$0x0];
	_ =	sdelay $0x2  }
0xb7: {  	s31 =	sshll.u32 s1, $0xD;
	s1 =	sshrl.u32 s1, $0x2  }
0xb8: {  	s3 =	sand.u32 $0x4000, s31;
	s1 =	sadd.s32 s1, s30  }
0xb9: {  	s0 =	sor.u32 s3, s0;
	s1 =	sshll.u32 s1, $0x11  }
0xba: {  	s0 =	sor.u32 s1, s0  }
0xbb: {  	s0 =	sadd.s32 $0x8F2B, s0  }
0xbc: {  	[sflag:s0] =	ssyncadd.remote.s32 $0x1  }
0xbd: {  	_ =	sfence.sel $0xFFFF  }
0xbe: {  	[dreg:$0x0] =	wrdreg $0xFFFFFFFF;
	(pc) =	sbr.abs _section_cstart, $3  }
0xbf: {  	[dreg:$0x1] =	wrdreg $0xFFFFFFFF  }
0xc0: {  	_ =	task.clear_ibuf [dreg:s6], $0x2FFFF;
	_ =	strace $0x9FFFFFFF  }
0xc1: {  	(tm) =	ssettm $0x7FFFFFFF  }
tec
execute0_lowered:
.L_overlay_start_1:
0x0: {  	(tag) =	ssettag $0x1  }
0x1: {  	s4 =	rddreg [dreg:$0x0];
	s1 =	srdreg.scid  }
0x2: {  	s2 =	simm.s32 $0x0;
	s13 =	simm.s32 $0x50;
	s14 =	simm.s32 $0x4000  }
0x3: {  	s15 =	simm.s32 $0x80;
	s16 =	simm.s32 $0x6800;
	s17 =	simm.s32 $0x2  }
0x4: {  	s18 =	simm.s32 $0x100;
	s19 =	simm.s32 $0x9000;
	s20 =	simm.s32 $0x3  }
0x5: {  	s21 =	simm.s32 $0x5;
	s22 =	simm.s32 $0x180;
	s23 =	simm.s32 $0x4  }
0x6: {  	s24 =	simm.s32 $0x6;
	s25 =	simm.s32 $0x200;
	s26 =	simm.s32 $0x7  }
0x7: {  	s28 =	simm.s32 $0x0;
	s6 =	sand.u32 $0x1, s1;
	[smem:$0x7FF] =	sst s2  }
0x8: {  	s1 =	stileid.u32;
	s10 =	sadd.s32 $0xA40C00, s4;
	s3 =	sshll.u32 s6, $0x4  }
0x9: {  	_ =	strace $0x8000004A;
	s9 =	ssub.s32 $0x2, s6;
	s12 =	smul.u32 $0x271000, s6  }
0xa: {  	s31 =	smul.u32 $0x27100, s1;
	s5 =	sor.u32 s1, s3;
	s3 =	sadd.s32 $0x9E2A00, s4  }
0xb: {  	s30 =	sshrl.u32 s9, $0x1;
	s7 =	sshll.u32 s5, $0xB;
	s8 =	smul.u32 $0x138800, s5  }
0xc: {  	s9 =	ssub.s32 s9, s30;
	s11 =	smul.u32 $0x27100, s5;
	s7 =	sadd.s32 s7, s4  }
0xd: {  	s12 =	sadd.s32 s12, s10;
	s8 =	sshrl.u32 s8, $0x3;
	s4 =	sadd.s32 $0xA30C00, s7  }
0xe: {  	s7 =	sadd.s32 s10, s11;
	s11 =	sadd.s32 s31, s12;
	s8 =	sadd.s32 s10, s8  }
0xf: {  	s12 =	simm.s32 $0x1;
	s10 =	sadd.s32 $0xA00, s7;
	s5 =	sadd.s32 $0x26700, s8  }
0x10: {  	s6 =	sadd.s32 $0x26C00, s8;
	s8 =	smax.u32 s9, $0x1;
	s9 =	sadd.s32 $0x500, s7  }
.LBB2_1:
0x11: {  	[tilespmem:s2], [sflag:$0x1] =	stream.linear.gather [hbm4b:s4+s2], $0x3E80, $0x38;
	[tilespmem:$0xB800] =	vst v63  }
0x12: {  	_ =	swait.ge [sflag:s12], $0x3E80  }
0x13: {  	[sflag:s12] =	ssyncset.done $0x0  }
0x14: {  	[sflag:s12] =	ssyncadd.s32 $0xFFFFC180  }
0x15: {  	[tilespmem:s14], [sflag:$0x2] =	stream.indirect.gather [hbm4b:s3+s13], $0x80, s2, s13, $0xb8;
	[tilespmem:$0xB800] =	vst v63  }
0x16: {  	_ = 	snop  }
0x17: {  	[tilespmem:s16], [sflag:$0x3] =	stream.indirect.gather [hbm4b:s3+s13], $0x80, s15, s13, $0xb8;
	[tilespmem:$0xB800] =	vst v63  }
0x18: {  	_ =	swait.ge [sflag:s17], $0x2800  }
0x19: {  	[sflag:s17] =	ssyncset.done $0x0  }
0x1a: {  	[sflag:s17] =	ssyncadd.s32 $0xFFFFD800  }
0x1b: {  	[hbm4b:s7+s2] =	stream.linear.scatter [tilespmem:s14], [sflag:$0x5], $0x2800, $0x38;
	[tilespmem:$0xB800] =	vst v63  }
0x1c: {  	_ = 	snop  }
0x1d: {  	[tilespmem:s19], [sflag:$0x4] =	stream.indirect.gather [hbm4b:s3+s13], $0x80, s18, s13, $0xb8;
	[tilespmem:$0xB800] =	vst v63  }
0x1e: {  	_ =	swait.ge [sflag:s20], $0x2800  }
0x1f: {  	[sflag:s20] =	ssyncset.done $0x0  }
0x20: {  	[sflag:s20] =	ssyncadd.s32 $0xFFFFD800  }
0x21: {  	[hbm4b:s9+s2] =	stream.linear.scatter [tilespmem:s16], [sflag:$0x6], $0x2800, $0x38;
	[tilespmem:$0xB800] =	vst v63  }
0x22: {  	_ =	swait.ge [sflag:s21], $0x2800  }
0x23: {  	[sflag:s21] =	ssyncset.done $0x0  }
0x24: {  	[sflag:s21] =	ssyncadd.s32 $0xFFFFD800  }
0x25: {  	[tilespmem:s14], [sflag:$0x2] =	stream.indirect.gather [hbm4b:s3+s13], $0x80, s22, s13, $0xb8;
	[tilespmem:$0xB800] =	vst v63  }
0x26: {  	_ =	swait.ge [sflag:s23], $0x2800  }
0x27: {  	[sflag:s23] =	ssyncset.done $0x0  }
0x28: {  	[sflag:s23] =	ssyncadd.s32 $0xFFFFD800  }
0x29: {  	[hbm4b:s10+s2] =	stream.linear.scatter [tilespmem:s19], [sflag:$0x7], $0x2800, $0x38;
	[tilespmem:$0xB800] =	vst v63  }
0x2a: {  	_ =	swait.ge [sflag:s24], $0x2800  }
0x2b: {  	[sflag:s24] =	ssyncset.done $0x0  }
0x2c: {  	[sflag:s24] =	ssyncadd.s32 $0xFFFFD800  }
0x2d: {  	[tilespmem:s16], [sflag:$0x3] =	stream.indirect.gather [hbm4b:s3+s13], $0x80, s25, s13, $0xb8;
	[tilespmem:$0xB800] =	vst v63  }
0x2e: {  	_ =	swait.ge [sflag:s17], $0x2800  }
0x2f: {  	s29 =	sadd.s32 $0x0, s11;
	[sflag:s17] =	ssyncset.done $0x0  }
0x30: {  	s30 =	sadd.s32 $0xF00, s29;
	[sflag:s17] =	ssyncadd.s32 $0xFFFFD800  }
0x31: {  	[hbm4b:s30+s2] =	stream.linear.scatter [tilespmem:s14], [sflag:$0x5], $0x2800, $0x38;
	[tilespmem:$0xB800] =	vst v63  }
0x32: {  	_ =	swait.ge [sflag:s26], $0x2800  }
0x33: {  	[sflag:s26] =	ssyncset.done $0x0  }
0x34: {  	s30 =	simm.s32 $0x280;
	[sflag:s26] =	ssyncadd.s32 $0xFFFFD800  }
0x35: {  	[tilespmem:s19], [sflag:$0x4] =	stream.indirect.gather [hbm4b:s3+s13], $0x80, s30, s13, $0xb8;
	[tilespmem:$0xB800] =	vst v63  }
0x36: {  	_ =	swait.ge [sflag:s20], $0x2800  }
0x37: {  	[sflag:s20] =	ssyncset.done $0x0  }
0x38: {  	s30 =	sadd.s32 $0x1400, s29;
	[sflag:s20] =	ssyncadd.s32 $0xFFFFD800  }
0x39: {  	[hbm4b:s30+s2] =	stream.linear.scatter [tilespmem:s16], [sflag:$0x6], $0x2800, $0x38;
	[tilespmem:$0xB800] =	vst v63  }
0x3a: {  	_ =	swait.ge [sflag:s21], $0x2800  }
0x3b: {  	[sflag:s21] =	ssyncset.done $0x0  }
0x3c: {  	s30 =	simm.s32 $0x300;
	[sflag:s21] =	ssyncadd.s32 $0xFFFFD800  }
0x3d: {  	[tilespmem:s14], [sflag:$0x2] =	stream.indirect.gather [hbm4b:s3+s13], $0x80, s30, s13, $0xb8;
	[tilespmem:$0xB800] =	vst v63  }
0x3e: {  	_ =	swait.ge [sflag:s23], $0x2800  }
0x3f: {  	[sflag:s23] =	ssyncset.done $0x0  }
0x40: {  	s29 =	sadd.s32 $0x1900, s29;
	[sflag:s23] =	ssyncadd.s32 $0xFFFFD800  }
0x41: {  	[hbm4b:s29+s2] =	stream.linear.scatter [tilespmem:s19], [sflag:$0x7], $0x2800, $0x38;
	[tilespmem:$0xB800] =	vst v63  }
0x42: {  	_ =	swait.ge [sflag:s24], $0x2800  }
0x43: {  	s31 =	simm.s32 $0x380;
	[sflag:s24] =	ssyncset.done $0x0  }
0x44: {  	s30 =	simm.s32 $0x400;
	s29 =	simm.s32 $0xF00;
	[sflag:s24] =	ssyncadd.s32 $0xFFFFD800  }
.LBB2_2:
0x45: {  	[tilespmem:s16], [sflag:$0x3] =	stream.indirect.gather [hbm4b:s3+s13], $0x80, s31, s13, $0xb8;
	[tilespmem:$0xB800] =	vst v63  }
0x46: {  	s31 =	smov.u32 s29  }
0x47: {  	p0 =	sne.s32 s29, $0x24900;
	s29 =	sadd.s32 $0xF00, s29;
	_ =	swait.ge [sflag:s17], $0x2800  }
0x48: {  	s31 =	sadd.s32 s31, s11;
	[sflag:s17] =	ssyncset.done $0x0  }
0x49: {  	s0 =	sadd.s32 $0xF00, s31;
	[sflag:s17] =	ssyncadd.s32 $0xFFFFD800  }
0x4a: {  	[hbm4b:s0+s2] =	stream.linear.scatter [tilespmem:s14], [sflag:$0x5], $0x2800, $0x38;
	[tilespmem:$0xB800] =	vst v63  }
0x4b: {  	_ =	swait.ge [sflag:s26], $0x2800  }
0x4c: {  	[sflag:s26] =	ssyncset.done $0x0  }
0x4d: {  	[sflag:s26] =	ssyncadd.s32 $0xFFFFD800  }
0x4e: {  	[tilespmem:s19], [sflag:$0x4] =	stream.indirect.gather [hbm4b:s3+s13], $0x80, s30, s13, $0xb8;
	[tilespmem:$0xB800] =	vst v63  }
0x4f: {  	_ =	swait.ge [sflag:s20], $0x2800  }
0x50: {  	[sflag:s20] =	ssyncset.done $0x0  }
0x51: {  	s0 =	sadd.s32 $0x1400, s31;
	[sflag:s20] =	ssyncadd.s32 $0xFFFFD800  }
0x52: {  	[hbm4b:s0+s2] =	stream.linear.scatter [tilespmem:s16], [sflag:$0x6], $0x2800, $0x38;
	[tilespmem:$0xB800] =	vst v63  }
0x53: {  	_ =	swait.ge [sflag:s21], $0x2800  }
0x54: {  	[sflag:s21] =	ssyncset.done $0x0  }
0x55: {  	s0 =	sadd.s32 $0x80, s30;
	[sflag:s21] =	ssyncadd.s32 $0xFFFFD800  }
0x56: {  	[tilespmem:s14], [sflag:$0x2] =	stream.indirect.gather [hbm4b:s3+s13], $0x80, s0, s13, $0xb8;
	[tilespmem:$0xB800] =	vst v63  }
0x57: {  	_ =	swait.ge [sflag:s23], $0x2800  }
0x58: {  	[sflag:s23] =	ssyncset.done $0x0  }
.Ltmp0:
0x59: {  	s0 =	sadd.s32 $0x1900, s31;
	[sflag:s23] =	ssyncadd.s32 $0xFFFFD800;
	(pc) =	sbr.rel @p0 .LBB2_2-.Ltmp0, $4  }
0x5a: {  	[hbm4b:s0+s2] =	stream.linear.scatter [tilespmem:s19], [sflag:$0x7], $0x2800, $0x38;
	[tilespmem:$0xB800] =	vst v63  }
0x5b: {  	_ =	swait.ge [sflag:s24], $0x2800  }
0x5c: {  	[sflag:s24] =	ssyncset.done $0x0  }
0x5d: {  	s31 =	sadd.s32 $0x100, s30;
	s30 =	sadd.s32 $0x180, s30;
	[sflag:s24] =	ssyncadd.s32 $0xFFFFD800  }
0x5e: {  	[tilespmem:s16], [sflag:$0x3] =	stream.indirect.gather [hbm4b:s3+s13], $0x80, s31, s13, $0xb8;
	[tilespmem:$0xB800] =	vst v63  }
0x5f: {  	_ =	swait.ge [sflag:s17], $0x2800  }
0x60: {  	[sflag:s17] =	ssyncset.done $0x0  }
0x61: {  	[sflag:s17] =	ssyncadd.s32 $0xFFFFD800  }
0x62: {  	[hbm4b:s5+s2] =	stream.linear.scatter [tilespmem:s14], [sflag:$0x5], $0x2800, $0x38;
	[tilespmem:$0xB800] =	vst v63  }
0x63: {  	_ =	swait.ge [sflag:s20], $0x2800  }
0x64: {  	[sflag:s20] =	ssyncset.done $0x0  }
0x65: {  	[sflag:s20] =	ssyncadd.s32 $0xFFFFD800  }
0x66: {  	[hbm4b:s6+s2] =	stream.linear.scatter [tilespmem:s16], [sflag:$0x6], $0x2800, $0x38;
	[tilespmem:$0xB800] =	vst v63  }
0x67: {  	_ =	swait.ge [sflag:s26], $0x2800  }
0x68: {  	[sflag:s26] =	ssyncset.done $0x0  }
0x69: {  	s28 =	sadd.s32 $0x1, s28;
	[sflag:s26] =	ssyncadd.s32 $0xFFFFD800  }
0x6a: {  	p0 =	sne.s32 s28, s8;
	_ =	swait.ge [sflag:s21], $0x2800  }
.Ltmp1:
0x6b: {  	[sflag:s21] =	ssyncset.done $0x0;
	(pc) =	sbr.rel @p0 .LBB2_1-.Ltmp1, $4  }
0x6c: {  	[sflag:s21] =	ssyncadd.s32 $0xFFFFD800  }
0x6d: {  	_ =	swait.ge [sflag:s24], $0x2800  }
0x6e: {  	[sflag:s24] =	ssyncset.done $0x0  }
0x6f: {  	[sflag:s24] =	ssyncadd.s32 $0xFFFFD800  }
0x70: {  	_ =	sfence.sel $0x180000  }
0x71: {  	[bflag:$0x0] =	sbarrier.arrive $0xFFFF  }
0x72: {  	_ =	strace $0x9000004A  }
0x73: {  	[bflag:$0x2] =	sbarrier.arrive $0xFFFF  }
0x74: {  	p0 =	sne.s32 s1, $0x0;
	s0 =	rddreg [dreg:$0x1]  }
0x75: {  	s0 =	sadd.s32 @!p0 $0x100000, s0  }
0x76: {  	[sflag:s0] =	ssyncadd.tile.s32 @!p0 $0x1;
	_ =	shalt  }
.Lfunc_end2:
_tile_overlayer_lowered:
.L_overlay_start_2:
0x77: {  	(tag) =	ssettag $0x2  }
0x78: {  	s0 =	rddreg [dreg:$0x0];
	s2 =	stileid.u32  }
0x79: {  	s1 =	rddreg [dreg:$0x1];
	p0 =	sne.s32 s2, $0x0  }
0x7a: {  	s3 =	rddreg [dreg:$0x2];
	[bflag:$0x3] =	sbarrier.arrive $0xFFFF;
	s2 =	simm.s32 @!p0 $0x1C08  }
0x7b: {  	[timem:s3], [sflag:s2] =	dma.local @!p0 [hbm:s0], s1  }
0x7c: {  	s0 =	simm.s32 @!p0 $0x8  }
0x7d: {  	_ =	swait.ge @!p0 [sflag:s0], s1  }
0x7e: {  	s1 =	ssub.s32 @!p0 $0x0, s1;
	[sflag:s0] =	ssyncset.done @!p0 $0x0  }
0x7f: {  	[sflag:s0] =	ssyncadd.s32 @!p0 s1  }
0x80: {  	[bflag:$0x3] =	sbarrier.arrive $0xFFFF  }
0x81: {  	_ =	shalt  }

// kernel: _run.20.cloned.1.call-start
scs
__scs_entry_jumppad:
0x0: {  	(pc) =	sbr.rel $0x88, $3  }
0x1: {  	(tag) =	ssettag $0x0;
	lr =	simm.s32 $0x1  }
0x2: {  	[smem:$0x3F98] =	sst lr;
	_ =	strace $0xD0000000  }
0x3: {  	_ = 	snop  }
0x4: {  	_ = 	snop  }
0x5: {  	_ = 	snop  }
0x6: {  	_ = 	snop  }
0x7: {  	_ = 	snop  }
__scs_overlays_trampoline_lowered:
0x8: {  	[smem:$0x3FA7] =	sst s0  }
0x9: {  	[smem:$0x3FA8] =	sst s1  }
0xa: {  	[smem:$0x3FA9] =	sst s2  }
0xb: {  	[smem:$0x3FAA] =	sst s3  }
0xc: {  	[smem:$0x3FAB] =	sst s4  }
0xd: {  	[smem:$0x3FAC] =	sst s5  }
0xe: {  	[smem:$0x3FAD] =	sst s6  }
0xf: {  	[smem:$0x3FAE] =	sst s7  }
0x10: {  	[smem:$0x3FAF] =	sst s8  }
0x11: {  	[smem:$0x3FB0] =	sst s9;
	s0 =	simm.s32 @!p0 $0x0  }
0x12: {  	s1 =	sld [smem:$0x3F96];
	s0 =	simm.s32 @p0 $0x1  }
0x13: {  	[smem:$0x3FB1] =	sst s0;
	s0 =	simm.s32 @!p1 $0x0  }
0x14: {  	s2 =	sld [smem:$0x3F95];
	s0 =	simm.s32 @p1 $0x1  }
0x15: {  	[smem:$0x3FB2] =	sst s0;
	s0 =	simm.s32 @!p2 $0x0  }
0x16: {  	s3 =	sld [smem:$0x3FDB];
	s0 =	simm.s32 @p2 $0x1  }
0x17: {  	s4 =	simm.s32 $0x1BF5;
	[smem:$0x3FB4] =	sst s0  }
0x18: {  	s0 =	sld [smem:$0x3F97];
	_ =	swait.ge [sflag:s4], $0x0  }
0x19: {  	s7 =	sld [smem:$0x3F98]  }
0x1a: {  	s8 =	sadd.s32 $0xFFFFE003, lr  }
0x1b: {  	s9 =	sadd.s32 $0xFFFFFEF7, lr;
	s5 =	simm.s32 $0xFFFFFFFF;
	p2 =	slt.u32 s8, $0xFFFFF086  }
0x1c: {  	p1 =	slt.u32 s9, $0xF7A;
	s5 =	simm.s32 @!p2 $0x0  }
0x1d: {  	s5 =	simm.s32 @p1 $0x1;
	p0 =	seq.s32 s7, s2  }
0x1e: {  	s7 =	smul.u32 @!p0 $0xF7A, s2;
	p2 =	seq.s32 @!p0 s5, $0x0  }
0x1f: {  	s9 =	smul.u32 $0xF7A, s1;
	s8 =	simm.s32 @!p0 $0x1BF5;
	p2 =	por !p2, p0  }
0x20: {  	[sflag:s8] =	ssyncset.s32 @!p0 $0xFFFFF086;
	s6 =	sadd.s32 @!p0 s3, s7;
	s7 =	simm.s32 @!p0 $0x108  }
0x21: {  	s3 =	sadd.s32 s3, s9;
	s6 =	sadd.s32 @!p0 $0x88, s6;
	s7 =	simm.s32 @p2 $0x1082  }
0x22: {  	[simem:s7], [sflag:s8] =	dma.local @!p0 [hbm:s6], $0xF7A  }
0x23: {  	s9 =	sor.u32 $0xD0000000, s2;
	s6 =	simm.s32 $0x108;
	_ =	swait.ge @!p0 [sflag:s8], $0x0  }
0x24: {  	s3 =	sadd.s32 $0x88, s3;
	s6 =	simm.s32 @!p1 $0x1082;
	[sflag:s4] =	ssyncset.s32 $0xFFFFF086  }
0x25: {  	[simem:s6], [sflag:s4] =	dma.local [hbm:s3], $0xF7A  }
0x26: {  	[smem:$0x3F98] =	sst s1;
	(tag) =	ssettag s2;
	_ =	strace s9  }
0x27: {  	s1 =	sld [smem:$0x3FA8]  }
0x28: {  	s2 =	sld [smem:$0x3FA9]  }
0x29: {  	s4 =	sld [smem:$0x3FAB]  }
0x2a: {  	p0 =	seq.s32 s5, $0x0;
	s5 =	sld [smem:$0x3FAC]  }
0x2b: {  	s6 =	sld [smem:$0x3FAD]  }
0x2c: {  	s7 =	sld [smem:$0x3FAE]  }
0x2d: {  	s3 =	simm.s32 $0x108;
	s8 =	sld [smem:$0x3FAF]  }
0x2e: {  	s3 =	simm.s32 @!p0 $0x1082;
	s9 =	sld [smem:$0x3FB0]  }
0x2f: {  	lr =	sadd.s32 s0, s3;
	s0 =	sld [smem:$0x3FA7]  }
0x30: {  	s3 =	sld [smem:$0x3FAA]  }
0x31: {  	[smem:$0x3FB3] =	sst s10  }
0x32: {  	s10 =	sld [smem:$0x3FB1];
	_ =	sdelay $0x3  }
0x33: {  	p0 =	seq.s32 s10, $0x1;
	s10 =	sld [smem:$0x3FB3];
	_ =	sdelay $0x3  }
0x34: {  	[smem:$0x3FB3] =	sst s10  }
0x35: {  	s10 =	sld [smem:$0x3FB2];
	_ =	sdelay $0x3  }
0x36: {  	p1 =	seq.s32 s10, $0x1;
	s10 =	sld [smem:$0x3FB3];
	_ =	sdelay $0x3  }
0x37: {  	[smem:$0x3FB3] =	sst s10  }
0x38: {  	s10 =	sld [smem:$0x3FB4]  }
0x39: {  	_ = 	snop;
	(pc) =	sbr.ind lr, $3  }
0x3a: {  	_ = 	snop  }
0x3b: {  	_ = 	snop  }
0x3c: {  	p2 =	seq.s32 s10, $0x1;
	s10 =	sld [smem:$0x3FB3]  }
0x3d: {  	_ =	shalt  }
0x3e: {  	_ =	shalt  }
0x3f: {  	_ =	shalt  }
0x40: {  	_ =	shalt  }
0x41: {  	_ =	shalt  }
0x42: {  	_ =	shalt  }
0x43: {  	_ =	shalt  }
0x44: {  	_ =	shalt  }
0x45: {  	_ =	shalt  }
0x46: {  	_ =	shalt  }
0x47: {  	_ =	shalt  }
0x48: {  	_ =	shalt  }
0x49: {  	_ =	shalt  }
0x4a: {  	_ =	shalt  }
0x4b: {  	_ =	shalt  }
0x4c: {  	_ =	shalt  }
0x4d: {  	_ =	shalt  }
0x4e: {  	_ =	shalt  }
0x4f: {  	_ =	shalt  }
0x50: {  	_ =	shalt  }
0x51: {  	_ =	shalt  }
0x52: {  	_ =	shalt  }
0x53: {  	_ =	shalt  }
0x54: {  	_ =	shalt  }
0x55: {  	_ =	shalt  }
0x56: {  	_ =	shalt  }
0x57: {  	_ =	shalt  }
0x58: {  	_ =	shalt  }
0x59: {  	_ =	shalt  }
0x5a: {  	_ =	shalt  }
0x5b: {  	_ =	shalt  }
0x5c: {  	_ =	shalt  }
0x5d: {  	_ =	shalt  }
0x5e: {  	_ =	shalt  }
0x5f: {  	_ =	shalt  }
0x60: {  	_ =	shalt  }
0x61: {  	_ =	shalt  }
0x62: {  	_ =	shalt  }
0x63: {  	_ =	shalt  }
0x64: {  	_ =	shalt  }
0x65: {  	_ =	shalt  }
0x66: {  	_ =	shalt  }
0x67: {  	_ =	shalt  }
0x68: {  	_ =	shalt  }
0x69: {  	_ =	shalt  }
0x6a: {  	_ =	shalt  }
0x6b: {  	_ =	shalt  }
0x6c: {  	_ =	shalt  }
0x6d: {  	_ =	shalt  }
0x6e: {  	_ =	shalt  }
0x6f: {  	_ =	shalt  }
0x70: {  	_ =	shalt  }
0x71: {  	_ =	shalt  }
0x72: {  	_ =	shalt  }
0x73: {  	_ =	shalt  }
0x74: {  	_ =	shalt  }
0x75: {  	_ =	shalt  }
0x76: {  	_ =	shalt  }
0x77: {  	_ =	shalt  }
0x78: {  	_ =	shalt  }
0x79: {  	_ =	shalt  }
0x7a: {  	_ =	shalt  }
0x7b: {  	_ =	shalt  }
0x7c: {  	_ =	shalt  }
0x7d: {  	_ =	shalt  }
0x7e: {  	_ =	shalt  }
0x7f: {  	_ =	shalt  }
0x80: {  	_ =	shalt  }
0x81: {  	_ =	shalt  }
0x82: {  	_ =	shalt  }
0x83: {  	_ =	shalt  }
0x84: {  	_ =	shalt  }
0x85: {  	_ =	shalt  }
0x86: {  	_ =	shalt  }
0x87: {  	_ =	shalt  }
.Lfunc_end0:
.L_simem_size_0:
called_computation.2_lowered:
.L_overlay_start_0:
0x88: {  	s2 =	sld [smem:$0x3FD9]  }
0x89: {  	s3 =	sld [smem:$0x3FFE];
	_ =	sdelay $0x1  }
0x8a: {  	s1 =	srdreg.scid  }
0x8b: {  	s0 =	sand.u32 $0x1, s1  }
0x8c: {  	s16 =	sshll.u32 s0, $0xA;
	s2 =	sadd.s32 s3, s2  }
0x8d: {  	s2 =	sadd.s32 s2, s16  }
0x8e: {  	[smem:$0x3FBF] =	sst s2  }
0x8f: {  	_ = 	snop  }
0x90: {  	(tm) =	ssettm $0x1  }
0x91: {  	s17 =	sld [smem:$0x3FFB];
	_ =	sdelay $0x3  }
0x92: {  	_ =	strace s17  }
0x93: {  	s2 =	sld [smem:$0x3FFC];
	_ =	sdelay $0x3  }
0x94: {  	_ =	strace s2  }
0x95: {  	s2 =	sld [smem:$0x3FFD];
	_ =	sdelay $0x3  }
0x96: {  	_ =	strace s2  }
0x97: {  	_ =	strace $0x8FFFFFFF  }
0x98: {  	s18 =	sld [smem:$0x3FDB];
	_ =	sdelay $0x1  }
0x99: {  	s19 =	simm.s32 $_scs_section_size  }
0x9a: {  	s4 =	simm.s32 $_size__tile_overlayer_lowered;
	s5 =	simm.s32 $_tile_overlayer_lowered  }
0x9b: {  	s22 =	simm.s32 $0x1BFF;
	s21 =	sshll.u32 s5, $0x1;
	s2 =	sadd.s32 s19, s18  }
0x9c: {  	s6 =	simm.s32 $0x0;
	s20 =	sshll.u32 s4, $0x1;
	s4 =	sadd.s32 s21, s2  }
0x9d: {  	[timem:s6], [sflag:s22] =	dma.local [hbm:s4], s20  }
0x9e: {  	_ =	swait.ge [sflag:s22], s20  }
0x9f: {  	s3 =	ssub.s32 $0x0, s20;
	[sflag:s22] =	ssyncset.done $0x0  }
0xa0: {  	[sflag:s22] =	ssyncadd.s32 s3;
	_ =	sdelay $0x1  }
0xa1: {  	s23 =	simm.s32 $0x1B8B  }
0xa2: {  	_ =	swait.ge [sflag:s23], $0x1  }
0xa3: {  	[sflag:s23] =	ssyncset.done $0x0  }
0xa4: {  	s25 =	simm.s32 $0x1B8E;
	s24 =	sld [smem:$0x3FFE];
	[sflag:s23] =	ssyncadd.s32 $0xFFFFFFFF  }
0xa5: {  	s26 =	simm.s32 $execute0_lowered;
	[smem:$0x3FD2] =	sst s25  }
0xa6: {  	s4 =	sshll.u32 s26, $0x1;
	_ =	strace $0x8000004C;
	[dreg:$0x1] =	wrdreg $0xFFFFFFFF  }
0xa7: {  	s28 =	simm.s32 $_size_execute0_lowered;
	s2 =	sadd.s32 s2, s4;
	[dreg:$0x0] =	wrdreg $0x0  }
0xa8: {  	s4 =	sshll.u32 s28, $0x1;
	[dreg:$0x2] =	wrdreg s2  }
0xa9: {  	[dreg:$0x3] =	wrdreg s4  }
0xaa: {  	[dreg:$0x4] =	wrdreg $0xC0  }
0xab: {  	_ =	task [dreg:s6], $0x5FFFF  }
0xac: {  	[dreg:$0x1] =	wrdreg $0xFFFFFFFF  }
0xad: {  	[dreg:$0x0] =	wrdreg $0x60  }
0xae: {  	[dreg:$0x2] =	wrdreg s24  }
0xaf: {  	[dreg:$0x3] =	wrdreg $0x0  }
0xb0: {  	[dreg:$0x4] =	wrdreg $0x9  }
0xb1: {  	_ =	task.clear_ibuf [dreg:s6], $0x5FFFF;
	_ =	strace $0x9000004C  }
0xb2: {  	s29 =	simm.s32 $0x9;
	_ =	strace $0x8000004E  }
0xb3: {  	_ =	swait.ge [sflag:s29], $0x1  }
0xb4: {  	[sflag:s29] =	ssyncadd.s32 $0xFFFFFFFF  }
0xb5: {  	_ =	strace $0x9000004E  }
0xb6: {  	_ =	sfence  }
0xb7: {  	s30 =	sld [smem:$0x0];
	_ =	sdelay $0x2  }
0xb8: {  	s31 =	sshll.u32 s1, $0xD;
	s1 =	sshrl.u32 s1, $0x2  }
0xb9: {  	s3 =	sand.u32 $0x4000, s31;
	s1 =	sadd.s32 s1, s30  }
0xba: {  	s0 =	sor.u32 s3, s0;
	s1 =	sshll.u32 s1, $0x11  }
0xbb: {  	s0 =	sor.u32 s1, s0  }
0xbc: {  	s0 =	sadd.s32 $0x8F2B, s0  }
0xbd: {  	[sflag:s0] =	ssyncadd.remote.s32 $0x1  }
0xbe: {  	_ =	sfence.sel $0xFFFF  }
0xbf: {  	[dreg:$0x0] =	wrdreg $0xFFFFFFFF;
	(pc) =	sbr.abs _section_cstart, $3  }
0xc0: {  	[dreg:$0x1] =	wrdreg $0xFFFFFFFF  }
0xc1: {  	_ =	task.clear_ibuf [dreg:s6], $0x2FFFF;
	_ =	strace $0x9FFFFFFF  }
0xc2: {  	(tm) =	ssettm $0x7FFFFFFF  }
0xc3: {  	_ =	shalt  }
tec
execute0_lowered:
.L_overlay_start_1:
0x0: {  	(tag) =	ssettag $0x1  }
0x1: {  	s0 =	srdreg.scid;
	s5 =	rddreg [dreg:$0x0]  }
0x2: {  	s2 =	rddreg [dreg:$0x1];
	s1 =	stileid.u32  }
0x3: {  	s3 =	simm.s32 $0x0;
	s19 =	simm.s32 $0x17880;
	s10 =	smul.u32 $0x32000, s1  }
0x4: {  	s9 =	sand.u32 $0x1, s0;
	[smem:$0x7FF] =	sst s3;
	s17 =	smul.u32 $0xC800, s1  }
0x5: {  	s11 =	sadd.s32 $0xF22C00, s5;
	s12 =	sor.u32 $0x10, s1;
	s29 =	smul.u32 $0x27100, s1  }
0x6: {  	s15 =	sadd.s32 $0x9E2A00, s5;
	s22 =	sshll.u32 s1, $0x6;
	s14 =	smul.u32 $0x32000, s12  }
0x7: {  	p0 =	sgt.u32 s1, $0x8;
	s4 =	sshll.u32 s9, $0x4;
	s23 =	smul.u32 $0x138800, s9  }
0x8: {  	_ =	strace $0x8000004D;
	s8 =	ssub.s32 $0x2, s9;
	s12 =	smul.u32 $0xC800, s12  }
0x9: {  	s26 =	smul.u32 $0x271000, s9;
	s6 =	sor.u32 s1, s4;
	s13 =	sshrl.u32 s8, $0x1  }
0xa: {  	s21 =	sshrl.u32 s10, $0x2;
	s4 =	sshll.u32 s6, $0xB;
	s20 =	smul.u32 $0x27100, s6  }
0xb: {  	s13 =	ssub.s32 s8, s13;
	s6 =	smul.u32 $0x138800, s6;
	s16 =	sadd.s32 s21, s2  }
0xc: {  	s14 =	sshrl.u32 s14, $0x2;
	s25 =	sadd.s32 s17, s23;
	s10 =	sadd.s32 s23, s12  }
0xd: {  	s30 =	sadd.s32 s26, s11;
	s17 =	simm.s32 $0x13880;
	s21 =	simm.s32 $0x50  }
0xe: {  	s23 =	simm.s32 $0x17580;
	s26 =	simm.s32 $0x0;
	s7 =	sadd.s32 s4, s5  }
0xf: {  	s4 =	sadd.s32 $0x9E1000, s5;
	s5 =	sor.u32 $0x1C03, s22;
	s18 =	sadd.s32 s14, s2  }
0x10: {  	s28 =	sshrl.u32 s25, $0x3;
	s10 =	sshrl.u32 s10, $0x3;
	s31 =	sadd.s32 s29, s30  }
0x11: {  	s14 =	sshrl.u32 s16, $0x3;
	s22 =	simm.s32 $0x2;
	s25 =	simm.s32 $0x17680  }
0x12: {  	s6 =	sshrl.u32 s6, $0x3;
	s9 =	sadd.s32 s15, s28;
	s10 =	sadd.s32 s15, s10  }
0x13: {  	s15 =	simm.s32 $0x3;
	s16 =	sshrl.u32 @!p0 s18, $0x3;
	s18 =	simm.s32 $0x1  }
0x14: {  	s24 =	sadd.s32 s11, s6;
	s6 =	sadd.s32 $0x4EF000, s7;
	s7 =	sadd.s32 s11, s20  }
0x15: {  	s11 =	smax.u32 s13, $0x1;
	s13 =	sadd.s32 $0xF00, s31;
	s20 =	simm.s32 $0x1A080  }
0x16: {  	s8 =	sadd.s32 $0x500, s24;
	s12 =	sadd.s32 $0x26C00, s7;
	s24 =	simm.s32 $0x17600  }
.LBB2_1:
0x17: {  	[spmem:s14], [sflag:s5] =	dma.local [hbm:s4], $0x1900  }
0x18: {  	_ =	swait.ge [sflag:s15], $0x1900  }
0x19: {  	[sflag:s15] =	ssyncset.done $0x0  }
0x1a: {  	s28 =	simm.s32 @!p0 $0x3;
	[sflag:s15] =	ssyncadd.s32 $0xFFFFE700  }
0x1b: {  	[spmem:s16], [sflag:s5] =	dma.local @!p0 [hbm:s4], $0x1900  }
0x1c: {  	_ =	swait.ge @!p0 [sflag:s28], $0x1900  }
0x1d: {  	[sflag:s28] =	ssyncset.done @!p0 $0x0  }
0x1e: {  	[sflag:s28] =	ssyncadd.s32 @!p0 $0xFFFFE700  }
0x1f: {  	[tilespmem:s17], [sflag:$0x1] =	stream.linear.gather [hbm4b:s6+s3], $0x3E80, $0x38;
	[tilespmem:$0x1C880] =	vst v63  }
0x20: {  	_ =	swait.ge [sflag:s18], $0x3E80  }
0x21: {  	[sflag:s18] =	ssyncset.done $0x0  }
0x22: {  	[sflag:s18] =	ssyncadd.s32 $0xFFFFC180  }
0x23: {  	[bflag:$0x0] =	sbarrier.arrive $0xFFFF  }
0x24: {  	[tilespmem:s19], [sflag:$0x1] =	stream.linear.gather [hbm4b:s7+s3], $0x2800, $0x38;
	[tilespmem:$0x1C880] =	vst v63  }
0x25: {  	_ = 	snop  }
0x26: {  	[tilespmem:s20], [sflag:$0x2] =	stream.linear.gather [hbm4b:s8+s3], $0x2800, $0x38;
	[tilespmem:$0x1C880] =	vst v63  }
0x27: {  	_ =	swait.ge [sflag:s18], $0x2800  }
0x28: {  	[sflag:s18] =	ssyncset.done $0x0  }
0x29: {  	s28 =	simm.s32 $0x13880;
	[sflag:s18] =	ssyncadd.s32 $0xFFFFD800  }
0x2a: {  	[spmem:s2] =	stream.indirect.scatter.add.f32 [tilespmem:s19], [sflag:$0x3], $0x80, s28, s21, $0xb8;
	[tilespmem:$0x1C880] =	vst v63  }
0x2b: {  	_ =	swait.ge [sflag:s15], $0x2800  }
0x2c: {  	[sflag:s15] =	ssyncset.done $0x0  }
0x2d: {  	s28 =	sadd.s32 $0xFFFFFB00, s13;
	[sflag:s15] =	ssyncadd.s32 $0xFFFFD800  }
0x2e: {  	[tilespmem:s19], [sflag:$0x1] =	stream.linear.gather [hbm4b:s28+s3], $0x2800, $0x38;
	[tilespmem:$0x1C880] =	vst v63  }
0x2f: {  	_ =	swait.ge [sflag:s22], $0x2800  }
0x30: {  	[sflag:s22] =	ssyncset.done $0x0  }
0x31: {  	s28 =	simm.s32 $0x13900;
	[sflag:s22] =	ssyncadd.s32 $0xFFFFD800  }
0x32: {  	[spmem:s2] =	stream.indirect.scatter.add.f32 [tilespmem:s20], [sflag:$0x3], $0x80, s28, s21, $0xb8;
	[tilespmem:$0x1C880] =	vst v63  }
0x33: {  	_ =	swait.ge [sflag:s15], $0x2800  }
0x34: {  	s29 =	sadd.s32 $0xA00, s13;
	[sflag:s15] =	ssyncset.done $0x0  }
0x35: {  	s30 =	smov.u32 s13;
	s28 =	simm.s32 $0x400;
	[sflag:s15] =	ssyncadd.s32 $0xFFFFD800  }
.LBB2_2:
0x36: {  	[tilespmem:s20], [sflag:$0x2] =	stream.linear.gather [hbm4b:s30+s3], $0x2800, $0x38;
	[tilespmem:$0x1C880] =	vst v63  }
0x37: {  	s31 =	smov.u32 s28;
	s30 =	smov.u32 s29  }
0x38: {  	p1 =	sne.s32 s28, $0xF000;
	s28 =	sadd.s32 $0x400, s28;
	_ =	swait.ge [sflag:s18], $0x2800  }
0x39: {  	s31 =	sshra.s32 s31, $0x2;
	[sflag:s18] =	ssyncset.done $0x0  }
0x3a: {  	s0 =	sadd.s32 $0x13880, s31;
	[sflag:s18] =	ssyncadd.s32 $0xFFFFD800  }
0x3b: {  	[spmem:s2] =	stream.indirect.scatter.add.f32 [tilespmem:s19], [sflag:$0x3], $0x80, s0, s21, $0xb8;
	[tilespmem:$0x1C880] =	vst v63  }
0x3c: {  	_ =	swait.ge [sflag:s15], $0x2800  }
0x3d: {  	[sflag:s15] =	ssyncset.done $0x0  }
0x3e: {  	s0 =	sadd.s32 $0xFFFFFB00, s29;
	[sflag:s15] =	ssyncadd.s32 $0xFFFFD800  }
0x3f: {  	[tilespmem:s19], [sflag:$0x1] =	stream.linear.gather [hbm4b:s0+s3], $0x2800, $0x38;
	[tilespmem:$0x1C880] =	vst v63  }
0x40: {  	_ =	swait.ge [sflag:s22], $0x2800  }
0x41: {  	[sflag:s22] =	ssyncset.done $0x0  }
.Ltmp0:
0x42: {  	s0 =	sadd.s32 $0x13900, s31;
	[sflag:s22] =	ssyncadd.s32 $0xFFFFD800;
	(pc) =	sbr.rel @p1 .LBB2_2-.Ltmp0, $4  }
0x43: {  	[spmem:s2] =	stream.indirect.scatter.add.f32 [tilespmem:s20], [sflag:$0x3], $0x80, s0, s21, $0xb8;
	[tilespmem:$0x1C880] =	vst v63  }
0x44: {  	_ =	swait.ge [sflag:s15], $0x2800  }
0x45: {  	[sflag:s15] =	ssyncset.done $0x0  }
0x46: {  	s29 =	sadd.s32 $0xA00, s29;
	[sflag:s15] =	ssyncadd.s32 $0xFFFFD800  }
0x47: {  	[tilespmem:s20], [sflag:$0x2] =	stream.linear.gather [hbm4b:s30+s3], $0x2800, $0x38;
	[tilespmem:$0x1C880] =	vst v63  }
0x48: {  	_ =	swait.ge [sflag:s18], $0x2800  }
0x49: {  	[sflag:s18] =	ssyncset.done $0x0  }
0x4a: {  	[sflag:s18] =	ssyncadd.s32 $0xFFFFD800  }
0x4b: {  	[spmem:s2] =	stream.indirect.scatter.add.f32 [tilespmem:s19], [sflag:$0x3], $0x80, s23, s21, $0xb8;
	[tilespmem:$0x1C880] =	vst v63  }
0x4c: {  	_ =	swait.ge [sflag:s15], $0x2800  }
0x4d: {  	[sflag:s15] =	ssyncset.done $0x0  }
0x4e: {  	[sflag:s15] =	ssyncadd.s32 $0xFFFFD800  }
0x4f: {  	[tilespmem:s19], [sflag:$0x1] =	stream.linear.gather [hbm4b:s12+s3], $0x2800, $0x38;
	[tilespmem:$0x1C880] =	vst v63  }
0x50: {  	_ =	swait.ge [sflag:s22], $0x2800  }
0x51: {  	[sflag:s22] =	ssyncset.done $0x0  }
0x52: {  	[sflag:s22] =	ssyncadd.s32 $0xFFFFD800  }
0x53: {  	[spmem:s2] =	stream.indirect.scatter.add.f32 [tilespmem:s20], [sflag:$0x3], $0x80, s24, s21, $0xb8;
	[tilespmem:$0x1C880] =	vst v63  }
0x54: {  	_ =	swait.ge [sflag:s15], $0x2800  }
0x55: {  	[sflag:s15] =	ssyncset.done $0x0  }
0x56: {  	[sflag:s15] =	ssyncadd.s32 $0xFFFFD800  }
0x57: {  	_ =	swait.ge [sflag:s18], $0x2800  }
0x58: {  	[sflag:s18] =	ssyncset.done $0x0  }
0x59: {  	[sflag:s18] =	ssyncadd.s32 $0xFFFFD800  }
0x5a: {  	[spmem:s2] =	stream.indirect.scatter.add.f32 [tilespmem:s19], [sflag:$0x3], $0x80, s25, s21, $0xb8;
	[tilespmem:$0x1C880] =	vst v63  }
0x5b: {  	_ =	swait.ge [sflag:s15], $0x2800  }
0x5c: {  	[sflag:s15] =	ssyncset.done $0x0  }
0x5d: {  	[sflag:s15] =	ssyncadd.s32 $0xFFFFD800  }
0x5e: {  	[bflag:$0x0] =	sbarrier.arrive $0xFFFF  }
0x5f: {  	[hbm:s9], [sflag:s5] =	dma.local [spmem:s14], $0x1900  }
0x60: {  	s26 =	sadd.s32 $0x1, s26;
	_ =	swait.ge [sflag:s15], $0x1900  }
0x61: {  	p1 =	sne.s32 s26, s11;
	[sflag:s15] =	ssyncset.done $0x0  }
.Ltmp1:
0x62: {  	s0 =	simm.s32 @!p0 $0x3;
	[sflag:s15] =	ssyncadd.s32 $0xFFFFE700;
	(pc) =	sbr.rel @p1 .LBB2_1-.Ltmp1, $4  }
0x63: {  	[hbm:s10], [sflag:s5] =	dma.local @!p0 [spmem:s16], $0x1900  }
0x64: {  	_ =	swait.ge @!p0 [sflag:s0], $0x1900  }
0x65: {  	[sflag:s0] =	ssyncset.done @!p0 $0x0  }
0x66: {  	[sflag:s0] =	ssyncadd.s32 @!p0 $0xFFFFE700  }
0x67: {  	_ =	sfence.sel $0x180000  }
0x68: {  	[bflag:$0x0] =	sbarrier.arrive $0xFFFF  }
0x69: {  	_ =	strace $0x9000004D  }
0x6a: {  	[bflag:$0x2] =	sbarrier.arrive $0xFFFF  }
0x6b: {  	p0 =	sne.s32 s1, $0x0;
	s0 =	rddreg [dreg:$0x2]  }
0x6c: {  	s0 =	sadd.s32 @!p0 $0x100000, s0  }
0x6d: {  	[sflag:s0] =	ssyncadd.tile.s32 @!p0 $0x1;
	_ =	shalt  }
.Lfunc_end2:
_tile_overlayer_lowered:
.L_overlay_start_2:
0x6e: {  	(tag) =	ssettag $0x2  }
0x6f: {  	s0 =	rddreg [dreg:$0x0];
	s2 =	stileid.u32  }
0x70: {  	s1 =	rddreg [dreg:$0x1];
	p0 =	sne.s32 s2, $0x0  }
0x71: {  	s3 =	rddreg [dreg:$0x2];
	[bflag:$0x3] =	sbarrier.arrive $0xFFFF;
	s2 =	simm.s32 @!p0 $0x1C03  }
0x72: {  	[timem:s3], [sflag:s2] =	dma.local @!p0 [hbm:s0], s1  }
0x73: {  	s0 =	simm.s32 @!p0 $0x3  }
0x74: {  	_ =	swait.ge @!p0 [sflag:s0], s1  }
0x75: {  	s1 =	ssub.s32 @!p0 $0x0, s1;
	[sflag:s0] =	ssyncset.done @!p0 $0x0  }
0x76: {  	[sflag:s0] =	ssyncadd.s32 @!p0 s1  }
0x77: {  	[bflag:$0x3] =	sbarrier.arrive $0xFFFF  }
0x78: {  	_ =	shalt  }

// kernel: _run.23.cloned.1.call-start
scs
__scs_entry_jumppad:
0x0: {  	(pc) =	sbr.rel $0x88, $3  }
0x1: {  	(tag) =	ssettag $0x0;
	lr =	simm.s32 $0x1  }
0x2: {  	[smem:$0x3F98] =	sst lr;
	_ =	strace $0xD0000000  }
0x3: {  	_ = 	snop  }
0x4: {  	_ = 	snop  }
0x5: {  	_ = 	snop  }
0x6: {  	_ = 	snop  }
0x7: {  	_ = 	snop  }
__scs_overlays_trampoline_lowered:
0x8: {  	[smem:$0x3FA7] =	sst s0  }
0x9: {  	[smem:$0x3FA8] =	sst s1  }
0xa: {  	[smem:$0x3FA9] =	sst s2  }
0xb: {  	[smem:$0x3FAA] =	sst s3  }
0xc: {  	[smem:$0x3FAB] =	sst s4  }
0xd: {  	[smem:$0x3FAC] =	sst s5  }
0xe: {  	[smem:$0x3FAD] =	sst s6  }
0xf: {  	[smem:$0x3FAE] =	sst s7  }
0x10: {  	[smem:$0x3FAF] =	sst s8  }
0x11: {  	[smem:$0x3FB0] =	sst s9;
	s0 =	simm.s32 @!p0 $0x0  }
0x12: {  	s1 =	sld [smem:$0x3F96];
	s0 =	simm.s32 @p0 $0x1  }
0x13: {  	[smem:$0x3FB1] =	sst s0;
	s0 =	simm.s32 @!p1 $0x0  }
0x14: {  	s2 =	sld [smem:$0x3F95];
	s0 =	simm.s32 @p1 $0x1  }
0x15: {  	[smem:$0x3FB2] =	sst s0;
	s0 =	simm.s32 @!p2 $0x0  }
0x16: {  	s3 =	sld [smem:$0x3FDB];
	s0 =	simm.s32 @p2 $0x1  }
0x17: {  	s4 =	simm.s32 $0x1BF5;
	[smem:$0x3FB4] =	sst s0  }
0x18: {  	s0 =	sld [smem:$0x3F97];
	_ =	swait.ge [sflag:s4], $0x0  }
0x19: {  	s7 =	sld [smem:$0x3F98]  }
0x1a: {  	s8 =	sadd.s32 $0xFFFFE003, lr  }
0x1b: {  	s9 =	sadd.s32 $0xFFFFFEF7, lr;
	s5 =	simm.s32 $0xFFFFFFFF;
	p2 =	slt.u32 s8, $0xFFFFF086  }
0x1c: {  	p1 =	slt.u32 s9, $0xF7A;
	s5 =	simm.s32 @!p2 $0x0  }
0x1d: {  	s5 =	simm.s32 @p1 $0x1;
	p0 =	seq.s32 s7, s2  }
0x1e: {  	s7 =	smul.u32 @!p0 $0xF7A, s2;
	p2 =	seq.s32 @!p0 s5, $0x0  }
0x1f: {  	s9 =	smul.u32 $0xF7A, s1;
	s8 =	simm.s32 @!p0 $0x1BF5;
	p2 =	por !p2, p0  }
0x20: {  	[sflag:s8] =	ssyncset.s32 @!p0 $0xFFFFF086;
	s6 =	sadd.s32 @!p0 s3, s7;
	s7 =	simm.s32 @!p0 $0x108  }
0x21: {  	s3 =	sadd.s32 s3, s9;
	s6 =	sadd.s32 @!p0 $0x88, s6;
	s7 =	simm.s32 @p2 $0x1082  }
0x22: {  	[simem:s7], [sflag:s8] =	dma.local @!p0 [hbm:s6], $0xF7A  }
0x23: {  	s9 =	sor.u32 $0xD0000000, s2;
	s6 =	simm.s32 $0x108;
	_ =	swait.ge @!p0 [sflag:s8], $0x0  }
0x24: {  	s3 =	sadd.s32 $0x88, s3;
	s6 =	simm.s32 @!p1 $0x1082;
	[sflag:s4] =	ssyncset.s32 $0xFFFFF086  }
0x25: {  	[simem:s6], [sflag:s4] =	dma.local [hbm:s3], $0xF7A  }
0x26: {  	[smem:$0x3F98] =	sst s1;
	(tag) =	ssettag s2;
	_ =	strace s9  }
0x27: {  	s1 =	sld [smem:$0x3FA8]  }
0x28: {  	s2 =	sld [smem:$0x3FA9]  }
0x29: {  	s4 =	sld [smem:$0x3FAB]  }
0x2a: {  	p0 =	seq.s32 s5, $0x0;
	s5 =	sld [smem:$0x3FAC]  }
0x2b: {  	s6 =	sld [smem:$0x3FAD]  }
0x2c: {  	s7 =	sld [smem:$0x3FAE]  }
0x2d: {  	s3 =	simm.s32 $0x108;
	s8 =	sld [smem:$0x3FAF]  }
0x2e: {  	s3 =	simm.s32 @!p0 $0x1082;
	s9 =	sld [smem:$0x3FB0]  }
0x2f: {  	lr =	sadd.s32 s0, s3;
	s0 =	sld [smem:$0x3FA7]  }
0x30: {  	s3 =	sld [smem:$0x3FAA]  }
0x31: {  	[smem:$0x3FB3] =	sst s10  }
0x32: {  	s10 =	sld [smem:$0x3FB1];
	_ =	sdelay $0x3  }
0x33: {  	p0 =	seq.s32 s10, $0x1;
	s10 =	sld [smem:$0x3FB3];
	_ =	sdelay $0x3  }
0x34: {  	[smem:$0x3FB3] =	sst s10  }
0x35: {  	s10 =	sld [smem:$0x3FB2];
	_ =	sdelay $0x3  }
0x36: {  	p1 =	seq.s32 s10, $0x1;
	s10 =	sld [smem:$0x3FB3];
	_ =	sdelay $0x3  }
0x37: {  	[smem:$0x3FB3] =	sst s10  }
0x38: {  	s10 =	sld [smem:$0x3FB4]  }
0x39: {  	_ = 	snop;
	(pc) =	sbr.ind lr, $3  }
0x3a: {  	_ = 	snop  }
0x3b: {  	_ = 	snop  }
0x3c: {  	p2 =	seq.s32 s10, $0x1;
	s10 =	sld [smem:$0x3FB3]  }
0x3d: {  	_ =	shalt  }
0x3e: {  	_ =	shalt  }
0x3f: {  	_ =	shalt  }
0x40: {  	_ =	shalt  }
0x41: {  	_ =	shalt  }
0x42: {  	_ =	shalt  }
0x43: {  	_ =	shalt  }
0x44: {  	_ =	shalt  }
0x45: {  	_ =	shalt  }
0x46: {  	_ =	shalt  }
0x47: {  	_ =	shalt  }
0x48: {  	_ =	shalt  }
0x49: {  	_ =	shalt  }
0x4a: {  	_ =	shalt  }
0x4b: {  	_ =	shalt  }
0x4c: {  	_ =	shalt  }
0x4d: {  	_ =	shalt  }
0x4e: {  	_ =	shalt  }
0x4f: {  	_ =	shalt  }
0x50: {  	_ =	shalt  }
0x51: {  	_ =	shalt  }
0x52: {  	_ =	shalt  }
0x53: {  	_ =	shalt  }
0x54: {  	_ =	shalt  }
0x55: {  	_ =	shalt  }
0x56: {  	_ =	shalt  }
0x57: {  	_ =	shalt  }
0x58: {  	_ =	shalt  }
0x59: {  	_ =	shalt  }
0x5a: {  	_ =	shalt  }
0x5b: {  	_ =	shalt  }
0x5c: {  	_ =	shalt  }
0x5d: {  	_ =	shalt  }
0x5e: {  	_ =	shalt  }
0x5f: {  	_ =	shalt  }
0x60: {  	_ =	shalt  }
0x61: {  	_ =	shalt  }
0x62: {  	_ =	shalt  }
0x63: {  	_ =	shalt  }
0x64: {  	_ =	shalt  }
0x65: {  	_ =	shalt  }
0x66: {  	_ =	shalt  }
0x67: {  	_ =	shalt  }
0x68: {  	_ =	shalt  }
0x69: {  	_ =	shalt  }
0x6a: {  	_ =	shalt  }
0x6b: {  	_ =	shalt  }
0x6c: {  	_ =	shalt  }
0x6d: {  	_ =	shalt  }
0x6e: {  	_ =	shalt  }
0x6f: {  	_ =	shalt  }
0x70: {  	_ =	shalt  }
0x71: {  	_ =	shalt  }
0x72: {  	_ =	shalt  }
0x73: {  	_ =	shalt  }
0x74: {  	_ =	shalt  }
0x75: {  	_ =	shalt  }
0x76: {  	_ =	shalt  }
0x77: {  	_ =	shalt  }
0x78: {  	_ =	shalt  }
0x79: {  	_ =	shalt  }
0x7a: {  	_ =	shalt  }
0x7b: {  	_ =	shalt  }
0x7c: {  	_ =	shalt  }
0x7d: {  	_ =	shalt  }
0x7e: {  	_ =	shalt  }
0x7f: {  	_ =	shalt  }
0x80: {  	_ =	shalt  }
0x81: {  	_ =	shalt  }
0x82: {  	_ =	shalt  }
0x83: {  	_ =	shalt  }
0x84: {  	_ =	shalt  }
0x85: {  	_ =	shalt  }
0x86: {  	_ =	shalt  }
0x87: {  	_ =	shalt  }
.Lfunc_end0:
.L_simem_size_0:
called_computation.3_lowered:
.L_overlay_start_0:
0x88: {  	s2 =	sld [smem:$0x3FD9]  }
0x89: {  	s3 =	sld [smem:$0x3FFE];
	_ =	sdelay $0x1  }
0x8a: {  	s1 =	srdreg.scid  }
0x8b: {  	s0 =	sand.u32 $0x1, s1  }
0x8c: {  	s16 =	sshll.u32 s0, $0xA;
	s2 =	sadd.s32 s3, s2  }
0x8d: {  	s2 =	sadd.s32 s2, s16  }
0x8e: {  	[smem:$0x3FBF] =	sst s2  }
0x8f: {  	_ = 	snop  }
0x90: {  	(tm) =	ssettm $0x1  }
0x91: {  	s17 =	sld [smem:$0x3FFB];
	_ =	sdelay $0x3  }
0x92: {  	_ =	strace s17  }
0x93: {  	s2 =	sld [smem:$0x3FFC];
	_ =	sdelay $0x3  }
0x94: {  	_ =	strace s2  }
0x95: {  	s2 =	sld [smem:$0x3FFD];
	_ =	sdelay $0x3  }
0x96: {  	_ =	strace s2  }
0x97: {  	_ =	strace $0x8FFFFFFF  }
0x98: {  	s18 =	sld [smem:$0x3FDB];
	_ =	sdelay $0x1  }
0x99: {  	s19 =	simm.s32 $_scs_section_size  }
0x9a: {  	s4 =	simm.s32 $_size__tile_overlayer_lowered;
	s5 =	simm.s32 $_tile_overlayer_lowered  }
0x9b: {  	s22 =	simm.s32 $0x1BFF;
	s21 =	sshll.u32 s5, $0x1;
	s2 =	sadd.s32 s19, s18  }
0x9c: {  	s6 =	simm.s32 $0x0;
	s20 =	sshll.u32 s4, $0x1;
	s4 =	sadd.s32 s21, s2  }
0x9d: {  	[timem:s6], [sflag:s22] =	dma.local [hbm:s4], s20  }
0x9e: {  	_ =	swait.ge [sflag:s22], s20  }
0x9f: {  	s3 =	ssub.s32 $0x0, s20;
	[sflag:s22] =	ssyncset.done $0x0  }
0xa0: {  	[sflag:s22] =	ssyncadd.s32 s3;
	_ =	sdelay $0x1  }
0xa1: {  	s23 =	simm.s32 $0x1B8B  }
0xa2: {  	_ =	swait.ge [sflag:s23], $0x1  }
0xa3: {  	[sflag:s23] =	ssyncset.done $0x0  }
0xa4: {  	s25 =	simm.s32 $0x1B8E;
	s24 =	sld [smem:$0x3FFE];
	[sflag:s23] =	ssyncadd.s32 $0xFFFFFFFF  }
0xa5: {  	s26 =	simm.s32 $execute0_lowered;
	[smem:$0x3FD2] =	sst s25  }
0xa6: {  	s4 =	sshll.u32 s26, $0x1;
	_ =	strace $0x8000004F;
	[dreg:$0x1] =	wrdreg $0xFFFFFFFF  }
0xa7: {  	s28 =	simm.s32 $_size_execute0_lowered;
	s2 =	sadd.s32 s2, s4;
	[dreg:$0x0] =	wrdreg $0x0  }
0xa8: {  	s4 =	sshll.u32 s28, $0x1;
	[dreg:$0x2] =	wrdreg s2  }
0xa9: {  	[dreg:$0x3] =	wrdreg s4  }
0xaa: {  	[dreg:$0x4] =	wrdreg $0xC0  }
0xab: {  	_ =	task [dreg:s6], $0x5FFFF  }
0xac: {  	[dreg:$0x1] =	wrdreg $0xFFFFFFFF  }
0xad: {  	[dreg:$0x0] =	wrdreg $0x60  }
0xae: {  	[dreg:$0x2] =	wrdreg s24  }
0xaf: {  	[dreg:$0x3] =	wrdreg $0x9  }
0xb0: {  	_ =	task.clear_ibuf [dreg:s6], $0x4FFFF;
	_ =	strace $0x9000004F  }
0xb1: {  	s29 =	simm.s32 $0x9;
	_ =	strace $0x80000051  }
0xb2: {  	_ =	swait.ge [sflag:s29], $0x1  }
0xb3: {  	[sflag:s29] =	ssyncadd.s32 $0xFFFFFFFF  }
0xb4: {  	_ =	strace $0x90000051  }
0xb5: {  	_ =	sfence  }
0xb6: {  	s30 =	sld [smem:$0x0];
	_ =	sdelay $0x2  }
0xb7: {  	s31 =	sshll.u32 s1, $0xD;
	s1 =	sshrl.u32 s1, $0x2  }
0xb8: {  	s3 =	sand.u32 $0x4000, s31;
	s1 =	sadd.s32 s1, s30  }
0xb9: {  	s0 =	sor.u32 s3, s0;
	s1 =	sshll.u32 s1, $0x11  }
0xba: {  	s0 =	sor.u32 s1, s0  }
0xbb: {  	s0 =	sadd.s32 $0x8F2B, s0  }
0xbc: {  	[sflag:s0] =	ssyncadd.remote.s32 $0x1  }
0xbd: {  	_ =	sfence.sel $0xFFFF  }
0xbe: {  	[dreg:$0x0] =	wrdreg $0xFFFFFFFF;
	(pc) =	sbr.abs _section_cstart, $3  }
0xbf: {  	[dreg:$0x1] =	wrdreg $0xFFFFFFFF  }
0xc0: {  	_ =	task.clear_ibuf [dreg:s6], $0x2FFFF;
	_ =	strace $0x9FFFFFFF  }
0xc1: {  	(tm) =	ssettm $0x7FFFFFFF  }
tec
execute0_lowered:
.L_overlay_start_1:
0x0: {  	(tag) =	ssettag $0x1  }
0x1: {  	s4 =	rddreg [dreg:$0x0];
	s1 =	srdreg.scid  }
0x2: {  	s2 =	simm.s32 $0x0;
	s13 =	simm.s32 $0x50;
	s14 =	simm.s32 $0x4000  }
0x3: {  	s15 =	simm.s32 $0x80;
	s16 =	simm.s32 $0x6800;
	s17 =	simm.s32 $0x2  }
0x4: {  	s18 =	simm.s32 $0x100;
	s19 =	simm.s32 $0x9000;
	s20 =	simm.s32 $0x3  }
0x5: {  	s21 =	simm.s32 $0x5;
	s22 =	simm.s32 $0x180;
	s23 =	simm.s32 $0x4  }
0x6: {  	s24 =	simm.s32 $0x6;
	s25 =	simm.s32 $0x200;
	s26 =	simm.s32 $0x7  }
0x7: {  	s28 =	simm.s32 $0x0;
	s6 =	sand.u32 $0x1, s1;
	[smem:$0x7FF] =	sst s2  }
0x8: {  	s1 =	stileid.u32;
	s10 =	sadd.s32 $0x4FF000, s4;
	s3 =	sshll.u32 s6, $0x4  }
0x9: {  	_ =	strace $0x80000050;
	s9 =	ssub.s32 $0x2, s6;
	s12 =	smul.u32 $0x271000, s6  }
0xa: {  	s31 =	smul.u32 $0x27100, s1;
	s5 =	sor.u32 s1, s3;
	s3 =	sadd.s32 $0x9E2A00, s4  }
0xb: {  	s30 =	sshrl.u32 s9, $0x1;
	s7 =	sshll.u32 s5, $0xB;
	s8 =	smul.u32 $0x138800, s5  }
0xc: {  	s9 =	ssub.s32 s9, s30;
	s11 =	smul.u32 $0x27100, s5;
	s7 =	sadd.s32 s7, s4  }
0xd: {  	s12 =	sadd.s32 s12, s10;
	s8 =	sshrl.u32 s8, $0x3;
	s4 =	sadd.s32 $0xA30C00, s7  }
0xe: {  	s7 =	sadd.s32 s10, s11;
	s11 =	sadd.s32 s31, s12;
	s8 =	sadd.s32 s10, s8  }
0xf: {  	s12 =	simm.s32 $0x1;
	s10 =	sadd.s32 $0xA00, s7;
	s5 =	sadd.s32 $0x26700, s8  }
0x10: {  	s6 =	sadd.s32 $0x26C00, s8;
	s8 =	smax.u32 s9, $0x1;
	s9 =	sadd.s32 $0x500, s7  }
.LBB2_1:
0x11: {  	[tilespmem:s2], [sflag:$0x1] =	stream.linear.gather [hbm4b:s4+s2], $0x3E80, $0x38;
	[tilespmem:$0xB800] =	vst v63  }
0x12: {  	_ =	swait.ge [sflag:s12], $0x3E80  }
0x13: {  	[sflag:s12] =	ssyncset.done $0x0  }
0x14: {  	[sflag:s12] =	ssyncadd.s32 $0xFFFFC180  }
0x15: {  	[tilespmem:s14], [sflag:$0x2] =	stream.indirect.gather [hbm4b:s3+s13], $0x80, s2, s13, $0xb8;
	[tilespmem:$0xB800] =	vst v63  }
0x16: {  	_ = 	snop  }
0x17: {  	[tilespmem:s16], [sflag:$0x3] =	stream.indirect.gather [hbm4b:s3+s13], $0x80, s15, s13, $0xb8;
	[tilespmem:$0xB800] =	vst v63  }
0x18: {  	_ =	swait.ge [sflag:s17], $0x2800  }
0x19: {  	[sflag:s17] =	ssyncset.done $0x0  }
0x1a: {  	[sflag:s17] =	ssyncadd.s32 $0xFFFFD800  }
0x1b: {  	[hbm4b:s7+s2] =	stream.linear.scatter [tilespmem:s14], [sflag:$0x5], $0x2800, $0x38;
	[tilespmem:$0xB800] =	vst v63  }
0x1c: {  	_ = 	snop  }
0x1d: {  	[tilespmem:s19], [sflag:$0x4] =	stream.indirect.gather [hbm4b:s3+s13], $0x80, s18, s13, $0xb8;
	[tilespmem:$0xB800] =	vst v63  }
0x1e: {  	_ =	swait.ge [sflag:s20], $0x2800  }
0x1f: {  	[sflag:s20] =	ssyncset.done $0x0  }
0x20: {  	[sflag:s20] =	ssyncadd.s32 $0xFFFFD800  }
0x21: {  	[hbm4b:s9+s2] =	stream.linear.scatter [tilespmem:s16], [sflag:$0x6], $0x2800, $0x38;
	[tilespmem:$0xB800] =	vst v63  }
0x22: {  	_ =	swait.ge [sflag:s21], $0x2800  }
0x23: {  	[sflag:s21] =	ssyncset.done $0x0  }
0x24: {  	[sflag:s21] =	ssyncadd.s32 $0xFFFFD800  }
0x25: {  	[tilespmem:s14], [sflag:$0x2] =	stream.indirect.gather [hbm4b:s3+s13], $0x80, s22, s13, $0xb8;
	[tilespmem:$0xB800] =	vst v63  }
0x26: {  	_ =	swait.ge [sflag:s23], $0x2800  }
0x27: {  	[sflag:s23] =	ssyncset.done $0x0  }
0x28: {  	[sflag:s23] =	ssyncadd.s32 $0xFFFFD800  }
0x29: {  	[hbm4b:s10+s2] =	stream.linear.scatter [tilespmem:s19], [sflag:$0x7], $0x2800, $0x38;
	[tilespmem:$0xB800] =	vst v63  }
0x2a: {  	_ =	swait.ge [sflag:s24], $0x2800  }
0x2b: {  	[sflag:s24] =	ssyncset.done $0x0  }
0x2c: {  	[sflag:s24] =	ssyncadd.s32 $0xFFFFD800  }
0x2d: {  	[tilespmem:s16], [sflag:$0x3] =	stream.indirect.gather [hbm4b:s3+s13], $0x80, s25, s13, $0xb8;
	[tilespmem:$0xB800] =	vst v63  }
0x2e: {  	_ =	swait.ge [sflag:s17], $0x2800  }
0x2f: {  	s29 =	sadd.s32 $0x0, s11;
	[sflag:s17] =	ssyncset.done $0x0  }
0x30: {  	s30 =	sadd.s32 $0xF00, s29;
	[sflag:s17] =	ssyncadd.s32 $0xFFFFD800  }
0x31: {  	[hbm4b:s30+s2] =	stream.linear.scatter [tilespmem:s14], [sflag:$0x5], $0x2800, $0x38;
	[tilespmem:$0xB800] =	vst v63  }
0x32: {  	_ =	swait.ge [sflag:s26], $0x2800  }
0x33: {  	[sflag:s26] =	ssyncset.done $0x0  }
0x34: {  	s30 =	simm.s32 $0x280;
	[sflag:s26] =	ssyncadd.s32 $0xFFFFD800  }
0x35: {  	[tilespmem:s19], [sflag:$0x4] =	stream.indirect.gather [hbm4b:s3+s13], $0x80, s30, s13, $0xb8;
	[tilespmem:$0xB800] =	vst v63  }
0x36: {  	_ =	swait.ge [sflag:s20], $0x2800  }
0x37: {  	[sflag:s20] =	ssyncset.done $0x0  }
0x38: {  	s30 =	sadd.s32 $0x1400, s29;
	[sflag:s20] =	ssyncadd.s32 $0xFFFFD800  }
0x39: {  	[hbm4b:s30+s2] =	stream.linear.scatter [tilespmem:s16], [sflag:$0x6], $0x2800, $0x38;
	[tilespmem:$0xB800] =	vst v63  }
0x3a: {  	_ =	swait.ge [sflag:s21], $0x2800  }
0x3b: {  	[sflag:s21] =	ssyncset.done $0x0  }
0x3c: {  	s30 =	simm.s32 $0x300;
	[sflag:s21] =	ssyncadd.s32 $0xFFFFD800  }
0x3d: {  	[tilespmem:s14], [sflag:$0x2] =	stream.indirect.gather [hbm4b:s3+s13], $0x80, s30, s13, $0xb8;
	[tilespmem:$0xB800] =	vst v63  }
0x3e: {  	_ =	swait.ge [sflag:s23], $0x2800  }
0x3f: {  	[sflag:s23] =	ssyncset.done $0x0  }
0x40: {  	s29 =	sadd.s32 $0x1900, s29;
	[sflag:s23] =	ssyncadd.s32 $0xFFFFD800  }
0x41: {  	[hbm4b:s29+s2] =	stream.linear.scatter [tilespmem:s19], [sflag:$0x7], $0x2800, $0x38;
	[tilespmem:$0xB800] =	vst v63  }
0x42: {  	_ =	swait.ge [sflag:s24], $0x2800  }
0x43: {  	s31 =	simm.s32 $0x380;
	[sflag:s24] =	ssyncset.done $0x0  }
0x44: {  	s30 =	simm.s32 $0x400;
	s29 =	simm.s32 $0xF00;
	[sflag:s24] =	ssyncadd.s32 $0xFFFFD800  }
.LBB2_2:
0x45: {  	[tilespmem:s16], [sflag:$0x3] =	stream.indirect.gather [hbm4b:s3+s13], $0x80, s31, s13, $0xb8;
	[tilespmem:$0xB800] =	vst v63  }
0x46: {  	s31 =	smov.u32 s29  }
0x47: {  	p0 =	sne.s32 s29, $0x24900;
	s29 =	sadd.s32 $0xF00, s29;
	_ =	swait.ge [sflag:s17], $0x2800  }
0x48: {  	s31 =	sadd.s32 s31, s11;
	[sflag:s17] =	ssyncset.done $0x0  }
0x49: {  	s0 =	sadd.s32 $0xF00, s31;
	[sflag:s17] =	ssyncadd.s32 $0xFFFFD800  }
0x4a: {  	[hbm4b:s0+s2] =	stream.linear.scatter [tilespmem:s14], [sflag:$0x5], $0x2800, $0x38;
	[tilespmem:$0xB800] =	vst v63  }
0x4b: {  	_ =	swait.ge [sflag:s26], $0x2800  }
0x4c: {  	[sflag:s26] =	ssyncset.done $0x0  }
0x4d: {  	[sflag:s26] =	ssyncadd.s32 $0xFFFFD800  }
0x4e: {  	[tilespmem:s19], [sflag:$0x4] =	stream.indirect.gather [hbm4b:s3+s13], $0x80, s30, s13, $0xb8;
	[tilespmem:$0xB800] =	vst v63  }
0x4f: {  	_ =	swait.ge [sflag:s20], $0x2800  }
0x50: {  	[sflag:s20] =	ssyncset.done $0x0  }
0x51: {  	s0 =	sadd.s32 $0x1400, s31;
	[sflag:s20] =	ssyncadd.s32 $0xFFFFD800  }
0x52: {  	[hbm4b:s0+s2] =	stream.linear.scatter [tilespmem:s16], [sflag:$0x6], $0x2800, $0x38;
	[tilespmem:$0xB800] =	vst v63  }
0x53: {  	_ =	swait.ge [sflag:s21], $0x2800  }
0x54: {  	[sflag:s21] =	ssyncset.done $0x0  }
0x55: {  	s0 =	sadd.s32 $0x80, s30;
	[sflag:s21] =	ssyncadd.s32 $0xFFFFD800  }
0x56: {  	[tilespmem:s14], [sflag:$0x2] =	stream.indirect.gather [hbm4b:s3+s13], $0x80, s0, s13, $0xb8;
	[tilespmem:$0xB800] =	vst v63  }
0x57: {  	_ =	swait.ge [sflag:s23], $0x2800  }
0x58: {  	[sflag:s23] =	ssyncset.done $0x0  }
.Ltmp0:
0x59: {  	s0 =	sadd.s32 $0x1900, s31;
	[sflag:s23] =	ssyncadd.s32 $0xFFFFD800;
	(pc) =	sbr.rel @p0 .LBB2_2-.Ltmp0, $4  }
0x5a: {  	[hbm4b:s0+s2] =	stream.linear.scatter [tilespmem:s19], [sflag:$0x7], $0x2800, $0x38;
	[tilespmem:$0xB800] =	vst v63  }
0x5b: {  	_ =	swait.ge [sflag:s24], $0x2800  }
0x5c: {  	[sflag:s24] =	ssyncset.done $0x0  }
0x5d: {  	s31 =	sadd.s32 $0x100, s30;
	s30 =	sadd.s32 $0x180, s30;
	[sflag:s24] =	ssyncadd.s32 $0xFFFFD800  }
0x5e: {  	[tilespmem:s16], [sflag:$0x3] =	stream.indirect.gather [hbm4b:s3+s13], $0x80, s31, s13, $0xb8;
	[tilespmem:$0xB800] =	vst v63  }
0x5f: {  	_ =	swait.ge [sflag:s17], $0x2800  }
0x60: {  	[sflag:s17] =	ssyncset.done $0x0  }
0x61: {  	[sflag:s17] =	ssyncadd.s32 $0xFFFFD800  }
0x62: {  	[hbm4b:s5+s2] =	stream.linear.scatter [tilespmem:s14], [sflag:$0x5], $0x2800, $0x38;
	[tilespmem:$0xB800] =	vst v63  }
0x63: {  	_ =	swait.ge [sflag:s20], $0x2800  }
0x64: {  	[sflag:s20] =	ssyncset.done $0x0  }
0x65: {  	[sflag:s20] =	ssyncadd.s32 $0xFFFFD800  }
0x66: {  	[hbm4b:s6+s2] =	stream.linear.scatter [tilespmem:s16], [sflag:$0x6], $0x2800, $0x38;
	[tilespmem:$0xB800] =	vst v63  }
0x67: {  	_ =	swait.ge [sflag:s26], $0x2800  }
0x68: {  	[sflag:s26] =	ssyncset.done $0x0  }
0x69: {  	s28 =	sadd.s32 $0x1, s28;
	[sflag:s26] =	ssyncadd.s32 $0xFFFFD800  }
0x6a: {  	p0 =	sne.s32 s28, s8;
	_ =	swait.ge [sflag:s21], $0x2800  }
.Ltmp1:
0x6b: {  	[sflag:s21] =	ssyncset.done $0x0;
	(pc) =	sbr.rel @p0 .LBB2_1-.Ltmp1, $4  }
0x6c: {  	[sflag:s21] =	ssyncadd.s32 $0xFFFFD800  }
0x6d: {  	_ =	swait.ge [sflag:s24], $0x2800  }
0x6e: {  	[sflag:s24] =	ssyncset.done $0x0  }
0x6f: {  	[sflag:s24] =	ssyncadd.s32 $0xFFFFD800  }
0x70: {  	_ =	sfence.sel $0x180000  }
0x71: {  	[bflag:$0x0] =	sbarrier.arrive $0xFFFF  }
0x72: {  	_ =	strace $0x90000050  }
0x73: {  	[bflag:$0x2] =	sbarrier.arrive $0xFFFF  }
0x74: {  	p0 =	sne.s32 s1, $0x0;
	s0 =	rddreg [dreg:$0x1]  }
0x75: {  	s0 =	sadd.s32 @!p0 $0x100000, s0  }
0x76: {  	[sflag:s0] =	ssyncadd.tile.s32 @!p0 $0x1;
	_ =	shalt  }
.Lfunc_end2:
_tile_overlayer_lowered:
.L_overlay_start_2:
0x77: {  	(tag) =	ssettag $0x2  }
0x78: {  	s0 =	rddreg [dreg:$0x0];
	s2 =	stileid.u32  }
0x79: {  	s1 =	rddreg [dreg:$0x1];
	p0 =	sne.s32 s2, $0x0  }
0x7a: {  	s3 =	rddreg [dreg:$0x2];
	[bflag:$0x3] =	sbarrier.arrive $0xFFFF;
	s2 =	simm.s32 @!p0 $0x1C08  }
0x7b: {  	[timem:s3], [sflag:s2] =	dma.local @!p0 [hbm:s0], s1  }
0x7c: {  	s0 =	simm.s32 @!p0 $0x8  }
0x7d: {  	_ =	swait.ge @!p0 [sflag:s0], s1  }
0x7e: {  	s1 =	ssub.s32 @!p0 $0x0, s1;
	[sflag:s0] =	ssyncset.done @!p0 $0x0  }
0x7f: {  	[sflag:s0] =	ssyncadd.s32 @!p0 s1  }
0x80: {  	[bflag:$0x3] =	sbarrier.arrive $0xFFFF  }
0x81: {  	_ =	shalt  }

// kernel: _run.26.cloned.1.call-start
scs
__scs_entry_jumppad:
0x0: {  	(pc) =	sbr.rel $0x88, $3  }
0x1: {  	(tag) =	ssettag $0x0;
	lr =	simm.s32 $0x1  }
0x2: {  	[smem:$0x3F98] =	sst lr;
	_ =	strace $0xD0000000  }
0x3: {  	_ = 	snop  }
0x4: {  	_ = 	snop  }
0x5: {  	_ = 	snop  }
0x6: {  	_ = 	snop  }
0x7: {  	_ = 	snop  }
__scs_overlays_trampoline_lowered:
0x8: {  	[smem:$0x3FA7] =	sst s0  }
0x9: {  	[smem:$0x3FA8] =	sst s1  }
0xa: {  	[smem:$0x3FA9] =	sst s2  }
0xb: {  	[smem:$0x3FAA] =	sst s3  }
0xc: {  	[smem:$0x3FAB] =	sst s4  }
0xd: {  	[smem:$0x3FAC] =	sst s5  }
0xe: {  	[smem:$0x3FAD] =	sst s6  }
0xf: {  	[smem:$0x3FAE] =	sst s7  }
0x10: {  	[smem:$0x3FAF] =	sst s8  }
0x11: {  	[smem:$0x3FB0] =	sst s9;
	s0 =	simm.s32 @!p0 $0x0  }
0x12: {  	s1 =	sld [smem:$0x3F96];
	s0 =	simm.s32 @p0 $0x1  }
0x13: {  	[smem:$0x3FB1] =	sst s0;
	s0 =	simm.s32 @!p1 $0x0  }
0x14: {  	s2 =	sld [smem:$0x3F95];
	s0 =	simm.s32 @p1 $0x1  }
0x15: {  	[smem:$0x3FB2] =	sst s0;
	s0 =	simm.s32 @!p2 $0x0  }
0x16: {  	s3 =	sld [smem:$0x3FDB];
	s0 =	simm.s32 @p2 $0x1  }
0x17: {  	s4 =	simm.s32 $0x1BF5;
	[smem:$0x3FB4] =	sst s0  }
0x18: {  	s0 =	sld [smem:$0x3F97];
	_ =	swait.ge [sflag:s4], $0x0  }
0x19: {  	s7 =	sld [smem:$0x3F98]  }
0x1a: {  	s8 =	sadd.s32 $0xFFFFE003, lr  }
0x1b: {  	s9 =	sadd.s32 $0xFFFFFEF7, lr;
	s5 =	simm.s32 $0xFFFFFFFF;
	p2 =	slt.u32 s8, $0xFFFFF086  }
0x1c: {  	p1 =	slt.u32 s9, $0xF7A;
	s5 =	simm.s32 @!p2 $0x0  }
0x1d: {  	s5 =	simm.s32 @p1 $0x1;
	p0 =	seq.s32 s7, s2  }
0x1e: {  	s7 =	smul.u32 @!p0 $0xF7A, s2;
	p2 =	seq.s32 @!p0 s5, $0x0  }
0x1f: {  	s9 =	smul.u32 $0xF7A, s1;
	s8 =	simm.s32 @!p0 $0x1BF5;
	p2 =	por !p2, p0  }
0x20: {  	[sflag:s8] =	ssyncset.s32 @!p0 $0xFFFFF086;
	s6 =	sadd.s32 @!p0 s3, s7;
	s7 =	simm.s32 @!p0 $0x108  }
0x21: {  	s3 =	sadd.s32 s3, s9;
	s6 =	sadd.s32 @!p0 $0x88, s6;
	s7 =	simm.s32 @p2 $0x1082  }
0x22: {  	[simem:s7], [sflag:s8] =	dma.local @!p0 [hbm:s6], $0xF7A  }
0x23: {  	s9 =	sor.u32 $0xD0000000, s2;
	s6 =	simm.s32 $0x108;
	_ =	swait.ge @!p0 [sflag:s8], $0x0  }
0x24: {  	s3 =	sadd.s32 $0x88, s3;
	s6 =	simm.s32 @!p1 $0x1082;
	[sflag:s4] =	ssyncset.s32 $0xFFFFF086  }
0x25: {  	[simem:s6], [sflag:s4] =	dma.local [hbm:s3], $0xF7A  }
0x26: {  	[smem:$0x3F98] =	sst s1;
	(tag) =	ssettag s2;
	_ =	strace s9  }
0x27: {  	s1 =	sld [smem:$0x3FA8]  }
0x28: {  	s2 =	sld [smem:$0x3FA9]  }
0x29: {  	s4 =	sld [smem:$0x3FAB]  }
0x2a: {  	p0 =	seq.s32 s5, $0x0;
	s5 =	sld [smem:$0x3FAC]  }
0x2b: {  	s6 =	sld [smem:$0x3FAD]  }
0x2c: {  	s7 =	sld [smem:$0x3FAE]  }
0x2d: {  	s3 =	simm.s32 $0x108;
	s8 =	sld [smem:$0x3FAF]  }
0x2e: {  	s3 =	simm.s32 @!p0 $0x1082;
	s9 =	sld [smem:$0x3FB0]  }
0x2f: {  	lr =	sadd.s32 s0, s3;
	s0 =	sld [smem:$0x3FA7]  }
0x30: {  	s3 =	sld [smem:$0x3FAA]  }
0x31: {  	[smem:$0x3FB3] =	sst s10  }
0x32: {  	s10 =	sld [smem:$0x3FB1];
	_ =	sdelay $0x3  }
0x33: {  	p0 =	seq.s32 s10, $0x1;
	s10 =	sld [smem:$0x3FB3];
	_ =	sdelay $0x3  }
0x34: {  	[smem:$0x3FB3] =	sst s10  }
0x35: {  	s10 =	sld [smem:$0x3FB2];
	_ =	sdelay $0x3  }
0x36: {  	p1 =	seq.s32 s10, $0x1;
	s10 =	sld [smem:$0x3FB3];
	_ =	sdelay $0x3  }
0x37: {  	[smem:$0x3FB3] =	sst s10  }
0x38: {  	s10 =	sld [smem:$0x3FB4]  }
0x39: {  	_ = 	snop;
	(pc) =	sbr.ind lr, $3  }
0x3a: {  	_ = 	snop  }
0x3b: {  	_ = 	snop  }
0x3c: {  	p2 =	seq.s32 s10, $0x1;
	s10 =	sld [smem:$0x3FB3]  }
0x3d: {  	_ =	shalt  }
0x3e: {  	_ =	shalt  }
0x3f: {  	_ =	shalt  }
0x40: {  	_ =	shalt  }
0x41: {  	_ =	shalt  }
0x42: {  	_ =	shalt  }
0x43: {  	_ =	shalt  }
0x44: {  	_ =	shalt  }
0x45: {  	_ =	shalt  }
0x46: {  	_ =	shalt  }
0x47: {  	_ =	shalt  }
0x48: {  	_ =	shalt  }
0x49: {  	_ =	shalt  }
0x4a: {  	_ =	shalt  }
0x4b: {  	_ =	shalt  }
0x4c: {  	_ =	shalt  }
0x4d: {  	_ =	shalt  }
0x4e: {  	_ =	shalt  }
0x4f: {  	_ =	shalt  }
0x50: {  	_ =	shalt  }
0x51: {  	_ =	shalt  }
0x52: {  	_ =	shalt  }
0x53: {  	_ =	shalt  }
0x54: {  	_ =	shalt  }
0x55: {  	_ =	shalt  }
0x56: {  	_ =	shalt  }
0x57: {  	_ =	shalt  }
0x58: {  	_ =	shalt  }
0x59: {  	_ =	shalt  }
0x5a: {  	_ =	shalt  }
0x5b: {  	_ =	shalt  }
0x5c: {  	_ =	shalt  }
0x5d: {  	_ =	shalt  }
0x5e: {  	_ =	shalt  }
0x5f: {  	_ =	shalt  }
0x60: {  	_ =	shalt  }
0x61: {  	_ =	shalt  }
0x62: {  	_ =	shalt  }
0x63: {  	_ =	shalt  }
0x64: {  	_ =	shalt  }
0x65: {  	_ =	shalt  }
0x66: {  	_ =	shalt  }
0x67: {  	_ =	shalt  }
0x68: {  	_ =	shalt  }
0x69: {  	_ =	shalt  }
0x6a: {  	_ =	shalt  }
0x6b: {  	_ =	shalt  }
0x6c: {  	_ =	shalt  }
0x6d: {  	_ =	shalt  }
0x6e: {  	_ =	shalt  }
0x6f: {  	_ =	shalt  }
0x70: {  	_ =	shalt  }
0x71: {  	_ =	shalt  }
0x72: {  	_ =	shalt  }
0x73: {  	_ =	shalt  }
0x74: {  	_ =	shalt  }
0x75: {  	_ =	shalt  }
0x76: {  	_ =	shalt  }
0x77: {  	_ =	shalt  }
0x78: {  	_ =	shalt  }
0x79: {  	_ =	shalt  }
0x7a: {  	_ =	shalt  }
0x7b: {  	_ =	shalt  }
0x7c: {  	_ =	shalt  }
0x7d: {  	_ =	shalt  }
0x7e: {  	_ =	shalt  }
0x7f: {  	_ =	shalt  }
0x80: {  	_ =	shalt  }
0x81: {  	_ =	shalt  }
0x82: {  	_ =	shalt  }
0x83: {  	_ =	shalt  }
0x84: {  	_ =	shalt  }
0x85: {  	_ =	shalt  }
0x86: {  	_ =	shalt  }
0x87: {  	_ =	shalt  }
.Lfunc_end0:
.L_simem_size_0:
called_computation.4_lowered:
.L_overlay_start_0:
0x88: {  	s2 =	sld [smem:$0x3FD9]  }
0x89: {  	s3 =	sld [smem:$0x3FFE];
	_ =	sdelay $0x1  }
0x8a: {  	s1 =	srdreg.scid  }
0x8b: {  	s0 =	sand.u32 $0x1, s1  }
0x8c: {  	s16 =	sshll.u32 s0, $0xA;
	s2 =	sadd.s32 s3, s2  }
0x8d: {  	s2 =	sadd.s32 s2, s16  }
0x8e: {  	[smem:$0x3FBF] =	sst s2  }
0x8f: {  	_ = 	snop  }
0x90: {  	(tm) =	ssettm $0x1  }
0x91: {  	s17 =	sld [smem:$0x3FFB];
	_ =	sdelay $0x3  }
0x92: {  	_ =	strace s17  }
0x93: {  	s2 =	sld [smem:$0x3FFC];
	_ =	sdelay $0x3  }
0x94: {  	_ =	strace s2  }
0x95: {  	s2 =	sld [smem:$0x3FFD];
	_ =	sdelay $0x3  }
0x96: {  	_ =	strace s2  }
0x97: {  	_ =	strace $0x8FFFFFFF  }
0x98: {  	s18 =	sld [smem:$0x3FDB];
	_ =	sdelay $0x1  }
0x99: {  	s19 =	simm.s32 $_scs_section_size  }
0x9a: {  	s4 =	simm.s32 $_size__tile_overlayer_lowered;
	s5 =	simm.s32 $_tile_overlayer_lowered  }
0x9b: {  	s22 =	simm.s32 $0x1BFF;
	s21 =	sshll.u32 s5, $0x1;
	s2 =	sadd.s32 s19, s18  }
0x9c: {  	s6 =	simm.s32 $0x0;
	s20 =	sshll.u32 s4, $0x1;
	s4 =	sadd.s32 s21, s2  }
0x9d: {  	[timem:s6], [sflag:s22] =	dma.local [hbm:s4], s20  }
0x9e: {  	_ =	swait.ge [sflag:s22], s20  }
0x9f: {  	s3 =	ssub.s32 $0x0, s20;
	[sflag:s22] =	ssyncset.done $0x0  }
0xa0: {  	[sflag:s22] =	ssyncadd.s32 s3;
	_ =	sdelay $0x1  }
0xa1: {  	s23 =	simm.s32 $0x1B8B  }
0xa2: {  	_ =	swait.ge [sflag:s23], $0x1  }
0xa3: {  	[sflag:s23] =	ssyncset.done $0x0  }
0xa4: {  	s25 =	simm.s32 $0x1B8E;
	s24 =	sld [smem:$0x3FFE];
	[sflag:s23] =	ssyncadd.s32 $0xFFFFFFFF  }
0xa5: {  	s26 =	simm.s32 $execute0_lowered;
	[smem:$0x3FD2] =	sst s25  }
0xa6: {  	s4 =	sshll.u32 s26, $0x1;
	_ =	strace $0x80000052;
	[dreg:$0x1] =	wrdreg $0xFFFFFFFF  }
0xa7: {  	s28 =	simm.s32 $_size_execute0_lowered;
	s2 =	sadd.s32 s2, s4;
	[dreg:$0x0] =	wrdreg $0x0  }
0xa8: {  	s4 =	sshll.u32 s28, $0x1;
	[dreg:$0x2] =	wrdreg s2  }
0xa9: {  	[dreg:$0x3] =	wrdreg s4  }
0xaa: {  	[dreg:$0x4] =	wrdreg $0xC0  }
0xab: {  	_ =	task [dreg:s6], $0x5FFFF  }
0xac: {  	[dreg:$0x1] =	wrdreg $0xFFFFFFFF  }
0xad: {  	[dreg:$0x0] =	wrdreg $0x60  }
0xae: {  	[dreg:$0x2] =	wrdreg s24  }
0xaf: {  	[dreg:$0x3] =	wrdreg $0x0  }
0xb0: {  	[dreg:$0x4] =	wrdreg $0x9  }
0xb1: {  	_ =	task.clear_ibuf [dreg:s6], $0x5FFFF;
	_ =	strace $0x90000052  }
0xb2: {  	s29 =	simm.s32 $0x9;
	_ =	strace $0x80000054  }
0xb3: {  	_ =	swait.ge [sflag:s29], $0x1  }
0xb4: {  	[sflag:s29] =	ssyncadd.s32 $0xFFFFFFFF  }
0xb5: {  	_ =	strace $0x90000054  }
0xb6: {  	_ =	sfence  }
0xb7: {  	s30 =	sld [smem:$0x0];
	_ =	sdelay $0x2  }
0xb8: {  	s31 =	sshll.u32 s1, $0xD;
	s1 =	sshrl.u32 s1, $0x2  }
0xb9: {  	s3 =	sand.u32 $0x4000, s31;
	s1 =	sadd.s32 s1, s30  }
0xba: {  	s0 =	sor.u32 s3, s0;
	s1 =	sshll.u32 s1, $0x11  }
0xbb: {  	s0 =	sor.u32 s1, s0  }
0xbc: {  	s0 =	sadd.s32 $0x8F2B, s0  }
0xbd: {  	[sflag:s0] =	ssyncadd.remote.s32 $0x1  }
0xbe: {  	_ =	sfence.sel $0xFFFF  }
0xbf: {  	[dreg:$0x0] =	wrdreg $0xFFFFFFFF;
	(pc) =	sbr.abs _section_cstart, $3  }
0xc0: {  	[dreg:$0x1] =	wrdreg $0xFFFFFFFF  }
0xc1: {  	_ =	task.clear_ibuf [dreg:s6], $0x2FFFF;
	_ =	strace $0x9FFFFFFF  }
0xc2: {  	(tm) =	ssettm $0x7FFFFFFF  }
0xc3: {  	_ =	shalt  }
tec
execute0_lowered:
.L_overlay_start_1:
0x0: {  	(tag) =	ssettag $0x1  }
0x1: {  	s0 =	srdreg.scid;
	s5 =	rddreg [dreg:$0x0]  }
0x2: {  	s2 =	rddreg [dreg:$0x1];
	s1 =	stileid.u32  }
0x3: {  	s3 =	simm.s32 $0x0;
	s19 =	simm.s32 $0x17880;
	s10 =	smul.u32 $0x32000, s1  }
0x4: {  	s9 =	sand.u32 $0x1, s0;
	[smem:$0x7FF] =	sst s3;
	s17 =	smul.u32 $0xC800, s1  }
0x5: {  	s11 =	sadd.s32 $0x9E2A00, s5;
	s12 =	sor.u32 $0x10, s1;
	s29 =	smul.u32 $0x27100, s1  }
0x6: {  	s15 =	sadd.s32 $0x4FF000, s5;
	s22 =	sshll.u32 s1, $0x6;
	s14 =	smul.u32 $0x32000, s12  }
0x7: {  	p0 =	sgt.u32 s1, $0x8;
	s4 =	sshll.u32 s9, $0x4;
	s23 =	smul.u32 $0x138800, s9  }
0x8: {  	_ =	strace $0x80000053;
	s8 =	ssub.s32 $0x2, s9;
	s12 =	smul.u32 $0xC800, s12  }
0x9: {  	s26 =	smul.u32 $0x271000, s9;
	s6 =	sor.u32 s1, s4;
	s13 =	sshrl.u32 s8, $0x1  }
0xa: {  	s21 =	sshrl.u32 s10, $0x2;
	s4 =	sshll.u32 s6, $0xB;
	s20 =	smul.u32 $0x27100, s6  }
0xb: {  	s13 =	ssub.s32 s8, s13;
	s6 =	smul.u32 $0x138800, s6;
	s16 =	sadd.s32 s21, s2  }
0xc: {  	s14 =	sshrl.u32 s14, $0x2;
	s25 =	sadd.s32 s17, s23;
	s10 =	sadd.s32 s23, s12  }
0xd: {  	s30 =	sadd.s32 s26, s11;
	s17 =	simm.s32 $0x13880;
	s21 =	simm.s32 $0x50  }
0xe: {  	s23 =	simm.s32 $0x17580;
	s26 =	simm.s32 $0x0;
	s7 =	sadd.s32 s4, s5  }
0xf: {  	s4 =	sadd.s32 $0x9E1000, s5;
	s5 =	sor.u32 $0x1C03, s22;
	s18 =	sadd.s32 s14, s2  }
0x10: {  	s28 =	sshrl.u32 s25, $0x3;
	s10 =	sshrl.u32 s10, $0x3;
	s31 =	sadd.s32 s29, s30  }
0x11: {  	s14 =	sshrl.u32 s16, $0x3;
	s22 =	simm.s32 $0x2;
	s25 =	simm.s32 $0x17680  }
0x12: {  	s6 =	sshrl.u32 s6, $0x3;
	s9 =	sadd.s32 s15, s28;
	s10 =	sadd.s32 s15, s10  }
0x13: {  	s15 =	simm.s32 $0x3;
	s16 =	sshrl.u32 @!p0 s18, $0x3;
	s18 =	simm.s32 $0x1  }
0x14: {  	s24 =	sadd.s32 s11, s6;
	s6 =	sadd.s32 $0x4EF000, s7;
	s7 =	sadd.s32 s11, s20  }
0x15: {  	s11 =	smax.u32 s13, $0x1;
	s13 =	sadd.s32 $0xF00, s31;
	s20 =	simm.s32 $0x1A080  }
0x16: {  	s8 =	sadd.s32 $0x500, s24;
	s12 =	sadd.s32 $0x26C00, s7;
	s24 =	simm.s32 $0x17600  }
.LBB2_1:
0x17: {  	[spmem:s14], [sflag:s5] =	dma.local [hbm:s4], $0x1900  }
0x18: {  	_ =	swait.ge [sflag:s15], $0x1900  }
0x19: {  	[sflag:s15] =	ssyncset.done $0x0  }
0x1a: {  	s28 =	simm.s32 @!p0 $0x3;
	[sflag:s15] =	ssyncadd.s32 $0xFFFFE700  }
0x1b: {  	[spmem:s16], [sflag:s5] =	dma.local @!p0 [hbm:s4], $0x1900  }
0x1c: {  	_ =	swait.ge @!p0 [sflag:s28], $0x1900  }
0x1d: {  	[sflag:s28] =	ssyncset.done @!p0 $0x0  }
0x1e: {  	[sflag:s28] =	ssyncadd.s32 @!p0 $0xFFFFE700  }
0x1f: {  	[tilespmem:s17], [sflag:$0x1] =	stream.linear.gather [hbm4b:s6+s3], $0x3E80, $0x38;
	[tilespmem:$0x1C880] =	vst v63  }
0x20: {  	_ =	swait.ge [sflag:s18], $0x3E80  }
0x21: {  	[sflag:s18] =	ssyncset.done $0x0  }
0x22: {  	[sflag:s18] =	ssyncadd.s32 $0xFFFFC180  }
0x23: {  	[bflag:$0x0] =	sbarrier.arrive $0xFFFF  }
0x24: {  	[tilespmem:s19], [sflag:$0x1] =	stream.linear.gather [hbm4b:s7+s3], $0x2800, $0x38;
	[tilespmem:$0x1C880] =	vst v63  }
0x25: {  	_ = 	snop  }
0x26: {  	[tilespmem:s20], [sflag:$0x2] =	stream.linear.gather [hbm4b:s8+s3], $0x2800, $0x38;
	[tilespmem:$0x1C880] =	vst v63  }
0x27: {  	_ =	swait.ge [sflag:s18], $0x2800  }
0x28: {  	[sflag:s18] =	ssyncset.done $0x0  }
0x29: {  	s28 =	simm.s32 $0x13880;
	[sflag:s18] =	ssyncadd.s32 $0xFFFFD800  }
0x2a: {  	[spmem:s2] =	stream.indirect.scatter.add.f32 [tilespmem:s19], [sflag:$0x3], $0x80, s28, s21, $0xb8;
	[tilespmem:$0x1C880] =	vst v63  }
0x2b: {  	_ =	swait.ge [sflag:s15], $0x2800  }
0x2c: {  	[sflag:s15] =	ssyncset.done $0x0  }
0x2d: {  	s28 =	sadd.s32 $0xFFFFFB00, s13;
	[sflag:s15] =	ssyncadd.s32 $0xFFFFD800  }
0x2e: {  	[tilespmem:s19], [sflag:$0x1] =	stream.linear.gather [hbm4b:s28+s3], $0x2800, $0x38;
	[tilespmem:$0x1C880] =	vst v63  }
0x2f: {  	_ =	swait.ge [sflag:s22], $0x2800  }
0x30: {  	[sflag:s22] =	ssyncset.done $0x0  }
0x31: {  	s28 =	simm.s32 $0x13900;
	[sflag:s22] =	ssyncadd.s32 $0xFFFFD800  }
0x32: {  	[spmem:s2] =	stream.indirect.scatter.add.f32 [tilespmem:s20], [sflag:$0x3], $0x80, s28, s21, $0xb8;
	[tilespmem:$0x1C880] =	vst v63  }
0x33: {  	_ =	swait.ge [sflag:s15], $0x2800  }
0x34: {  	s29 =	sadd.s32 $0xA00, s13;
	[sflag:s15] =	ssyncset.done $0x0  }
0x35: {  	s30 =	smov.u32 s13;
	s28 =	simm.s32 $0x400;
	[sflag:s15] =	ssyncadd.s32 $0xFFFFD800  }
.LBB2_2:
0x36: {  	[tilespmem:s20], [sflag:$0x2] =	stream.linear.gather [hbm4b:s30+s3], $0x2800, $0x38;
	[tilespmem:$0x1C880] =	vst v63  }
0x37: {  	s31 =	smov.u32 s28;
	s30 =	smov.u32 s29  }
0x38: {  	p1 =	sne.s32 s28, $0xF000;
	s28 =	sadd.s32 $0x400, s28;
	_ =	swait.ge [sflag:s18], $0x2800  }
0x39: {  	s31 =	sshra.s32 s31, $0x2;
	[sflag:s18] =	ssyncset.done $0x0  }
0x3a: {  	s0 =	sadd.s32 $0x13880, s31;
	[sflag:s18] =	ssyncadd.s32 $0xFFFFD800  }
0x3b: {  	[spmem:s2] =	stream.indirect.scatter.add.f32 [tilespmem:s19], [sflag:$0x3], $0x80, s0, s21, $0xb8;
	[tilespmem:$0x1C880] =	vst v63  }
0x3c: {  	_ =	swait.ge [sflag:s15], $0x2800  }
0x3d: {  	[sflag:s15] =	ssyncset.done $0x0  }
0x3e: {  	s0 =	sadd.s32 $0xFFFFFB00, s29;
	[sflag:s15] =	ssyncadd.s32 $0xFFFFD800  }
0x3f: {  	[tilespmem:s19], [sflag:$0x1] =	stream.linear.gather [hbm4b:s0+s3], $0x2800, $0x38;
	[tilespmem:$0x1C880] =	vst v63  }
0x40: {  	_ =	swait.ge [sflag:s22], $0x2800  }
0x41: {  	[sflag:s22] =	ssyncset.done $0x0  }
.Ltmp0:
0x42: {  	s0 =	sadd.s32 $0x13900, s31;
	[sflag:s22] =	ssyncadd.s32 $0xFFFFD800;
	(pc) =	sbr.rel @p1 .LBB2_2-.Ltmp0, $4  }
0x43: {  	[spmem:s2] =	stream.indirect.scatter.add.f32 [tilespmem:s20], [sflag:$0x3], $0x80, s0, s21, $0xb8;
	[tilespmem:$0x1C880] =	vst v63  }
0x44: {  	_ =	swait.ge [sflag:s15], $0x2800  }
0x45: {  	[sflag:s15] =	ssyncset.done $0x0  }
0x46: {  	s29 =	sadd.s32 $0xA00, s29;
	[sflag:s15] =	ssyncadd.s32 $0xFFFFD800  }
0x47: {  	[tilespmem:s20], [sflag:$0x2] =	stream.linear.gather [hbm4b:s30+s3], $0x2800, $0x38;
	[tilespmem:$0x1C880] =	vst v63  }
0x48: {  	_ =	swait.ge [sflag:s18], $0x2800  }
0x49: {  	[sflag:s18] =	ssyncset.done $0x0  }
0x4a: {  	[sflag:s18] =	ssyncadd.s32 $0xFFFFD800  }
0x4b: {  	[spmem:s2] =	stream.indirect.scatter.add.f32 [tilespmem:s19], [sflag:$0x3], $0x80, s23, s21, $0xb8;
	[tilespmem:$0x1C880] =	vst v63  }
0x4c: {  	_ =	swait.ge [sflag:s15], $0x2800  }
0x4d: {  	[sflag:s15] =	ssyncset.done $0x0  }
0x4e: {  	[sflag:s15] =	ssyncadd.s32 $0xFFFFD800  }
0x4f: {  	[tilespmem:s19], [sflag:$0x1] =	stream.linear.gather [hbm4b:s12+s3], $0x2800, $0x38;
	[tilespmem:$0x1C880] =	vst v63  }
0x50: {  	_ =	swait.ge [sflag:s22], $0x2800  }
0x51: {  	[sflag:s22] =	ssyncset.done $0x0  }
0x52: {  	[sflag:s22] =	ssyncadd.s32 $0xFFFFD800  }
0x53: {  	[spmem:s2] =	stream.indirect.scatter.add.f32 [tilespmem:s20], [sflag:$0x3], $0x80, s24, s21, $0xb8;
	[tilespmem:$0x1C880] =	vst v63  }
0x54: {  	_ =	swait.ge [sflag:s15], $0x2800  }
0x55: {  	[sflag:s15] =	ssyncset.done $0x0  }
0x56: {  	[sflag:s15] =	ssyncadd.s32 $0xFFFFD800  }
0x57: {  	_ =	swait.ge [sflag:s18], $0x2800  }
0x58: {  	[sflag:s18] =	ssyncset.done $0x0  }
0x59: {  	[sflag:s18] =	ssyncadd.s32 $0xFFFFD800  }
0x5a: {  	[spmem:s2] =	stream.indirect.scatter.add.f32 [tilespmem:s19], [sflag:$0x3], $0x80, s25, s21, $0xb8;
	[tilespmem:$0x1C880] =	vst v63  }
0x5b: {  	_ =	swait.ge [sflag:s15], $0x2800  }
0x5c: {  	[sflag:s15] =	ssyncset.done $0x0  }
0x5d: {  	[sflag:s15] =	ssyncadd.s32 $0xFFFFD800  }
0x5e: {  	[bflag:$0x0] =	sbarrier.arrive $0xFFFF  }
0x5f: {  	[hbm:s9], [sflag:s5] =	dma.local [spmem:s14], $0x1900  }
0x60: {  	s26 =	sadd.s32 $0x1, s26;
	_ =	swait.ge [sflag:s15], $0x1900  }
0x61: {  	p1 =	sne.s32 s26, s11;
	[sflag:s15] =	ssyncset.done $0x0  }
.Ltmp1:
0x62: {  	s0 =	simm.s32 @!p0 $0x3;
	[sflag:s15] =	ssyncadd.s32 $0xFFFFE700;
	(pc) =	sbr.rel @p1 .LBB2_1-.Ltmp1, $4  }
0x63: {  	[hbm:s10], [sflag:s5] =	dma.local @!p0 [spmem:s16], $0x1900  }
0x64: {  	_ =	swait.ge @!p0 [sflag:s0], $0x1900  }
0x65: {  	[sflag:s0] =	ssyncset.done @!p0 $0x0  }
0x66: {  	[sflag:s0] =	ssyncadd.s32 @!p0 $0xFFFFE700  }
0x67: {  	_ =	sfence.sel $0x180000  }
0x68: {  	[bflag:$0x0] =	sbarrier.arrive $0xFFFF  }
0x69: {  	_ =	strace $0x90000053  }
0x6a: {  	[bflag:$0x2] =	sbarrier.arrive $0xFFFF  }
0x6b: {  	p0 =	sne.s32 s1, $0x0;
	s0 =	rddreg [dreg:$0x2]  }
0x6c: {  	s0 =	sadd.s32 @!p0 $0x100000, s0  }
0x6d: {  	[sflag:s0] =	ssyncadd.tile.s32 @!p0 $0x1;
	_ =	shalt  }
.Lfunc_end2:
_tile_overlayer_lowered:
.L_overlay_start_2:
0x6e: {  	(tag) =	ssettag $0x2  }
0x6f: {  	s0 =	rddreg [dreg:$0x0];
	s2 =	stileid.u32  }
0x70: {  	s1 =	rddreg [dreg:$0x1];
	p0 =	sne.s32 s2, $0x0  }
0x71: {  	s3 =	rddreg [dreg:$0x2];
	[bflag:$0x3] =	sbarrier.arrive $0xFFFF;
	s2 =	simm.s32 @!p0 $0x1C03  }
0x72: {  	[timem:s3], [sflag:s2] =	dma.local @!p0 [hbm:s0], s1  }
0x73: {  	s0 =	simm.s32 @!p0 $0x3  }
0x74: {  	_ =	swait.ge @!p0 [sflag:s0], s1  }
0x75: {  	s1 =	ssub.s32 @!p0 $0x0, s1;
	[sflag:s0] =	ssyncset.done @!p0 $0x0  }
0x76: {  	[sflag:s0] =	ssyncadd.s32 @!p0 s1  }
0x77: {  	[bflag:$0x3] =	sbarrier.arrive $0xFFFF  }
0x78: {  	_ =	shalt  }

</sc_bundles>
